<compile_context>
chip_gen: v7x
topology: tpu7x:2x2x1
jax: 0.10.2.dev20260603
libtpu: 0.0.44.dev20260713+nightly
codegen_flags: <defaults>
</compile_context>

<pallas_src>
import jax
import jax.numpy as jnp
from jax.experimental import pallas as pl
from jax.experimental.pallas import tpu as pltpu
from jax.experimental.pallas import tpu_sc as plsc

NPAD = 10240


def _dott(a, b):
    return jax.lax.dot_general(a, b, (((1,), (1,)), ((), ())),
                               preferred_element_type=jnp.float32)
W = 125
WC = 2000
N_WORKERS = 32


def _counts_sc(node_type, src2, dst2, z1d):
    nw2 = src2.shape[0]
    nw_per = nw2 // N_WORKERS
    rps = 4 * NPAD // 16
    mesh = plsc.VectorSubcoreMesh(core_axis_name="c", subcore_axis_name="s")

    @pl.kernel(
        out_type=jax.ShapeDtypeStruct((2, 4 * NPAD), jnp.float32),
        mesh=mesh,
        scratch_types=(
            [pltpu.VMEM((WC,), jnp.int32)] * 8
            + [
                pltpu.VMEM((WC,), jnp.float32),
                pltpu.VMEM_SHARED((4 * NPAD,), jnp.float32),
                pltpu.SemaphoreType.DMA,
                pltpu.SemaphoreType.DMA,
            ]
        ),
    )
    def k(nt_hbm, src_hbm, dst_hbm, z_hbm, out_hbm,
          src_a, dst_a, t_a, idx_a, src_b, dst_b, t_b, idx_b,
          ones_v, acc, sem_a, sem_b):
        cid = jax.lax.axis_index("c")
        sid = jax.lax.axis_index("s")
        wid = cid * 16 + sid
        pltpu.sync_copy(z_hbm, acc.at[pl.ds(sid * rps, rps)])

        @pl.loop(0, WC, step=16)
        def _(i):
            ones_v.at[pl.ds(i, 16)][...] = jnp.full((16,), 1.0, jnp.float32)

        plsc.subcore_barrier()

        bufs = [(src_a, dst_a, t_a, idx_a, sem_a),
                (src_b, dst_b, t_b, idx_b, sem_b)]
        j0 = wid * nw_per
        pltpu.sync_copy(src_hbm.at[j0], src_a)
        pltpu.sync_copy(dst_hbm.at[j0], dst_a)
        pltpu.async_copy(nt_hbm.at[src_a], t_a, sem_a)
        for w in range(nw_per):
            sv, dv, tv, iv, sm = bufs[w % 2]
            if w + 1 < nw_per:
                nsv, ndv, ntv, _, nsm = bufs[(w + 1) % 2]
                pltpu.sync_copy(src_hbm.at[j0 + w + 1], nsv)
                pltpu.sync_copy(dst_hbm.at[j0 + w + 1], ndv)
                pltpu.async_copy(nt_hbm.at[nsv], ntv, nsm)
            pltpu.make_async_copy(nt_hbm.at[sv], tv, sm).wait()

            @pl.loop(0, WC, step=16)
            def _(i):
                s = pl.ds(i, 16)
                iv.at[s][...] = dv.at[s][...] * 4 + tv.at[s][...]

            pltpu.sync_copy(ones_v, acc.at[iv], add=True)

        plsc.subcore_barrier()
        pltpu.sync_copy(
            acc.at[pl.ds(sid * rps, rps)], out_hbm.at[cid].at[pl.ds(sid * rps, rps)]
        )

    return k(node_type, src2, dst2, z1d)


def _segsum_sc(x, src3, dst3, zeros):
    f = x.shape[1]
    nw = src3.shape[0]
    nw_per = nw // N_WORKERS
    rps = NPAD // 16
    mesh = plsc.VectorSubcoreMesh(core_axis_name="c", subcore_axis_name="s")

    @pl.kernel(
        out_type=jax.ShapeDtypeStruct((2, NPAD, f), jnp.float32),
        mesh=mesh,
        scratch_types=(
            [pltpu.VMEM((1, W), jnp.int32)] * 8
            + [
                pltpu.VMEM((W, f), jnp.float32),
                pltpu.VMEM((W, f), jnp.float32),
                pltpu.VMEM_SHARED((NPAD, f), jnp.float32),
                pltpu.SemaphoreType.DMA,
                pltpu.SemaphoreType.DMA,
                pltpu.SemaphoreType.DMA,
            ]
        ),
    )
    def k(x_hbm, src_hbm, dst_hbm, z_hbm, out_hbm,
          sa0, da0, sb0, db0, sa1, da1, sb1, db1,
          rows0, rows1, acc, sem0, sem1, semi):
        cid = jax.lax.axis_index("c")
        sid = jax.lax.axis_index("s")
        wid = cid * 16 + sid
        j0 = wid * nw_per
        pltpu.sync_copy(z_hbm, acc.at[pl.ds(sid * rps, rps)])
        plsc.subcore_barrier()

        def phase(rows, sem, d_act, s_pre, d_pre, j_new):
            hs = pltpu.async_copy(src_hbm.at[j_new], s_pre, semi)
            hd = pltpu.async_copy(dst_hbm.at[j_new], d_pre, semi)
            pltpu.make_async_copy(x_hbm.at[s_pre.at[0]], rows, sem).wait()
            pltpu.sync_copy(rows, acc.at[d_act.at[0]], add=True)
            hs.wait()
            hd.wait()
            pltpu.async_copy(x_hbm.at[s_pre.at[0]], rows, sem)

        pltpu.sync_copy(src_hbm.at[j0], sa0)
        pltpu.sync_copy(dst_hbm.at[j0], da0)
        pltpu.async_copy(x_hbm.at[sa0.at[0]], rows0, sem0)
        pltpu.sync_copy(src_hbm.at[j0 + 1], sa1)
        pltpu.sync_copy(dst_hbm.at[j0 + 1], da1)
        pltpu.async_copy(x_hbm.at[sa1.at[0]], rows1, sem1)

        @pl.loop(0, nw_per - 4, step=4)
        def _(w):
            j = j0 + w
            phase(rows0, sem0, da0, sb0, db0, j + 2)
            phase(rows1, sem1, da1, sb1, db1, j + 3)
            phase(rows0, sem0, db0, sa0, da0, j + 4)
            phase(rows1, sem1, db1, sa1, da1, j + 5)

        phase(rows0, sem0, da0, sb0, db0, j0 + nw_per - 2)
        phase(rows1, sem1, da1, sb1, db1, j0 + nw_per - 1)
        pltpu.make_async_copy(x_hbm.at[sb0.at[0]], rows0, sem0).wait()
        pltpu.sync_copy(rows0, acc.at[db0.at[0]], add=True)
        pltpu.make_async_copy(x_hbm.at[sb1.at[0]], rows1, sem1).wait()
        pltpu.sync_copy(rows1, acc.at[db1.at[0]], add=True)

        plsc.subcore_barrier()
        pltpu.sync_copy(
            acc.at[pl.ds(sid * rps, rps)], out_hbm.at[cid].at[pl.ds(sid * rps, rps)]
        )

    return k(x, src3, dst3, zeros)


def _layer1_tc(cnt3, nt2, node_table, wl1t, bl1, wr1t, n, d):
    bn = 2000

    def body(c0_ref, c1_ref, nt_ref, tab_ref, wl_ref, bl_ref, wr_ref, o_ref):
        c4 = c0_ref[0] + c1_ref[0]
        deg = jnp.sum(c4, axis=1, keepdims=True)
        inv = 1.0 / jnp.maximum(deg, 1.0)
        io = jax.lax.broadcasted_iota(jnp.int32, (1, 4), 1)
        oh4 = (nt_ref[...] == io).astype(jnp.float32)
        p = _dott(tab_ref[...], wl_ref[...])
        q = _dott(tab_ref[...], wr_ref[...])
        agg = jnp.dot(c4, p, preferred_element_type=jnp.float32) * inv
        self_t = jnp.dot(oh4, q, preferred_element_type=jnp.float32)
        o_ref[...] = jnp.maximum(agg + bl_ref[...] + self_t, 0.0)

    return pl.pallas_call(
        body,
        grid=(n // bn,),
        in_specs=[
            pl.BlockSpec((1, bn, 4), lambda i: (0, i, 0)),
            pl.BlockSpec((1, bn, 4), lambda i: (1, i, 0)),
            pl.BlockSpec((bn, 1), lambda i: (i, 0)),
            pl.BlockSpec((4, d), lambda i: (0, 0)),
            pl.BlockSpec((d, d), lambda i: (0, 0)),
            pl.BlockSpec((1, d), lambda i: (0, 0)),
            pl.BlockSpec((d, d), lambda i: (0, 0)),
        ],
        out_specs=pl.BlockSpec((bn, d), lambda i: (i, 0)),
        out_shape=jax.ShapeDtypeStruct((n, d), jnp.float32),
    )(cnt3, cnt3, nt2, node_table, wl1t, bl1.reshape(1, d), wr1t)


def _layer2_head_tc(agg3, cnt3, x1, wl2t, bl2, wr2t, h1t, hb1, h2t, hb2, n, d, c):
    bn = 2000

    def body(p0_ref, p1_ref, c0_ref, c1_ref, x1_ref, wl_ref, bl_ref, wr_ref,
             h1_ref, hb1_ref, h2_ref, hb2_ref, o_ref):
        c4 = c0_ref[0] + c1_ref[0]
        deg = jnp.sum(c4, axis=1, keepdims=True)
        inv = 1.0 / jnp.maximum(deg, 1.0)
        agg = (p0_ref[0] + p1_ref[0]) * inv
        x1b = x1_ref[...]
        x2 = jnp.maximum(
            _dott(agg, wl_ref[...]) + bl_ref[...] + _dott(x1b, wr_ref[...]),
            0.0,
        )
        h = jnp.maximum(_dott(x2, h1_ref[...]) + hb1_ref[...], 0.0)
        o_ref[...] = _dott(h, h2_ref[...]) + hb2_ref[...]

    return pl.pallas_call(
        body,
        grid=(n // bn,),
        in_specs=[
            pl.BlockSpec((1, bn, d), lambda i: (0, i, 0)),
            pl.BlockSpec((1, bn, d), lambda i: (1, i, 0)),
            pl.BlockSpec((1, bn, 4), lambda i: (0, i, 0)),
            pl.BlockSpec((1, bn, 4), lambda i: (1, i, 0)),
            pl.BlockSpec((bn, d), lambda i: (i, 0)),
            pl.BlockSpec((d, d), lambda i: (0, 0)),
            pl.BlockSpec((1, d), lambda i: (0, 0)),
            pl.BlockSpec((d, d), lambda i: (0, 0)),
            pl.BlockSpec((d, d), lambda i: (0, 0)),
            pl.BlockSpec((1, d), lambda i: (0, 0)),
            pl.BlockSpec((c, d), lambda i: (0, 0)),
            pl.BlockSpec((1, c), lambda i: (0, 0)),
        ],
        out_specs=pl.BlockSpec((bn, c), lambda i: (i, 0)),
        out_shape=jax.ShapeDtypeStruct((n, c), jnp.float32),
    )(agg3, agg3, cnt3, cnt3, x1, wl2t, bl2.reshape(1, d), wr2t, h1t,
      hb1.reshape(1, d), h2t, hb2.reshape(1, c))


def kernel(node_type, edge_type, edge_index, y, node_table, edge_table,
           Wl1, bl1, Wr1, Wl2, bl2, Wr2, H1, hb1, H2, hb2):
    n = node_type.shape[0]
    e = edge_index.shape[1]
    d = node_table.shape[1]
    c = H2.shape[0]
    nw = e // W
    nw2 = e // WC

    src3 = edge_index[0].reshape(nw, 1, W)
    dst3 = edge_index[1].reshape(nw, 1, W)
    src2 = edge_index[0].reshape(nw2, WC)
    dst2 = edge_index[1].reshape(nw2, WC)
    z1d = jnp.zeros((4 * NPAD // 16,), jnp.float32)
    z128 = jnp.zeros((NPAD // 16, d), jnp.float32)

    cnt3 = _counts_sc(node_type, src2, dst2, z1d).reshape(2, NPAD, 4)
    nt2 = node_type.reshape(n, 1)
    x1 = _layer1_tc(cnt3, nt2, node_table, Wl1, bl1, Wr1, n, d)
    agg3 = _segsum_sc(x1, src3, dst3, z128)
    pred = _layer2_head_tc(agg3, cnt3, x1,
                           Wl2, bl2, Wr2, H1, hb1, H2, hb2, n, d, c)
    true_class = y[:, 1].astype(jnp.int32)
    return (pred, true_class, y)

# --- scband reference (transcript-rebuilt; emitter-appended) ---
"""Pipeline reference for scband-graph-head-69784628626298 (READ-ONLY COPY).

The authoritative reference and input builder live on the scoring server;
editing this copy changes nothing except your own understanding.
"""

import jax, jax.numpy as jnp
import numpy as np

N = 10000
E = 320000
D = 128
C = 8


def setup_inputs(seed: int = 0) -> dict:
    key = jax.random.key(seed)
    ks = jax.random.split(key, 20)
    inp = {}
    inp['node_type'] = jax.random.randint(ks[0], (N,), 0, 4, dtype=jnp.int32)
    inp['edge_type'] = jax.random.randint(ks[1], (E,), 0, 4, dtype=jnp.int32)
    inp['edge_index'] = jax.random.randint(ks[2], (2, E), 0, N, dtype=jnp.int32)
    inp['y'] = jax.random.uniform(ks[3], (N, 2), dtype=jnp.float32) * C
    # learned parameters
    inp['node_table'] = jax.random.normal(ks[4], (4, D), dtype=jnp.float32) * 0.02
    inp['edge_table'] = jax.random.normal(ks[5], (4, D), dtype=jnp.float32) * 0.02
    s = 1.0 / np.sqrt(D)
    inp['Wl1'] = jax.random.normal(ks[6], (D, D), dtype=jnp.float32) * s
    inp['bl1'] = jnp.zeros((D,), dtype=jnp.float32)
    inp['Wr1'] = jax.random.normal(ks[7], (D, D), dtype=jnp.float32) * s
    inp['Wl2'] = jax.random.normal(ks[8], (D, D), dtype=jnp.float32) * s
    inp['bl2'] = jnp.zeros((D,), dtype=jnp.float32)
    inp['Wr2'] = jax.random.normal(ks[9], (D, D), dtype=jnp.float32) * s
    inp['H1'] = jax.random.normal(ks[10], (D, D), dtype=jnp.float32) * s
    inp['hb1'] = jnp.zeros((D,), dtype=jnp.float32)
    inp['H2'] = jax.random.normal(ks[11], (C, D), dtype=jnp.float32) * s
    inp['hb2'] = jnp.zeros((C,), dtype=jnp.float32)
    return inp


def _sage_conv(x, src, dst, Wl, bl, Wr):
    # PyG SAGEConv (aggr='mean', root_weight=True): lin_l(mean_agg(x_src -> dst)) + lin_r(x)
    msg = x[src]
    agg_sum = jax.ops.segment_sum(msg, dst, num_segments=N)
    deg = jax.ops.segment_sum(jnp.ones((E,), dtype=x.dtype), dst, num_segments=N)
    agg = agg_sum / jnp.clip(deg, 1.0, None)[:, None]
    return agg @ Wl.T + bl + x @ Wr.T


def reference(node_type, edge_type, edge_index, y, node_table, edge_table,
              Wl1, bl1, Wr1, Wl2, bl2, Wr2, H1, hb1, H2, hb2):
    # node/edge type encoders (embedding lookups)
    x = node_table[node_type]
    xe = edge_table[edge_type]  # computed as in the original forward (unused by SAGE path)
    src = edge_index[0]
    dst = edge_index[1]
    # GNN layers (model='sage', use_bn=False, dropout=0.0, act=relu)
    x = jax.nn.relu(_sage_conv(x, src, dst, Wl1, bl1, Wr1))
    x = jax.nn.relu(_sage_conv(x, src, dst, Wl2, bl2, Wr2))
    # node-level head MLP (num_layers=2): Linear -> relu -> Linear
    h = jax.nn.relu(x @ H1.T + hb1)
    pred = h @ H2.T + hb2
    true_class = y[:, 1].astype(jnp.int32)
    true_label = y
    return (pred, true_class, true_label)

if __name__ == "__main__":
    import jax
    _d = setup_inputs()
    print(jax.jit(kernel)(*tuple(_d.values())))

</pallas_src>

<mosaic_0001>
#map = affine_map<(d0, d1) -> (0, 0)>
#map1 = affine_map<(d0, d1) -> (0, 0, 0)>
module attributes {stable_mosaic.version = 14 : i64} {
  func.func @k(%arg0: i32, %arg1: i32, %arg2: memref<10000x128xf32, #tpu.memory_space<hbm>>, %arg3: memref<2560x1x125xi32, #tpu.memory_space<hbm>>, %arg4: memref<2560x1x125xi32, #tpu.memory_space<hbm>>, %arg5: memref<640x128xf32, #tpu.memory_space<hbm>>, %arg6: memref<2x10240x128xf32, #tpu.memory_space<hbm>>, %arg7: memref<1x125xi32, #tpu.memory_space<vmem>>, %arg8: memref<1x125xi32, #tpu.memory_space<vmem>>, %arg9: memref<1x125xi32, #tpu.memory_space<vmem>>, %arg10: memref<1x125xi32, #tpu.memory_space<vmem>>, %arg11: memref<1x125xi32, #tpu.memory_space<vmem>>, %arg12: memref<1x125xi32, #tpu.memory_space<vmem>>, %arg13: memref<1x125xi32, #tpu.memory_space<vmem>>, %arg14: memref<1x125xi32, #tpu.memory_space<vmem>>, %arg15: memref<125x128xf32, #tpu.memory_space<vmem>>, %arg16: memref<125x128xf32, #tpu.memory_space<vmem>>, %arg17: memref<10240x128xf32, #tpu.memory_space<vmem_shared>>, %arg18: memref<!tpu.dma_semaphore, #tpu.memory_space<semaphore_mem>>, %arg19: memref<!tpu.dma_semaphore, #tpu.memory_space<semaphore_mem>>, %arg20: memref<!tpu.dma_semaphore, #tpu.memory_space<semaphore_mem>>) attributes {dimension_semantics = [#tpu.dimension_semantics<core_parallel>, #tpu.dimension_semantics<subcore_parallel>], iteration_bounds = array<i64: 2, 16>, scalar_prefetch = 0 : i64, scratch_operands = 14 : i64, tpu.core_type = #tpu.core_type<sc_vector_subcore>, window_params = [{transform_indices = #map}, {transform_indices = #map1}, {transform_indices = #map1}, {transform_indices = #map}, {transform_indices = #map1}]} {
    %mul3A = arith.constant 16 : i32
    %mul3A_0 = arith.muli %arg0, %mul3A : i32
    %add3A = arith.addi %mul3A_0, %arg1 : i32
    %mul3A_1 = arith.constant 80 : i32
    %mul3A_2 = arith.muli %add3A, %mul3A_1 : i32
    %mul3A_3 = arith.constant 640 : i32
    %mul3A_4 = arith.muli %arg1, %mul3A_3 : i32
    "tpu.region"() ({
      %run_scoped3A_146 = tpu.sem_alloc : memref<!tpu.dma_semaphore, #tpu.memory_space<semaphore_mem>>
      %dma_start3A_147 = arith.constant 0 : i32
      %dma_start3A_148 = tpu.memref_slice %arg17[%mul3A_4, %dma_start3A_147] : memref<10240x128xf32, #tpu.memory_space<vmem_shared>> -> memref<640x128xf32, #tpu.memory_space<vmem_shared>>
      tpu.enqueue_dma source(%arg5 : memref<640x128xf32, #tpu.memory_space<hbm>>) target(%dma_start3A_148 : memref<640x128xf32, #tpu.memory_space<vmem_shared>>) target_semaphore(%run_scoped3A_146 : memref<!tpu.dma_semaphore, #tpu.memory_space<semaphore_mem>>)
      %dma_wait3A_149 = arith.constant 0 : i32
      %dma_wait3A_150 = tpu.memref_slice %arg17[%mul3A_4, %dma_wait3A_149] : memref<10240x128xf32, #tpu.memory_space<vmem_shared>> -> memref<640x128xf32, #tpu.memory_space<vmem_shared>>
      tpu.wait_dma2 semaphore(%run_scoped3A_146 : memref<!tpu.dma_semaphore, #tpu.memory_space<semaphore_mem>>) src(%arg5 : memref<640x128xf32, #tpu.memory_space<hbm>>) dst(%dma_wait3A_150 : memref<640x128xf32, #tpu.memory_space<vmem_shared>>)
      tpu.yield
    }) : () -> ()
    %barrier3A = arith.constant 0 : index
    tpu.barrier barrier_id(%barrier3A)
    "tpu.region"() ({
      %run_scoped3A_146 = tpu.sem_alloc : memref<!tpu.dma_semaphore, #tpu.memory_space<semaphore_mem>>
      %dma_start3A_147 = arith.constant 0 : i32
      %dma_start3A_148 = arith.constant 0 : i32
      %dma_start3A_149 = tpu.memref_slice %arg3[%mul3A_2, %dma_start3A_147, %dma_start3A_148] : memref<2560x1x125xi32, #tpu.memory_space<hbm>> -> memref<1x1x125xi32, #tpu.memory_space<hbm>>
      %dma_start3A_150 = tpu.memref_squeeze %dma_start3A_149 : memref<1x1x125xi32, #tpu.memory_space<hbm>> -> memref<1x125xi32, #tpu.memory_space<hbm>>
      %dma_start3A_151 = arith.constant 0 : i32
      %dma_start3A_152 = arith.constant 0 : i32
      %dma_start3A_153 = tpu.memref_slice %arg3[%mul3A_2, %dma_start3A_151, %dma_start3A_152] : memref<2560x1x125xi32, #tpu.memory_space<hbm>> -> memref<1x1x125xi32, #tpu.memory_space<hbm>>
      %dma_start3A_154 = tpu.memref_squeeze %dma_start3A_153 : memref<1x1x125xi32, #tpu.memory_space<hbm>> -> memref<1x125xi32, #tpu.memory_space<hbm>>
      tpu.enqueue_dma source(%dma_start3A_154 : memref<1x125xi32, #tpu.memory_space<hbm>>) target(%arg7 : memref<1x125xi32, #tpu.memory_space<vmem>>) target_semaphore(%run_scoped3A_146 : memref<!tpu.dma_semaphore, #tpu.memory_space<semaphore_mem>>)
      %dma_wait3A_155 = arith.constant 0 : i32
      %dma_wait3A_156 = arith.constant 0 : i32
      %dma_wait3A_157 = tpu.memref_slice %arg3[%mul3A_2, %dma_wait3A_155, %dma_wait3A_156] : memref<2560x1x125xi32, #tpu.memory_space<hbm>> -> memref<1x1x125xi32, #tpu.memory_space<hbm>>
      %dma_wait3A_158 = tpu.memref_squeeze %dma_wait3A_157 : memref<1x1x125xi32, #tpu.memory_space<hbm>> -> memref<1x125xi32, #tpu.memory_space<hbm>>
      %dma_wait3A_159 = arith.constant 0 : i32
      %dma_wait3A_160 = arith.constant 0 : i32
      %dma_wait3A_161 = tpu.memref_slice %arg3[%mul3A_2, %dma_wait3A_159, %dma_wait3A_160] : memref<2560x1x125xi32, #tpu.memory_space<hbm>> -> memref<1x1x125xi32, #tpu.memory_space<hbm>>
      %dma_wait3A_162 = tpu.memref_squeeze %dma_wait3A_161 : memref<1x1x125xi32, #tpu.memory_space<hbm>> -> memref<1x125xi32, #tpu.memory_space<hbm>>
      tpu.wait_dma2 semaphore(%run_scoped3A_146 : memref<!tpu.dma_semaphore, #tpu.memory_space<semaphore_mem>>) src(%dma_wait3A_162 : memref<1x125xi32, #tpu.memory_space<hbm>>) dst(%arg7 : memref<1x125xi32, #tpu.memory_space<vmem>>)
      tpu.yield
    }) : () -> ()
    "tpu.region"() ({
      %run_scoped3A_146 = tpu.sem_alloc : memref<!tpu.dma_semaphore, #tpu.memory_space<semaphore_mem>>
      %dma_start3A_147 = arith.constant 0 : i32
      %dma_start3A_148 = arith.constant 0 : i32
      %dma_start3A_149 = tpu.memref_slice %arg4[%mul3A_2, %dma_start3A_147, %dma_start3A_148] : memref<2560x1x125xi32, #tpu.memory_space<hbm>> -> memref<1x1x125xi32, #tpu.memory_space<hbm>>
      %dma_start3A_150 = tpu.memref_squeeze %dma_start3A_149 : memref<1x1x125xi32, #tpu.memory_space<hbm>> -> memref<1x125xi32, #tpu.memory_space<hbm>>
      %dma_start3A_151 = arith.constant 0 : i32
      %dma_start3A_152 = arith.constant 0 : i32
      %dma_start3A_153 = tpu.memref_slice %arg4[%mul3A_2, %dma_start3A_151, %dma_start3A_152] : memref<2560x1x125xi32, #tpu.memory_space<hbm>> -> memref<1x1x125xi32, #tpu.memory_space<hbm>>
      %dma_start3A_154 = tpu.memref_squeeze %dma_start3A_153 : memref<1x1x125xi32, #tpu.memory_space<hbm>> -> memref<1x125xi32, #tpu.memory_space<hbm>>
      tpu.enqueue_dma source(%dma_start3A_154 : memref<1x125xi32, #tpu.memory_space<hbm>>) target(%arg8 : memref<1x125xi32, #tpu.memory_space<vmem>>) target_semaphore(%run_scoped3A_146 : memref<!tpu.dma_semaphore, #tpu.memory_space<semaphore_mem>>)
      %dma_wait3A_155 = arith.constant 0 : i32
      %dma_wait3A_156 = arith.constant 0 : i32
      %dma_wait3A_157 = tpu.memref_slice %arg4[%mul3A_2, %dma_wait3A_155, %dma_wait3A_156] : memref<2560x1x125xi32, #tpu.memory_space<hbm>> -> memref<1x1x125xi32, #tpu.memory_space<hbm>>
      %dma_wait3A_158 = tpu.memref_squeeze %dma_wait3A_157 : memref<1x1x125xi32, #tpu.memory_space<hbm>> -> memref<1x125xi32, #tpu.memory_space<hbm>>
      %dma_wait3A_159 = arith.constant 0 : i32
      %dma_wait3A_160 = arith.constant 0 : i32
      %dma_wait3A_161 = tpu.memref_slice %arg4[%mul3A_2, %dma_wait3A_159, %dma_wait3A_160] : memref<2560x1x125xi32, #tpu.memory_space<hbm>> -> memref<1x1x125xi32, #tpu.memory_space<hbm>>
      %dma_wait3A_162 = tpu.memref_squeeze %dma_wait3A_161 : memref<1x1x125xi32, #tpu.memory_space<hbm>> -> memref<1x125xi32, #tpu.memory_space<hbm>>
      tpu.wait_dma2 semaphore(%run_scoped3A_146 : memref<!tpu.dma_semaphore, #tpu.memory_space<semaphore_mem>>) src(%dma_wait3A_162 : memref<1x125xi32, #tpu.memory_space<hbm>>) dst(%arg8 : memref<1x125xi32, #tpu.memory_space<vmem>>)
      tpu.yield
    }) : () -> ()
    %dma_start3A = arith.constant 0 : i32
    %dma_start3A_5 = arith.constant 0 : i32
    %dma_start3A_6 = tpu.memref_slice %arg7[%dma_start3A, %dma_start3A_5] : memref<1x125xi32, #tpu.memory_space<vmem>> -> memref<1x125xi32, #tpu.memory_space<vmem>>
    %dma_start3A_7 = tpu.memref_squeeze %dma_start3A_6 : memref<1x125xi32, #tpu.memory_space<vmem>> -> memref<125xi32, #tpu.memory_space<vmem>>
    %dma_start3A_8 = arith.constant 0 : i32
    %dma_start3A_9 = arith.constant 0 : i32
    %dma_start3A_10 = tpu.memref_slice %arg2[%dma_start3A_8, %dma_start3A_9] : memref<10000x128xf32, #tpu.memory_space<hbm>> -> memref<10000x128xf32, #tpu.memory_space<hbm>>
    tpu.enqueue_indirect_dma source(%dma_start3A_10 : memref<10000x128xf32, #tpu.memory_space<hbm>>) target(%arg15 : memref<125x128xf32, #tpu.memory_space<vmem>>) offsets(%dma_start3A_7 : memref<125xi32, #tpu.memory_space<vmem>>) semaphore(%arg18 : memref<!tpu.dma_semaphore, #tpu.memory_space<semaphore_mem>>)
    %add3A_11 = arith.constant 1 : i32
    %add3A_12 = arith.addi %mul3A_2, %add3A_11 : i32
    "tpu.region"() ({
      %run_scoped3A_146 = tpu.sem_alloc : memref<!tpu.dma_semaphore, #tpu.memory_space<semaphore_mem>>
      %dma_start3A_147 = arith.constant 0 : i32
      %dma_start3A_148 = arith.constant 0 : i32
      %dma_start3A_149 = tpu.memref_slice %arg3[%add3A_12, %dma_start3A_147, %dma_start3A_148] : memref<2560x1x125xi32, #tpu.memory_space<hbm>> -> memref<1x1x125xi32, #tpu.memory_space<hbm>>
      %dma_start3A_150 = tpu.memref_squeeze %dma_start3A_149 : memref<1x1x125xi32, #tpu.memory_space<hbm>> -> memref<1x125xi32, #tpu.memory_space<hbm>>
      %dma_start3A_151 = arith.constant 0 : i32
      %dma_start3A_152 = arith.constant 0 : i32
      %dma_start3A_153 = tpu.memref_slice %arg3[%add3A_12, %dma_start3A_151, %dma_start3A_152] : memref<2560x1x125xi32, #tpu.memory_space<hbm>> -> memref<1x1x125xi32, #tpu.memory_space<hbm>>
      %dma_start3A_154 = tpu.memref_squeeze %dma_start3A_153 : memref<1x1x125xi32, #tpu.memory_space<hbm>> -> memref<1x125xi32, #tpu.memory_space<hbm>>
      tpu.enqueue_dma source(%dma_start3A_154 : memref<1x125xi32, #tpu.memory_space<hbm>>) target(%arg11 : memref<1x125xi32, #tpu.memory_space<vmem>>) target_semaphore(%run_scoped3A_146 : memref<!tpu.dma_semaphore, #tpu.memory_space<semaphore_mem>>)
      %dma_wait3A_155 = arith.constant 0 : i32
      %dma_wait3A_156 = arith.constant 0 : i32
      %dma_wait3A_157 = tpu.memref_slice %arg3[%add3A_12, %dma_wait3A_155, %dma_wait3A_156] : memref<2560x1x125xi32, #tpu.memory_space<hbm>> -> memref<1x1x125xi32, #tpu.memory_space<hbm>>
      %dma_wait3A_158 = tpu.memref_squeeze %dma_wait3A_157 : memref<1x1x125xi32, #tpu.memory_space<hbm>> -> memref<1x125xi32, #tpu.memory_space<hbm>>
      %dma_wait3A_159 = arith.constant 0 : i32
      %dma_wait3A_160 = arith.constant 0 : i32
      %dma_wait3A_161 = tpu.memref_slice %arg3[%add3A_12, %dma_wait3A_159, %dma_wait3A_160] : memref<2560x1x125xi32, #tpu.memory_space<hbm>> -> memref<1x1x125xi32, #tpu.memory_space<hbm>>
      %dma_wait3A_162 = tpu.memref_squeeze %dma_wait3A_161 : memref<1x1x125xi32, #tpu.memory_space<hbm>> -> memref<1x125xi32, #tpu.memory_space<hbm>>
      tpu.wait_dma2 semaphore(%run_scoped3A_146 : memref<!tpu.dma_semaphore, #tpu.memory_space<semaphore_mem>>) src(%dma_wait3A_162 : memref<1x125xi32, #tpu.memory_space<hbm>>) dst(%arg11 : memref<1x125xi32, #tpu.memory_space<vmem>>)
      tpu.yield
    }) : () -> ()
    %add3A_13 = arith.constant 1 : i32
    %add3A_14 = arith.addi %mul3A_2, %add3A_13 : i32
    "tpu.region"() ({
      %run_scoped3A_146 = tpu.sem_alloc : memref<!tpu.dma_semaphore, #tpu.memory_space<semaphore_mem>>
      %dma_start3A_147 = arith.constant 0 : i32
      %dma_start3A_148 = arith.constant 0 : i32
      %dma_start3A_149 = tpu.memref_slice %arg4[%add3A_14, %dma_start3A_147, %dma_start3A_148] : memref<2560x1x125xi32, #tpu.memory_space<hbm>> -> memref<1x1x125xi32, #tpu.memory_space<hbm>>
      %dma_start3A_150 = tpu.memref_squeeze %dma_start3A_149 : memref<1x1x125xi32, #tpu.memory_space<hbm>> -> memref<1x125xi32, #tpu.memory_space<hbm>>
      %dma_start3A_151 = arith.constant 0 : i32
      %dma_start3A_152 = arith.constant 0 : i32
      %dma_start3A_153 = tpu.memref_slice %arg4[%add3A_14, %dma_start3A_151, %dma_start3A_152] : memref<2560x1x125xi32, #tpu.memory_space<hbm>> -> memref<1x1x125xi32, #tpu.memory_space<hbm>>
      %dma_start3A_154 = tpu.memref_squeeze %dma_start3A_153 : memref<1x1x125xi32, #tpu.memory_space<hbm>> -> memref<1x125xi32, #tpu.memory_space<hbm>>
      tpu.enqueue_dma source(%dma_start3A_154 : memref<1x125xi32, #tpu.memory_space<hbm>>) target(%arg12 : memref<1x125xi32, #tpu.memory_space<vmem>>) target_semaphore(%run_scoped3A_146 : memref<!tpu.dma_semaphore, #tpu.memory_space<semaphore_mem>>)
      %dma_wait3A_155 = arith.constant 0 : i32
      %dma_wait3A_156 = arith.constant 0 : i32
      %dma_wait3A_157 = tpu.memref_slice %arg4[%add3A_14, %dma_wait3A_155, %dma_wait3A_156] : memref<2560x1x125xi32, #tpu.memory_space<hbm>> -> memref<1x1x125xi32, #tpu.memory_space<hbm>>
      %dma_wait3A_158 = tpu.memref_squeeze %dma_wait3A_157 : memref<1x1x125xi32, #tpu.memory_space<hbm>> -> memref<1x125xi32, #tpu.memory_space<hbm>>
      %dma_wait3A_159 = arith.constant 0 : i32
      %dma_wait3A_160 = arith.constant 0 : i32
      %dma_wait3A_161 = tpu.memref_slice %arg4[%add3A_14, %dma_wait3A_159, %dma_wait3A_160] : memref<2560x1x125xi32, #tpu.memory_space<hbm>> -> memref<1x1x125xi32, #tpu.memory_space<hbm>>
      %dma_wait3A_162 = tpu.memref_squeeze %dma_wait3A_161 : memref<1x1x125xi32, #tpu.memory_space<hbm>> -> memref<1x125xi32, #tpu.memory_space<hbm>>
      tpu.wait_dma2 semaphore(%run_scoped3A_146 : memref<!tpu.dma_semaphore, #tpu.memory_space<semaphore_mem>>) src(%dma_wait3A_162 : memref<1x125xi32, #tpu.memory_space<hbm>>) dst(%arg12 : memref<1x125xi32, #tpu.memory_space<vmem>>)
      tpu.yield
    }) : () -> ()
    %dma_start3A_15 = arith.constant 0 : i32
    %dma_start3A_16 = arith.constant 0 : i32
    %dma_start3A_17 = tpu.memref_slice %arg11[%dma_start3A_15, %dma_start3A_16] : memref<1x125xi32, #tpu.memory_space<vmem>> -> memref<1x125xi32, #tpu.memory_space<vmem>>
    %dma_start3A_18 = tpu.memref_squeeze %dma_start3A_17 : memref<1x125xi32, #tpu.memory_space<vmem>> -> memref<125xi32, #tpu.memory_space<vmem>>
    %dma_start3A_19 = arith.constant 0 : i32
    %dma_start3A_20 = arith.constant 0 : i32
    %dma_start3A_21 = tpu.memref_slice %arg2[%dma_start3A_19, %dma_start3A_20] : memref<10000x128xf32, #tpu.memory_space<hbm>> -> memref<10000x128xf32, #tpu.memory_space<hbm>>
    tpu.enqueue_indirect_dma source(%dma_start3A_21 : memref<10000x128xf32, #tpu.memory_space<hbm>>) target(%arg16 : memref<125x128xf32, #tpu.memory_space<vmem>>) offsets(%dma_start3A_18 : memref<125xi32, #tpu.memory_space<vmem>>) semaphore(%arg19 : memref<!tpu.dma_semaphore, #tpu.memory_space<semaphore_mem>>)
    %scan3A = arith.constant 0 : i32
    %scan3A_22 = arith.constant 19 : i32
    %scan3A_23 = arith.addi %scan3A, %scan3A_22 : i32
    %scan3A_24 = arith.constant 1 : i32
    scf.for %scan3A_146 = %scan3A to %scan3A_23 step %scan3A_24  : i32 {
      %mul3A_147 = arith.constant 4 : i32
      %mul3A_148 = arith.muli %scan3A_146, %mul3A_147 : i32
      %add3A_149 = arith.constant 0 : i32
      %add3A_150 = arith.addi %add3A_149, %mul3A_148 : i32
      %add3A_151 = arith.addi %mul3A_2, %add3A_150 : i32
      %add3A_152 = arith.constant 2 : i32
      %add3A_153 = arith.addi %add3A_151, %add3A_152 : i32
      %dma_start3A_154 = arith.constant 0 : i32
      %dma_start3A_155 = arith.constant 0 : i32
      %dma_start3A_156 = tpu.memref_slice %arg3[%add3A_153, %dma_start3A_154, %dma_start3A_155] : memref<2560x1x125xi32, #tpu.memory_space<hbm>> -> memref<1x1x125xi32, #tpu.memory_space<hbm>>
      %dma_start3A_157 = tpu.memref_squeeze %dma_start3A_156 : memref<1x1x125xi32, #tpu.memory_space<hbm>> -> memref<1x125xi32, #tpu.memory_space<hbm>>
      %dma_start3A_158 = arith.constant 0 : i32
      %dma_start3A_159 = arith.constant 0 : i32
      %dma_start3A_160 = tpu.memref_slice %arg3[%add3A_153, %dma_start3A_158, %dma_start3A_159] : memref<2560x1x125xi32, #tpu.memory_space<hbm>> -> memref<1x1x125xi32, #tpu.memory_space<hbm>>
      %dma_start3A_161 = tpu.memref_squeeze %dma_start3A_160 : memref<1x1x125xi32, #tpu.memory_space<hbm>> -> memref<1x125xi32, #tpu.memory_space<hbm>>
      tpu.enqueue_dma source(%dma_start3A_161 : memref<1x125xi32, #tpu.memory_space<hbm>>) target(%arg9 : memref<1x125xi32, #tpu.memory_space<vmem>>) target_semaphore(%arg20 : memref<!tpu.dma_semaphore, #tpu.memory_space<semaphore_mem>>)
      %dma_start3A_162 = arith.constant 0 : i32
      %dma_start3A_163 = arith.constant 0 : i32
      %dma_start3A_164 = tpu.memref_slice %arg4[%add3A_153, %dma_start3A_162, %dma_start3A_163] : memref<2560x1x125xi32, #tpu.memory_space<hbm>> -> memref<1x1x125xi32, #tpu.memory_space<hbm>>
      %dma_start3A_165 = tpu.memref_squeeze %dma_start3A_164 : memref<1x1x125xi32, #tpu.memory_space<hbm>> -> memref<1x125xi32, #tpu.memory_space<hbm>>
      %dma_start3A_166 = arith.constant 0 : i32
      %dma_start3A_167 = arith.constant 0 : i32
      %dma_start3A_168 = tpu.memref_slice %arg4[%add3A_153, %dma_start3A_166, %dma_start3A_167] : memref<2560x1x125xi32, #tpu.memory_space<hbm>> -> memref<1x1x125xi32, #tpu.memory_space<hbm>>
      %dma_start3A_169 = tpu.memref_squeeze %dma_start3A_168 : memref<1x1x125xi32, #tpu.memory_space<hbm>> -> memref<1x125xi32, #tpu.memory_space<hbm>>
      tpu.enqueue_dma source(%dma_start3A_169 : memref<1x125xi32, #tpu.memory_space<hbm>>) target(%arg10 : memref<1x125xi32, #tpu.memory_space<vmem>>) target_semaphore(%arg20 : memref<!tpu.dma_semaphore, #tpu.memory_space<semaphore_mem>>)
      %dma_wait3A_170 = arith.constant 0 : i32
      %dma_wait3A_171 = arith.constant 0 : i32
      %dma_wait3A_172 = tpu.memref_slice %arg9[%dma_wait3A_170, %dma_wait3A_171] : memref<1x125xi32, #tpu.memory_space<vmem>> -> memref<1x125xi32, #tpu.memory_space<vmem>>
      %dma_wait3A_173 = tpu.memref_squeeze %dma_wait3A_172 : memref<1x125xi32, #tpu.memory_space<vmem>> -> memref<125xi32, #tpu.memory_space<vmem>>
      %dma_wait3A_174 = arith.constant 0 : i32
      %dma_wait3A_175 = arith.constant 0 : i32
      %dma_wait3A_176 = tpu.memref_slice %arg2[%dma_wait3A_174, %dma_wait3A_175] : memref<10000x128xf32, #tpu.memory_space<hbm>> -> memref<10000x128xf32, #tpu.memory_space<hbm>>
      tpu.wait_indirect_dma semaphore(%arg18 : memref<!tpu.dma_semaphore, #tpu.memory_space<semaphore_mem>>) src(%dma_wait3A_176 : memref<10000x128xf32, #tpu.memory_space<hbm>>) dst(%arg15 : memref<125x128xf32, #tpu.memory_space<vmem>>)
      %run_scoped3A_177 = arith.constant 0 : i32
      "tpu.region"() ({
        %run_scoped3A_348 = tpu.sem_alloc : memref<!tpu.dma_semaphore, #tpu.memory_space<semaphore_mem>>
        %dma_start3A_349 = arith.constant 0 : i32
        %dma_start3A_350 = tpu.memref_slice %arg8[%run_scoped3A_177, %dma_start3A_349] : memref<1x125xi32, #tpu.memory_space<vmem>> -> memref<1x125xi32, #tpu.memory_space<vmem>>
        %dma_start3A_351 = tpu.memref_squeeze %dma_start3A_350 : memref<1x125xi32, #tpu.memory_space<vmem>> -> memref<125xi32, #tpu.memory_space<vmem>>
        %dma_start3A_352 = arith.constant 0 : i32
        %dma_start3A_353 = arith.constant 0 : i32
        %dma_start3A_354 = tpu.memref_slice %arg17[%dma_start3A_352, %dma_start3A_353] : memref<10240x128xf32, #tpu.memory_space<vmem_shared>> -> memref<10240x128xf32, #tpu.memory_space<vmem_shared>>
        tpu.enqueue_indirect_dma source(%arg15 : memref<125x128xf32, #tpu.memory_space<vmem>>) target(%dma_start3A_354 : memref<10240x128xf32, #tpu.memory_space<vmem_shared>>) offsets(%dma_start3A_351 : memref<125xi32, #tpu.memory_space<vmem>>) semaphore(%run_scoped3A_348 : memref<!tpu.dma_semaphore, #tpu.memory_space<semaphore_mem>>) {add = true}
        %dma_wait3A_355 = arith.constant 0 : i32
        %dma_wait3A_356 = tpu.memref_slice %arg8[%run_scoped3A_177, %dma_wait3A_355] : memref<1x125xi32, #tpu.memory_space<vmem>> -> memref<1x125xi32, #tpu.memory_space<vmem>>
        %dma_wait3A_357 = tpu.memref_squeeze %dma_wait3A_356 : memref<1x125xi32, #tpu.memory_space<vmem>> -> memref<125xi32, #tpu.memory_space<vmem>>
        %dma_wait3A_358 = arith.constant 0 : i32
        %dma_wait3A_359 = arith.constant 0 : i32
        %dma_wait3A_360 = tpu.memref_slice %arg17[%dma_wait3A_358, %dma_wait3A_359] : memref<10240x128xf32, #tpu.memory_space<vmem_shared>> -> memref<10240x128xf32, #tpu.memory_space<vmem_shared>>
        tpu.wait_indirect_dma semaphore(%run_scoped3A_348 : memref<!tpu.dma_semaphore, #tpu.memory_space<semaphore_mem>>) src(%arg15 : memref<125x128xf32, #tpu.memory_space<vmem>>) dst(%dma_wait3A_360 : memref<10240x128xf32, #tpu.memory_space<vmem_shared>>)
        tpu.yield
      }) : () -> ()
      %dma_wait3A_178 = arith.constant 0 : i32
      %dma_wait3A_179 = arith.constant 0 : i32
      %dma_wait3A_180 = tpu.memref_slice %arg3[%add3A_153, %dma_wait3A_178, %dma_wait3A_179] : memref<2560x1x125xi32, #tpu.memory_space<hbm>> -> memref<1x1x125xi32, #tpu.memory_space<hbm>>
      %dma_wait3A_181 = tpu.memref_squeeze %dma_wait3A_180 : memref<1x1x125xi32, #tpu.memory_space<hbm>> -> memref<1x125xi32, #tpu.memory_space<hbm>>
      %dma_wait3A_182 = arith.constant 0 : i32
      %dma_wait3A_183 = arith.constant 0 : i32
      %dma_wait3A_184 = tpu.memref_slice %arg3[%add3A_153, %dma_wait3A_182, %dma_wait3A_183] : memref<2560x1x125xi32, #tpu.memory_space<hbm>> -> memref<1x1x125xi32, #tpu.memory_space<hbm>>
      %dma_wait3A_185 = tpu.memref_squeeze %dma_wait3A_184 : memref<1x1x125xi32, #tpu.memory_space<hbm>> -> memref<1x125xi32, #tpu.memory_space<hbm>>
      tpu.wait_dma2 semaphore(%arg20 : memref<!tpu.dma_semaphore, #tpu.memory_space<semaphore_mem>>) src(%dma_wait3A_185 : memref<1x125xi32, #tpu.memory_space<hbm>>) dst(%arg9 : memref<1x125xi32, #tpu.memory_space<vmem>>)
      %dma_wait3A_186 = arith.constant 0 : i32
      %dma_wait3A_187 = arith.constant 0 : i32
      %dma_wait3A_188 = tpu.memref_slice %arg4[%add3A_153, %dma_wait3A_186, %dma_wait3A_187] : memref<2560x1x125xi32, #tpu.memory_space<hbm>> -> memref<1x1x125xi32, #tpu.memory_space<hbm>>
      %dma_wait3A_189 = tpu.memref_squeeze %dma_wait3A_188 : memref<1x1x125xi32, #tpu.memory_space<hbm>> -> memref<1x125xi32, #tpu.memory_space<hbm>>
      %dma_wait3A_190 = arith.constant 0 : i32
      %dma_wait3A_191 = arith.constant 0 : i32
      %dma_wait3A_192 = tpu.memref_slice %arg4[%add3A_153, %dma_wait3A_190, %dma_wait3A_191] : memref<2560x1x125xi32, #tpu.memory_space<hbm>> -> memref<1x1x125xi32, #tpu.memory_space<hbm>>
      %dma_wait3A_193 = tpu.memref_squeeze %dma_wait3A_192 : memref<1x1x125xi32, #tpu.memory_space<hbm>> -> memref<1x125xi32, #tpu.memory_space<hbm>>
      tpu.wait_dma2 semaphore(%arg20 : memref<!tpu.dma_semaphore, #tpu.memory_space<semaphore_mem>>) src(%dma_wait3A_193 : memref<1x125xi32, #tpu.memory_space<hbm>>) dst(%arg10 : memref<1x125xi32, #tpu.memory_space<vmem>>)
      %dma_start3A_194 = arith.constant 0 : i32
      %dma_start3A_195 = arith.constant 0 : i32
      %dma_start3A_196 = tpu.memref_slice %arg9[%dma_start3A_194, %dma_start3A_195] : memref<1x125xi32, #tpu.memory_space<vmem>> -> memref<1x125xi32, #tpu.memory_space<vmem>>
      %dma_start3A_197 = tpu.memref_squeeze %dma_start3A_196 : memref<1x125xi32, #tpu.memory_space<vmem>> -> memref<125xi32, #tpu.memory_space<vmem>>
      %dma_start3A_198 = arith.constant 0 : i32
      %dma_start3A_199 = arith.constant 0 : i32
      %dma_start3A_200 = tpu.memref_slice %arg2[%dma_start3A_198, %dma_start3A_199] : memref<10000x128xf32, #tpu.memory_space<hbm>> -> memref<10000x128xf32, #tpu.memory_space<hbm>>
      tpu.enqueue_indirect_dma source(%dma_start3A_200 : memref<10000x128xf32, #tpu.memory_space<hbm>>) target(%arg15 : memref<125x128xf32, #tpu.memory_space<vmem>>) offsets(%dma_start3A_197 : memref<125xi32, #tpu.memory_space<vmem>>) semaphore(%arg18 : memref<!tpu.dma_semaphore, #tpu.memory_space<semaphore_mem>>)
      %add3A_201 = arith.constant 3 : i32
      %add3A_202 = arith.addi %add3A_151, %add3A_201 : i32
      %dma_start3A_203 = arith.constant 0 : i32
      %dma_start3A_204 = arith.constant 0 : i32
      %dma_start3A_205 = tpu.memref_slice %arg3[%add3A_202, %dma_start3A_203, %dma_start3A_204] : memref<2560x1x125xi32, #tpu.memory_space<hbm>> -> memref<1x1x125xi32, #tpu.memory_space<hbm>>
      %dma_start3A_206 = tpu.memref_squeeze %dma_start3A_205 : memref<1x1x125xi32, #tpu.memory_space<hbm>> -> memref<1x125xi32, #tpu.memory_space<hbm>>
      %dma_start3A_207 = arith.constant 0 : i32
      %dma_start3A_208 = arith.constant 0 : i32
      %dma_start3A_209 = tpu.memref_slice %arg3[%add3A_202, %dma_start3A_207, %dma_start3A_208] : memref<2560x1x125xi32, #tpu.memory_space<hbm>> -> memref<1x1x125xi32, #tpu.memory_space<hbm>>
      %dma_start3A_210 = tpu.memref_squeeze %dma_start3A_209 : memref<1x1x125xi32, #tpu.memory_space<hbm>> -> memref<1x125xi32, #tpu.memory_space<hbm>>
      tpu.enqueue_dma source(%dma_start3A_210 : memref<1x125xi32, #tpu.memory_space<hbm>>) target(%arg13 : memref<1x125xi32, #tpu.memory_space<vmem>>) target_semaphore(%arg20 : memref<!tpu.dma_semaphore, #tpu.memory_space<semaphore_mem>>)
      %dma_start3A_211 = arith.constant 0 : i32
      %dma_start3A_212 = arith.constant 0 : i32
      %dma_start3A_213 = tpu.memref_slice %arg4[%add3A_202, %dma_start3A_211, %dma_start3A_212] : memref<2560x1x125xi32, #tpu.memory_space<hbm>> -> memref<1x1x125xi32, #tpu.memory_space<hbm>>
      %dma_start3A_214 = tpu.memref_squeeze %dma_start3A_213 : memref<1x1x125xi32, #tpu.memory_space<hbm>> -> memref<1x125xi32, #tpu.memory_space<hbm>>
      %dma_start3A_215 = arith.constant 0 : i32
      %dma_start3A_216 = arith.constant 0 : i32
      %dma_start3A_217 = tpu.memref_slice %arg4[%add3A_202, %dma_start3A_215, %dma_start3A_216] : memref<2560x1x125xi32, #tpu.memory_space<hbm>> -> memref<1x1x125xi32, #tpu.memory_space<hbm>>
      %dma_start3A_218 = tpu.memref_squeeze %dma_start3A_217 : memref<1x1x125xi32, #tpu.memory_space<hbm>> -> memref<1x125xi32, #tpu.memory_space<hbm>>
      tpu.enqueue_dma source(%dma_start3A_218 : memref<1x125xi32, #tpu.memory_space<hbm>>) target(%arg14 : memref<1x125xi32, #tpu.memory_space<vmem>>) target_semaphore(%arg20 : memref<!tpu.dma_semaphore, #tpu.memory_space<semaphore_mem>>)
      %dma_wait3A_219 = arith.constant 0 : i32
      %dma_wait3A_220 = arith.constant 0 : i32
      %dma_wait3A_221 = tpu.memref_slice %arg13[%dma_wait3A_219, %dma_wait3A_220] : memref<1x125xi32, #tpu.memory_space<vmem>> -> memref<1x125xi32, #tpu.memory_space<vmem>>
      %dma_wait3A_222 = tpu.memref_squeeze %dma_wait3A_221 : memref<1x125xi32, #tpu.memory_space<vmem>> -> memref<125xi32, #tpu.memory_space<vmem>>
      %dma_wait3A_223 = arith.constant 0 : i32
      %dma_wait3A_224 = arith.constant 0 : i32
      %dma_wait3A_225 = tpu.memref_slice %arg2[%dma_wait3A_223, %dma_wait3A_224] : memref<10000x128xf32, #tpu.memory_space<hbm>> -> memref<10000x128xf32, #tpu.memory_space<hbm>>
      tpu.wait_indirect_dma semaphore(%arg19 : memref<!tpu.dma_semaphore, #tpu.memory_space<semaphore_mem>>) src(%dma_wait3A_225 : memref<10000x128xf32, #tpu.memory_space<hbm>>) dst(%arg16 : memref<125x128xf32, #tpu.memory_space<vmem>>)
      %run_scoped3A_226 = arith.constant 0 : i32
      "tpu.region"() ({
        %run_scoped3A_348 = tpu.sem_alloc : memref<!tpu.dma_semaphore, #tpu.memory_space<semaphore_mem>>
        %dma_start3A_349 = arith.constant 0 : i32
        %dma_start3A_350 = tpu.memref_slice %arg12[%run_scoped3A_226, %dma_start3A_349] : memref<1x125xi32, #tpu.memory_space<vmem>> -> memref<1x125xi32, #tpu.memory_space<vmem>>
        %dma_start3A_351 = tpu.memref_squeeze %dma_start3A_350 : memref<1x125xi32, #tpu.memory_space<vmem>> -> memref<125xi32, #tpu.memory_space<vmem>>
        %dma_start3A_352 = arith.constant 0 : i32
        %dma_start3A_353 = arith.constant 0 : i32
        %dma_start3A_354 = tpu.memref_slice %arg17[%dma_start3A_352, %dma_start3A_353] : memref<10240x128xf32, #tpu.memory_space<vmem_shared>> -> memref<10240x128xf32, #tpu.memory_space<vmem_shared>>
        tpu.enqueue_indirect_dma source(%arg16 : memref<125x128xf32, #tpu.memory_space<vmem>>) target(%dma_start3A_354 : memref<10240x128xf32, #tpu.memory_space<vmem_shared>>) offsets(%dma_start3A_351 : memref<125xi32, #tpu.memory_space<vmem>>) semaphore(%run_scoped3A_348 : memref<!tpu.dma_semaphore, #tpu.memory_space<semaphore_mem>>) {add = true}
        %dma_wait3A_355 = arith.constant 0 : i32
        %dma_wait3A_356 = tpu.memref_slice %arg12[%run_scoped3A_226, %dma_wait3A_355] : memref<1x125xi32, #tpu.memory_space<vmem>> -> memref<1x125xi32, #tpu.memory_space<vmem>>
        %dma_wait3A_357 = tpu.memref_squeeze %dma_wait3A_356 : memref<1x125xi32, #tpu.memory_space<vmem>> -> memref<125xi32, #tpu.memory_space<vmem>>
        %dma_wait3A_358 = arith.constant 0 : i32
        %dma_wait3A_359 = arith.constant 0 : i32
        %dma_wait3A_360 = tpu.memref_slice %arg17[%dma_wait3A_358, %dma_wait3A_359] : memref<10240x128xf32, #tpu.memory_space<vmem_shared>> -> memref<10240x128xf32, #tpu.memory_space<vmem_shared>>
        tpu.wait_indirect_dma semaphore(%run_scoped3A_348 : memref<!tpu.dma_semaphore, #tpu.memory_space<semaphore_mem>>) src(%arg16 : memref<125x128xf32, #tpu.memory_space<vmem>>) dst(%dma_wait3A_360 : memref<10240x128xf32, #tpu.memory_space<vmem_shared>>)
        tpu.yield
      }) : () -> ()
      %dma_wait3A_227 = arith.constant 0 : i32
      %dma_wait3A_228 = arith.constant 0 : i32
      %dma_wait3A_229 = tpu.memref_slice %arg3[%add3A_202, %dma_wait3A_227, %dma_wait3A_228] : memref<2560x1x125xi32, #tpu.memory_space<hbm>> -> memref<1x1x125xi32, #tpu.memory_space<hbm>>
      %dma_wait3A_230 = tpu.memref_squeeze %dma_wait3A_229 : memref<1x1x125xi32, #tpu.memory_space<hbm>> -> memref<1x125xi32, #tpu.memory_space<hbm>>
      %dma_wait3A_231 = arith.constant 0 : i32
      %dma_wait3A_232 = arith.constant 0 : i32
      %dma_wait3A_233 = tpu.memref_slice %arg3[%add3A_202, %dma_wait3A_231, %dma_wait3A_232] : memref<2560x1x125xi32, #tpu.memory_space<hbm>> -> memref<1x1x125xi32, #tpu.memory_space<hbm>>
      %dma_wait3A_234 = tpu.memref_squeeze %dma_wait3A_233 : memref<1x1x125xi32, #tpu.memory_space<hbm>> -> memref<1x125xi32, #tpu.memory_space<hbm>>
      tpu.wait_dma2 semaphore(%arg20 : memref<!tpu.dma_semaphore, #tpu.memory_space<semaphore_mem>>) src(%dma_wait3A_234 : memref<1x125xi32, #tpu.memory_space<hbm>>) dst(%arg13 : memref<1x125xi32, #tpu.memory_space<vmem>>)
      %dma_wait3A_235 = arith.constant 0 : i32
      %dma_wait3A_236 = arith.constant 0 : i32
      %dma_wait3A_237 = tpu.memref_slice %arg4[%add3A_202, %dma_wait3A_235, %dma_wait3A_236] : memref<2560x1x125xi32, #tpu.memory_space<hbm>> -> memref<1x1x125xi32, #tpu.memory_space<hbm>>
      %dma_wait3A_238 = tpu.memref_squeeze %dma_wait3A_237 : memref<1x1x125xi32, #tpu.memory_space<hbm>> -> memref<1x125xi32, #tpu.memory_space<hbm>>
      %dma_wait3A_239 = arith.constant 0 : i32
      %dma_wait3A_240 = arith.constant 0 : i32
      %dma_wait3A_241 = tpu.memref_slice %arg4[%add3A_202, %dma_wait3A_239, %dma_wait3A_240] : memref<2560x1x125xi32, #tpu.memory_space<hbm>> -> memref<1x1x125xi32, #tpu.memory_space<hbm>>
      %dma_wait3A_242 = tpu.memref_squeeze %dma_wait3A_241 : memref<1x1x125xi32, #tpu.memory_space<hbm>> -> memref<1x125xi32, #tpu.memory_space<hbm>>
      tpu.wait_dma2 semaphore(%arg20 : memref<!tpu.dma_semaphore, #tpu.memory_space<semaphore_mem>>) src(%dma_wait3A_242 : memref<1x125xi32, #tpu.memory_space<hbm>>) dst(%arg14 : memref<1x125xi32, #tpu.memory_space<vmem>>)
      %dma_start3A_243 = arith.constant 0 : i32
      %dma_start3A_244 = arith.constant 0 : i32
      %dma_start3A_245 = tpu.memref_slice %arg13[%dma_start3A_243, %dma_start3A_244] : memref<1x125xi32, #tpu.memory_space<vmem>> -> memref<1x125xi32, #tpu.memory_space<vmem>>
      %dma_start3A_246 = tpu.memref_squeeze %dma_start3A_245 : memref<1x125xi32, #tpu.memory_space<vmem>> -> memref<125xi32, #tpu.memory_space<vmem>>
      %dma_start3A_247 = arith.constant 0 : i32
      %dma_start3A_248 = arith.constant 0 : i32
      %dma_start3A_249 = tpu.memref_slice %arg2[%dma_start3A_247, %dma_start3A_248] : memref<10000x128xf32, #tpu.memory_space<hbm>> -> memref<10000x128xf32, #tpu.memory_space<hbm>>
      tpu.enqueue_indirect_dma source(%dma_start3A_249 : memref<10000x128xf32, #tpu.memory_space<hbm>>) target(%arg16 : memref<125x128xf32, #tpu.memory_space<vmem>>) offsets(%dma_start3A_246 : memref<125xi32, #tpu.memory_space<vmem>>) semaphore(%arg19 : memref<!tpu.dma_semaphore, #tpu.memory_space<semaphore_mem>>)
      %add3A_250 = arith.constant 4 : i32
      %add3A_251 = arith.addi %add3A_151, %add3A_250 : i32
      %dma_start3A_252 = arith.constant 0 : i32
      %dma_start3A_253 = arith.constant 0 : i32
      %dma_start3A_254 = tpu.memref_slice %arg3[%add3A_251, %dma_start3A_252, %dma_start3A_253] : memref<2560x1x125xi32, #tpu.memory_space<hbm>> -> memref<1x1x125xi32, #tpu.memory_space<hbm>>
      %dma_start3A_255 = tpu.memref_squeeze %dma_start3A_254 : memref<1x1x125xi32, #tpu.memory_space<hbm>> -> memref<1x125xi32, #tpu.memory_space<hbm>>
      %dma_start3A_256 = arith.constant 0 : i32
      %dma_start3A_257 = arith.constant 0 : i32
      %dma_start3A_258 = tpu.memref_slice %arg3[%add3A_251, %dma_start3A_256, %dma_start3A_257] : memref<2560x1x125xi32, #tpu.memory_space<hbm>> -> memref<1x1x125xi32, #tpu.memory_space<hbm>>
      %dma_start3A_259 = tpu.memref_squeeze %dma_start3A_258 : memref<1x1x125xi32, #tpu.memory_space<hbm>> -> memref<1x125xi32, #tpu.memory_space<hbm>>
      tpu.enqueue_dma source(%dma_start3A_259 : memref<1x125xi32, #tpu.memory_space<hbm>>) target(%arg7 : memref<1x125xi32, #tpu.memory_space<vmem>>) target_semaphore(%arg20 : memref<!tpu.dma_semaphore, #tpu.memory_space<semaphore_mem>>)
      %dma_start3A_260 = arith.constant 0 : i32
      %dma_start3A_261 = arith.constant 0 : i32
      %dma_start3A_262 = tpu.memref_slice %arg4[%add3A_251, %dma_start3A_260, %dma_start3A_261] : memref<2560x1x125xi32, #tpu.memory_space<hbm>> -> memref<1x1x125xi32, #tpu.memory_space<hbm>>
      %dma_start3A_263 = tpu.memref_squeeze %dma_start3A_262 : memref<1x1x125xi32, #tpu.memory_space<hbm>> -> memref<1x125xi32, #tpu.memory_space<hbm>>
      %dma_start3A_264 = arith.constant 0 : i32
      %dma_start3A_265 = arith.constant 0 : i32
      %dma_start3A_266 = tpu.memref_slice %arg4[%add3A_251, %dma_start3A_264, %dma_start3A_265] : memref<2560x1x125xi32, #tpu.memory_space<hbm>> -> memref<1x1x125xi32, #tpu.memory_space<hbm>>
      %dma_start3A_267 = tpu.memref_squeeze %dma_start3A_266 : memref<1x1x125xi32, #tpu.memory_space<hbm>> -> memref<1x125xi32, #tpu.memory_space<hbm>>
      tpu.enqueue_dma source(%dma_start3A_267 : memref<1x125xi32, #tpu.memory_space<hbm>>) target(%arg8 : memref<1x125xi32, #tpu.memory_space<vmem>>) target_semaphore(%arg20 : memref<!tpu.dma_semaphore, #tpu.memory_space<semaphore_mem>>)
      %dma_wait3A_268 = arith.constant 0 : i32
      %dma_wait3A_269 = arith.constant 0 : i32
      %dma_wait3A_270 = tpu.memref_slice %arg7[%dma_wait3A_268, %dma_wait3A_269] : memref<1x125xi32, #tpu.memory_space<vmem>> -> memref<1x125xi32, #tpu.memory_space<vmem>>
      %dma_wait3A_271 = tpu.memref_squeeze %dma_wait3A_270 : memref<1x125xi32, #tpu.memory_space<vmem>> -> memref<125xi32, #tpu.memory_space<vmem>>
      %dma_wait3A_272 = arith.constant 0 : i32
      %dma_wait3A_273 = arith.constant 0 : i32
      %dma_wait3A_274 = tpu.memref_slice %arg2[%dma_wait3A_272, %dma_wait3A_273] : memref<10000x128xf32, #tpu.memory_space<hbm>> -> memref<10000x128xf32, #tpu.memory_space<hbm>>
      tpu.wait_indirect_dma semaphore(%arg18 : memref<!tpu.dma_semaphore, #tpu.memory_space<semaphore_mem>>) src(%dma_wait3A_274 : memref<10000x128xf32, #tpu.memory_space<hbm>>) dst(%arg15 : memref<125x128xf32, #tpu.memory_space<vmem>>)
      %run_scoped3A_275 = arith.constant 0 : i32
      "tpu.region"() ({
        %run_scoped3A_348 = tpu.sem_alloc : memref<!tpu.dma_semaphore, #tpu.memory_space<semaphore_mem>>
        %dma_start3A_349 = arith.constant 0 : i32
        %dma_start3A_350 = tpu.memref_slice %arg10[%run_scoped3A_275, %dma_start3A_349] : memref<1x125xi32, #tpu.memory_space<vmem>> -> memref<1x125xi32, #tpu.memory_space<vmem>>
        %dma_start3A_351 = tpu.memref_squeeze %dma_start3A_350 : memref<1x125xi32, #tpu.memory_space<vmem>> -> memref<125xi32, #tpu.memory_space<vmem>>
        %dma_start3A_352 = arith.constant 0 : i32
        %dma_start3A_353 = arith.constant 0 : i32
        %dma_start3A_354 = tpu.memref_slice %arg17[%dma_start3A_352, %dma_start3A_353] : memref<10240x128xf32, #tpu.memory_space<vmem_shared>> -> memref<10240x128xf32, #tpu.memory_space<vmem_shared>>
        tpu.enqueue_indirect_dma source(%arg15 : memref<125x128xf32, #tpu.memory_space<vmem>>) target(%dma_start3A_354 : memref<10240x128xf32, #tpu.memory_space<vmem_shared>>) offsets(%dma_start3A_351 : memref<125xi32, #tpu.memory_space<vmem>>) semaphore(%run_scoped3A_348 : memref<!tpu.dma_semaphore, #tpu.memory_space<semaphore_mem>>) {add = true}
        %dma_wait3A_355 = arith.constant 0 : i32
        %dma_wait3A_356 = tpu.memref_slice %arg10[%run_scoped3A_275, %dma_wait3A_355] : memref<1x125xi32, #tpu.memory_space<vmem>> -> memref<1x125xi32, #tpu.memory_space<vmem>>
        %dma_wait3A_357 = tpu.memref_squeeze %dma_wait3A_356 : memref<1x125xi32, #tpu.memory_space<vmem>> -> memref<125xi32, #tpu.memory_space<vmem>>
        %dma_wait3A_358 = arith.constant 0 : i32
        %dma_wait3A_359 = arith.constant 0 : i32
        %dma_wait3A_360 = tpu.memref_slice %arg17[%dma_wait3A_358, %dma_wait3A_359] : memref<10240x128xf32, #tpu.memory_space<vmem_shared>> -> memref<10240x128xf32, #tpu.memory_space<vmem_shared>>
        tpu.wait_indirect_dma semaphore(%run_scoped3A_348 : memref<!tpu.dma_semaphore, #tpu.memory_space<semaphore_mem>>) src(%arg15 : memref<125x128xf32, #tpu.memory_space<vmem>>) dst(%dma_wait3A_360 : memref<10240x128xf32, #tpu.memory_space<vmem_shared>>)
        tpu.yield
      }) : () -> ()
      %dma_wait3A_276 = arith.constant 0 : i32
      %dma_wait3A_277 = arith.constant 0 : i32
      %dma_wait3A_278 = tpu.memref_slice %arg3[%add3A_251, %dma_wait3A_276, %dma_wait3A_277] : memref<2560x1x125xi32, #tpu.memory_space<hbm>> -> memref<1x1x125xi32, #tpu.memory_space<hbm>>
      %dma_wait3A_279 = tpu.memref_squeeze %dma_wait3A_278 : memref<1x1x125xi32, #tpu.memory_space<hbm>> -> memref<1x125xi32, #tpu.memory_space<hbm>>
      %dma_wait3A_280 = arith.constant 0 : i32
      %dma_wait3A_281 = arith.constant 0 : i32
      %dma_wait3A_282 = tpu.memref_slice %arg3[%add3A_251, %dma_wait3A_280, %dma_wait3A_281] : memref<2560x1x125xi32, #tpu.memory_space<hbm>> -> memref<1x1x125xi32, #tpu.memory_space<hbm>>
      %dma_wait3A_283 = tpu.memref_squeeze %dma_wait3A_282 : memref<1x1x125xi32, #tpu.memory_space<hbm>> -> memref<1x125xi32, #tpu.memory_space<hbm>>
      tpu.wait_dma2 semaphore(%arg20 : memref<!tpu.dma_semaphore, #tpu.memory_space<semaphore_mem>>) src(%dma_wait3A_283 : memref<1x125xi32, #tpu.memory_space<hbm>>) dst(%arg7 : memref<1x125xi32, #tpu.memory_space<vmem>>)
      %dma_wait3A_284 = arith.constant 0 : i32
      %dma_wait3A_285 = arith.constant 0 : i32
      %dma_wait3A_286 = tpu.memref_slice %arg4[%add3A_251, %dma_wait3A_284, %dma_wait3A_285] : memref<2560x1x125xi32, #tpu.memory_space<hbm>> -> memref<1x1x125xi32, #tpu.memory_space<hbm>>
      %dma_wait3A_287 = tpu.memref_squeeze %dma_wait3A_286 : memref<1x1x125xi32, #tpu.memory_space<hbm>> -> memref<1x125xi32, #tpu.memory_space<hbm>>
      %dma_wait3A_288 = arith.constant 0 : i32
      %dma_wait3A_289 = arith.constant 0 : i32
      %dma_wait3A_290 = tpu.memref_slice %arg4[%add3A_251, %dma_wait3A_288, %dma_wait3A_289] : memref<2560x1x125xi32, #tpu.memory_space<hbm>> -> memref<1x1x125xi32, #tpu.memory_space<hbm>>
      %dma_wait3A_291 = tpu.memref_squeeze %dma_wait3A_290 : memref<1x1x125xi32, #tpu.memory_space<hbm>> -> memref<1x125xi32, #tpu.memory_space<hbm>>
      tpu.wait_dma2 semaphore(%arg20 : memref<!tpu.dma_semaphore, #tpu.memory_space<semaphore_mem>>) src(%dma_wait3A_291 : memref<1x125xi32, #tpu.memory_space<hbm>>) dst(%arg8 : memref<1x125xi32, #tpu.memory_space<vmem>>)
      %dma_start3A_292 = arith.constant 0 : i32
      %dma_start3A_293 = arith.constant 0 : i32
      %dma_start3A_294 = tpu.memref_slice %arg7[%dma_start3A_292, %dma_start3A_293] : memref<1x125xi32, #tpu.memory_space<vmem>> -> memref<1x125xi32, #tpu.memory_space<vmem>>
      %dma_start3A_295 = tpu.memref_squeeze %dma_start3A_294 : memref<1x125xi32, #tpu.memory_space<vmem>> -> memref<125xi32, #tpu.memory_space<vmem>>
      %dma_start3A_296 = arith.constant 0 : i32
      %dma_start3A_297 = arith.constant 0 : i32
      %dma_start3A_298 = tpu.memref_slice %arg2[%dma_start3A_296, %dma_start3A_297] : memref<10000x128xf32, #tpu.memory_space<hbm>> -> memref<10000x128xf32, #tpu.memory_space<hbm>>
      tpu.enqueue_indirect_dma source(%dma_start3A_298 : memref<10000x128xf32, #tpu.memory_space<hbm>>) target(%arg15 : memref<125x128xf32, #tpu.memory_space<vmem>>) offsets(%dma_start3A_295 : memref<125xi32, #tpu.memory_space<vmem>>) semaphore(%arg18 : memref<!tpu.dma_semaphore, #tpu.memory_space<semaphore_mem>>)
      %add3A_299 = arith.constant 5 : i32
      %add3A_300 = arith.addi %add3A_151, %add3A_299 : i32
      %dma_start3A_301 = arith.constant 0 : i32
      %dma_start3A_302 = arith.constant 0 : i32
      %dma_start3A_303 = tpu.memref_slice %arg3[%add3A_300, %dma_start3A_301, %dma_start3A_302] : memref<2560x1x125xi32, #tpu.memory_space<hbm>> -> memref<1x1x125xi32, #tpu.memory_space<hbm>>
      %dma_start3A_304 = tpu.memref_squeeze %dma_start3A_303 : memref<1x1x125xi32, #tpu.memory_space<hbm>> -> memref<1x125xi32, #tpu.memory_space<hbm>>
      %dma_start3A_305 = arith.constant 0 : i32
      %dma_start3A_306 = arith.constant 0 : i32
      %dma_start3A_307 = tpu.memref_slice %arg3[%add3A_300, %dma_start3A_305, %dma_start3A_306] : memref<2560x1x125xi32, #tpu.memory_space<hbm>> -> memref<1x1x125xi32, #tpu.memory_space<hbm>>
      %dma_start3A_308 = tpu.memref_squeeze %dma_start3A_307 : memref<1x1x125xi32, #tpu.memory_space<hbm>> -> memref<1x125xi32, #tpu.memory_space<hbm>>
      tpu.enqueue_dma source(%dma_start3A_308 : memref<1x125xi32, #tpu.memory_space<hbm>>) target(%arg11 : memref<1x125xi32, #tpu.memory_space<vmem>>) target_semaphore(%arg20 : memref<!tpu.dma_semaphore, #tpu.memory_space<semaphore_mem>>)
      %dma_start3A_309 = arith.constant 0 : i32
      %dma_start3A_310 = arith.constant 0 : i32
      %dma_start3A_311 = tpu.memref_slice %arg4[%add3A_300, %dma_start3A_309, %dma_start3A_310] : memref<2560x1x125xi32, #tpu.memory_space<hbm>> -> memref<1x1x125xi32, #tpu.memory_space<hbm>>
      %dma_start3A_312 = tpu.memref_squeeze %dma_start3A_311 : memref<1x1x125xi32, #tpu.memory_space<hbm>> -> memref<1x125xi32, #tpu.memory_space<hbm>>
      %dma_start3A_313 = arith.constant 0 : i32
      %dma_start3A_314 = arith.constant 0 : i32
      %dma_start3A_315 = tpu.memref_slice %arg4[%add3A_300, %dma_start3A_313, %dma_start3A_314] : memref<2560x1x125xi32, #tpu.memory_space<hbm>> -> memref<1x1x125xi32, #tpu.memory_space<hbm>>
      %dma_start3A_316 = tpu.memref_squeeze %dma_start3A_315 : memref<1x1x125xi32, #tpu.memory_space<hbm>> -> memref<1x125xi32, #tpu.memory_space<hbm>>
      tpu.enqueue_dma source(%dma_start3A_316 : memref<1x125xi32, #tpu.memory_space<hbm>>) target(%arg12 : memref<1x125xi32, #tpu.memory_space<vmem>>) target_semaphore(%arg20 : memref<!tpu.dma_semaphore, #tpu.memory_space<semaphore_mem>>)
      %dma_wait3A_317 = arith.constant 0 : i32
      %dma_wait3A_318 = arith.constant 0 : i32
      %dma_wait3A_319 = tpu.memref_slice %arg11[%dma_wait3A_317, %dma_wait3A_318] : memref<1x125xi32, #tpu.memory_space<vmem>> -> memref<1x125xi32, #tpu.memory_space<vmem>>
      %dma_wait3A_320 = tpu.memref_squeeze %dma_wait3A_319 : memref<1x125xi32, #tpu.memory_space<vmem>> -> memref<125xi32, #tpu.memory_space<vmem>>
      %dma_wait3A_321 = arith.constant 0 : i32
      %dma_wait3A_322 = arith.constant 0 : i32
      %dma_wait3A_323 = tpu.memref_slice %arg2[%dma_wait3A_321, %dma_wait3A_322] : memref<10000x128xf32, #tpu.memory_space<hbm>> -> memref<10000x128xf32, #tpu.memory_space<hbm>>
      tpu.wait_indirect_dma semaphore(%arg19 : memref<!tpu.dma_semaphore, #tpu.memory_space<semaphore_mem>>) src(%dma_wait3A_323 : memref<10000x128xf32, #tpu.memory_space<hbm>>) dst(%arg16 : memref<125x128xf32, #tpu.memory_space<vmem>>)
      %run_scoped3A_324 = arith.constant 0 : i32
      "tpu.region"() ({
        %run_scoped3A_348 = tpu.sem_alloc : memref<!tpu.dma_semaphore, #tpu.memory_space<semaphore_mem>>
        %dma_start3A_349 = arith.constant 0 : i32
        %dma_start3A_350 = tpu.memref_slice %arg14[%run_scoped3A_324, %dma_start3A_349] : memref<1x125xi32, #tpu.memory_space<vmem>> -> memref<1x125xi32, #tpu.memory_space<vmem>>
        %dma_start3A_351 = tpu.memref_squeeze %dma_start3A_350 : memref<1x125xi32, #tpu.memory_space<vmem>> -> memref<125xi32, #tpu.memory_space<vmem>>
        %dma_start3A_352 = arith.constant 0 : i32
        %dma_start3A_353 = arith.constant 0 : i32
        %dma_start3A_354 = tpu.memref_slice %arg17[%dma_start3A_352, %dma_start3A_353] : memref<10240x128xf32, #tpu.memory_space<vmem_shared>> -> memref<10240x128xf32, #tpu.memory_space<vmem_shared>>
        tpu.enqueue_indirect_dma source(%arg16 : memref<125x128xf32, #tpu.memory_space<vmem>>) target(%dma_start3A_354 : memref<10240x128xf32, #tpu.memory_space<vmem_shared>>) offsets(%dma_start3A_351 : memref<125xi32, #tpu.memory_space<vmem>>) semaphore(%run_scoped3A_348 : memref<!tpu.dma_semaphore, #tpu.memory_space<semaphore_mem>>) {add = true}
        %dma_wait3A_355 = arith.constant 0 : i32
        %dma_wait3A_356 = tpu.memref_slice %arg14[%run_scoped3A_324, %dma_wait3A_355] : memref<1x125xi32, #tpu.memory_space<vmem>> -> memref<1x125xi32, #tpu.memory_space<vmem>>
        %dma_wait3A_357 = tpu.memref_squeeze %dma_wait3A_356 : memref<1x125xi32, #tpu.memory_space<vmem>> -> memref<125xi32, #tpu.memory_space<vmem>>
        %dma_wait3A_358 = arith.constant 0 : i32
        %dma_wait3A_359 = arith.constant 0 : i32
        %dma_wait3A_360 = tpu.memref_slice %arg17[%dma_wait3A_358, %dma_wait3A_359] : memref<10240x128xf32, #tpu.memory_space<vmem_shared>> -> memref<10240x128xf32, #tpu.memory_space<vmem_shared>>
        tpu.wait_indirect_dma semaphore(%run_scoped3A_348 : memref<!tpu.dma_semaphore, #tpu.memory_space<semaphore_mem>>) src(%arg16 : memref<125x128xf32, #tpu.memory_space<vmem>>) dst(%dma_wait3A_360 : memref<10240x128xf32, #tpu.memory_space<vmem_shared>>)
        tpu.yield
      }) : () -> ()
      %dma_wait3A_325 = arith.constant 0 : i32
      %dma_wait3A_326 = arith.constant 0 : i32
      %dma_wait3A_327 = tpu.memref_slice %arg3[%add3A_300, %dma_wait3A_325, %dma_wait3A_326] : memref<2560x1x125xi32, #tpu.memory_space<hbm>> -> memref<1x1x125xi32, #tpu.memory_space<hbm>>
      %dma_wait3A_328 = tpu.memref_squeeze %dma_wait3A_327 : memref<1x1x125xi32, #tpu.memory_space<hbm>> -> memref<1x125xi32, #tpu.memory_space<hbm>>
      %dma_wait3A_329 = arith.constant 0 : i32
      %dma_wait3A_330 = arith.constant 0 : i32
      %dma_wait3A_331 = tpu.memref_slice %arg3[%add3A_300, %dma_wait3A_329, %dma_wait3A_330] : memref<2560x1x125xi32, #tpu.memory_space<hbm>> -> memref<1x1x125xi32, #tpu.memory_space<hbm>>
      %dma_wait3A_332 = tpu.memref_squeeze %dma_wait3A_331 : memref<1x1x125xi32, #tpu.memory_space<hbm>> -> memref<1x125xi32, #tpu.memory_space<hbm>>
      tpu.wait_dma2 semaphore(%arg20 : memref<!tpu.dma_semaphore, #tpu.memory_space<semaphore_mem>>) src(%dma_wait3A_332 : memref<1x125xi32, #tpu.memory_space<hbm>>) dst(%arg11 : memref<1x125xi32, #tpu.memory_space<vmem>>)
      %dma_wait3A_333 = arith.constant 0 : i32
      %dma_wait3A_334 = arith.constant 0 : i32
      %dma_wait3A_335 = tpu.memref_slice %arg4[%add3A_300, %dma_wait3A_333, %dma_wait3A_334] : memref<2560x1x125xi32, #tpu.memory_space<hbm>> -> memref<1x1x125xi32, #tpu.memory_space<hbm>>
      %dma_wait3A_336 = tpu.memref_squeeze %dma_wait3A_335 : memref<1x1x125xi32, #tpu.memory_space<hbm>> -> memref<1x125xi32, #tpu.memory_space<hbm>>
      %dma_wait3A_337 = arith.constant 0 : i32
      %dma_wait3A_338 = arith.constant 0 : i32
      %dma_wait3A_339 = tpu.memref_slice %arg4[%add3A_300, %dma_wait3A_337, %dma_wait3A_338] : memref<2560x1x125xi32, #tpu.memory_space<hbm>> -> memref<1x1x125xi32, #tpu.memory_space<hbm>>
      %dma_wait3A_340 = tpu.memref_squeeze %dma_wait3A_339 : memref<1x1x125xi32, #tpu.memory_space<hbm>> -> memref<1x125xi32, #tpu.memory_space<hbm>>
      tpu.wait_dma2 semaphore(%arg20 : memref<!tpu.dma_semaphore, #tpu.memory_space<semaphore_mem>>) src(%dma_wait3A_340 : memref<1x125xi32, #tpu.memory_space<hbm>>) dst(%arg12 : memref<1x125xi32, #tpu.memory_space<vmem>>)
      %dma_start3A_341 = arith.constant 0 : i32
      %dma_start3A_342 = arith.constant 0 : i32
      %dma_start3A_343 = tpu.memref_slice %arg11[%dma_start3A_341, %dma_start3A_342] : memref<1x125xi32, #tpu.memory_space<vmem>> -> memref<1x125xi32, #tpu.memory_space<vmem>>
      %dma_start3A_344 = tpu.memref_squeeze %dma_start3A_343 : memref<1x125xi32, #tpu.memory_space<vmem>> -> memref<125xi32, #tpu.memory_space<vmem>>
      %dma_start3A_345 = arith.constant 0 : i32
      %dma_start3A_346 = arith.constant 0 : i32
      %dma_start3A_347 = tpu.memref_slice %arg2[%dma_start3A_345, %dma_start3A_346] : memref<10000x128xf32, #tpu.memory_space<hbm>> -> memref<10000x128xf32, #tpu.memory_space<hbm>>
      tpu.enqueue_indirect_dma source(%dma_start3A_347 : memref<10000x128xf32, #tpu.memory_space<hbm>>) target(%arg16 : memref<125x128xf32, #tpu.memory_space<vmem>>) offsets(%dma_start3A_344 : memref<125xi32, #tpu.memory_space<vmem>>) semaphore(%arg19 : memref<!tpu.dma_semaphore, #tpu.memory_space<semaphore_mem>>)
    }
    %scan3A_25 = arith.constant 19 : i32
    %add3A_26 = arith.constant 80 : i32
    %add3A_27 = arith.addi %mul3A_2, %add3A_26 : i32
    %sub3A = arith.constant 2 : i32
    %sub3A_28 = arith.subi %add3A_27, %sub3A : i32
    %dma_start3A_29 = arith.constant 0 : i32
    %dma_start3A_30 = arith.constant 0 : i32
    %dma_start3A_31 = tpu.memref_slice %arg3[%sub3A_28, %dma_start3A_29, %dma_start3A_30] : memref<2560x1x125xi32, #tpu.memory_space<hbm>> -> memref<1x1x125xi32, #tpu.memory_space<hbm>>
    %dma_start3A_32 = tpu.memref_squeeze %dma_start3A_31 : memref<1x1x125xi32, #tpu.memory_space<hbm>> -> memref<1x125xi32, #tpu.memory_space<hbm>>
    %dma_start3A_33 = arith.constant 0 : i32
    %dma_start3A_34 = arith.constant 0 : i32
    %dma_start3A_35 = tpu.memref_slice %arg3[%sub3A_28, %dma_start3A_33, %dma_start3A_34] : memref<2560x1x125xi32, #tpu.memory_space<hbm>> -> memref<1x1x125xi32, #tpu.memory_space<hbm>>
    %dma_start3A_36 = tpu.memref_squeeze %dma_start3A_35 : memref<1x1x125xi32, #tpu.memory_space<hbm>> -> memref<1x125xi32, #tpu.memory_space<hbm>>
    tpu.enqueue_dma source(%dma_start3A_36 : memref<1x125xi32, #tpu.memory_space<hbm>>) target(%arg9 : memref<1x125xi32, #tpu.memory_space<vmem>>) target_semaphore(%arg20 : memref<!tpu.dma_semaphore, #tpu.memory_space<semaphore_mem>>)
    %dma_start3A_37 = arith.constant 0 : i32
    %dma_start3A_38 = arith.constant 0 : i32
    %dma_start3A_39 = tpu.memref_slice %arg4[%sub3A_28, %dma_start3A_37, %dma_start3A_38] : memref<2560x1x125xi32, #tpu.memory_space<hbm>> -> memref<1x1x125xi32, #tpu.memory_space<hbm>>
    %dma_start3A_40 = tpu.memref_squeeze %dma_start3A_39 : memref<1x1x125xi32, #tpu.memory_space<hbm>> -> memref<1x125xi32, #tpu.memory_space<hbm>>
    %dma_start3A_41 = arith.constant 0 : i32
    %dma_start3A_42 = arith.constant 0 : i32
    %dma_start3A_43 = tpu.memref_slice %arg4[%sub3A_28, %dma_start3A_41, %dma_start3A_42] : memref<2560x1x125xi32, #tpu.memory_space<hbm>> -> memref<1x1x125xi32, #tpu.memory_space<hbm>>
    %dma_start3A_44 = tpu.memref_squeeze %dma_start3A_43 : memref<1x1x125xi32, #tpu.memory_space<hbm>> -> memref<1x125xi32, #tpu.memory_space<hbm>>
    tpu.enqueue_dma source(%dma_start3A_44 : memref<1x125xi32, #tpu.memory_space<hbm>>) target(%arg10 : memref<1x125xi32, #tpu.memory_space<vmem>>) target_semaphore(%arg20 : memref<!tpu.dma_semaphore, #tpu.memory_space<semaphore_mem>>)
    %dma_wait3A = arith.constant 0 : i32
    %dma_wait3A_45 = arith.constant 0 : i32
    %dma_wait3A_46 = tpu.memref_slice %arg9[%dma_wait3A, %dma_wait3A_45] : memref<1x125xi32, #tpu.memory_space<vmem>> -> memref<1x125xi32, #tpu.memory_space<vmem>>
    %dma_wait3A_47 = tpu.memref_squeeze %dma_wait3A_46 : memref<1x125xi32, #tpu.memory_space<vmem>> -> memref<125xi32, #tpu.memory_space<vmem>>
    %dma_wait3A_48 = arith.constant 0 : i32
    %dma_wait3A_49 = arith.constant 0 : i32
    %dma_wait3A_50 = tpu.memref_slice %arg2[%dma_wait3A_48, %dma_wait3A_49] : memref<10000x128xf32, #tpu.memory_space<hbm>> -> memref<10000x128xf32, #tpu.memory_space<hbm>>
    tpu.wait_indirect_dma semaphore(%arg18 : memref<!tpu.dma_semaphore, #tpu.memory_space<semaphore_mem>>) src(%dma_wait3A_50 : memref<10000x128xf32, #tpu.memory_space<hbm>>) dst(%arg15 : memref<125x128xf32, #tpu.memory_space<vmem>>)
    %run_scoped3A = arith.constant 0 : i32
    "tpu.region"() ({
      %run_scoped3A_146 = tpu.sem_alloc : memref<!tpu.dma_semaphore, #tpu.memory_space<semaphore_mem>>
      %dma_start3A_147 = arith.constant 0 : i32
      %dma_start3A_148 = tpu.memref_slice %arg8[%run_scoped3A, %dma_start3A_147] : memref<1x125xi32, #tpu.memory_space<vmem>> -> memref<1x125xi32, #tpu.memory_space<vmem>>
      %dma_start3A_149 = tpu.memref_squeeze %dma_start3A_148 : memref<1x125xi32, #tpu.memory_space<vmem>> -> memref<125xi32, #tpu.memory_space<vmem>>
      %dma_start3A_150 = arith.constant 0 : i32
      %dma_start3A_151 = arith.constant 0 : i32
      %dma_start3A_152 = tpu.memref_slice %arg17[%dma_start3A_150, %dma_start3A_151] : memref<10240x128xf32, #tpu.memory_space<vmem_shared>> -> memref<10240x128xf32, #tpu.memory_space<vmem_shared>>
      tpu.enqueue_indirect_dma source(%arg15 : memref<125x128xf32, #tpu.memory_space<vmem>>) target(%dma_start3A_152 : memref<10240x128xf32, #tpu.memory_space<vmem_shared>>) offsets(%dma_start3A_149 : memref<125xi32, #tpu.memory_space<vmem>>) semaphore(%run_scoped3A_146 : memref<!tpu.dma_semaphore, #tpu.memory_space<semaphore_mem>>) {add = true}
      %dma_wait3A_153 = arith.constant 0 : i32
      %dma_wait3A_154 = tpu.memref_slice %arg8[%run_scoped3A, %dma_wait3A_153] : memref<1x125xi32, #tpu.memory_space<vmem>> -> memref<1x125xi32, #tpu.memory_space<vmem>>
      %dma_wait3A_155 = tpu.memref_squeeze %dma_wait3A_154 : memref<1x125xi32, #tpu.memory_space<vmem>> -> memref<125xi32, #tpu.memory_space<vmem>>
      %dma_wait3A_156 = arith.constant 0 : i32
      %dma_wait3A_157 = arith.constant 0 : i32
      %dma_wait3A_158 = tpu.memref_slice %arg17[%dma_wait3A_156, %dma_wait3A_157] : memref<10240x128xf32, #tpu.memory_space<vmem_shared>> -> memref<10240x128xf32, #tpu.memory_space<vmem_shared>>
      tpu.wait_indirect_dma semaphore(%run_scoped3A_146 : memref<!tpu.dma_semaphore, #tpu.memory_space<semaphore_mem>>) src(%arg15 : memref<125x128xf32, #tpu.memory_space<vmem>>) dst(%dma_wait3A_158 : memref<10240x128xf32, #tpu.memory_space<vmem_shared>>)
      tpu.yield
    }) : () -> ()
    %dma_wait3A_51 = arith.constant 0 : i32
    %dma_wait3A_52 = arith.constant 0 : i32
    %dma_wait3A_53 = tpu.memref_slice %arg3[%sub3A_28, %dma_wait3A_51, %dma_wait3A_52] : memref<2560x1x125xi32, #tpu.memory_space<hbm>> -> memref<1x1x125xi32, #tpu.memory_space<hbm>>
    %dma_wait3A_54 = tpu.memref_squeeze %dma_wait3A_53 : memref<1x1x125xi32, #tpu.memory_space<hbm>> -> memref<1x125xi32, #tpu.memory_space<hbm>>
    %dma_wait3A_55 = arith.constant 0 : i32
    %dma_wait3A_56 = arith.constant 0 : i32
    %dma_wait3A_57 = tpu.memref_slice %arg3[%sub3A_28, %dma_wait3A_55, %dma_wait3A_56] : memref<2560x1x125xi32, #tpu.memory_space<hbm>> -> memref<1x1x125xi32, #tpu.memory_space<hbm>>
    %dma_wait3A_58 = tpu.memref_squeeze %dma_wait3A_57 : memref<1x1x125xi32, #tpu.memory_space<hbm>> -> memref<1x125xi32, #tpu.memory_space<hbm>>
    tpu.wait_dma2 semaphore(%arg20 : memref<!tpu.dma_semaphore, #tpu.memory_space<semaphore_mem>>) src(%dma_wait3A_58 : memref<1x125xi32, #tpu.memory_space<hbm>>) dst(%arg9 : memref<1x125xi32, #tpu.memory_space<vmem>>)
    %dma_wait3A_59 = arith.constant 0 : i32
    %dma_wait3A_60 = arith.constant 0 : i32
    %dma_wait3A_61 = tpu.memref_slice %arg4[%sub3A_28, %dma_wait3A_59, %dma_wait3A_60] : memref<2560x1x125xi32, #tpu.memory_space<hbm>> -> memref<1x1x125xi32, #tpu.memory_space<hbm>>
    %dma_wait3A_62 = tpu.memref_squeeze %dma_wait3A_61 : memref<1x1x125xi32, #tpu.memory_space<hbm>> -> memref<1x125xi32, #tpu.memory_space<hbm>>
    %dma_wait3A_63 = arith.constant 0 : i32
    %dma_wait3A_64 = arith.constant 0 : i32
    %dma_wait3A_65 = tpu.memref_slice %arg4[%sub3A_28, %dma_wait3A_63, %dma_wait3A_64] : memref<2560x1x125xi32, #tpu.memory_space<hbm>> -> memref<1x1x125xi32, #tpu.memory_space<hbm>>
    %dma_wait3A_66 = tpu.memref_squeeze %dma_wait3A_65 : memref<1x1x125xi32, #tpu.memory_space<hbm>> -> memref<1x125xi32, #tpu.memory_space<hbm>>
    tpu.wait_dma2 semaphore(%arg20 : memref<!tpu.dma_semaphore, #tpu.memory_space<semaphore_mem>>) src(%dma_wait3A_66 : memref<1x125xi32, #tpu.memory_space<hbm>>) dst(%arg10 : memref<1x125xi32, #tpu.memory_space<vmem>>)
    %dma_start3A_67 = arith.constant 0 : i32
    %dma_start3A_68 = arith.constant 0 : i32
    %dma_start3A_69 = tpu.memref_slice %arg9[%dma_start3A_67, %dma_start3A_68] : memref<1x125xi32, #tpu.memory_space<vmem>> -> memref<1x125xi32, #tpu.memory_space<vmem>>
    %dma_start3A_70 = tpu.memref_squeeze %dma_start3A_69 : memref<1x125xi32, #tpu.memory_space<vmem>> -> memref<125xi32, #tpu.memory_space<vmem>>
    %dma_start3A_71 = arith.constant 0 : i32
    %dma_start3A_72 = arith.constant 0 : i32
    %dma_start3A_73 = tpu.memref_slice %arg2[%dma_start3A_71, %dma_start3A_72] : memref<10000x128xf32, #tpu.memory_space<hbm>> -> memref<10000x128xf32, #tpu.memory_space<hbm>>
    tpu.enqueue_indirect_dma source(%dma_start3A_73 : memref<10000x128xf32, #tpu.memory_space<hbm>>) target(%arg15 : memref<125x128xf32, #tpu.memory_space<vmem>>) offsets(%dma_start3A_70 : memref<125xi32, #tpu.memory_space<vmem>>) semaphore(%arg18 : memref<!tpu.dma_semaphore, #tpu.memory_space<semaphore_mem>>)
    %add3A_74 = arith.constant 80 : i32
    %add3A_75 = arith.addi %mul3A_2, %add3A_74 : i32
    %sub3A_76 = arith.constant 1 : i32
    %sub3A_77 = arith.subi %add3A_75, %sub3A_76 : i32
    %dma_start3A_78 = arith.constant 0 : i32
    %dma_start3A_79 = arith.constant 0 : i32
    %dma_start3A_80 = tpu.memref_slice %arg3[%sub3A_77, %dma_start3A_78, %dma_start3A_79] : memref<2560x1x125xi32, #tpu.memory_space<hbm>> -> memref<1x1x125xi32, #tpu.memory_space<hbm>>
    %dma_start3A_81 = tpu.memref_squeeze %dma_start3A_80 : memref<1x1x125xi32, #tpu.memory_space<hbm>> -> memref<1x125xi32, #tpu.memory_space<hbm>>
    %dma_start3A_82 = arith.constant 0 : i32
    %dma_start3A_83 = arith.constant 0 : i32
    %dma_start3A_84 = tpu.memref_slice %arg3[%sub3A_77, %dma_start3A_82, %dma_start3A_83] : memref<2560x1x125xi32, #tpu.memory_space<hbm>> -> memref<1x1x125xi32, #tpu.memory_space<hbm>>
    %dma_start3A_85 = tpu.memref_squeeze %dma_start3A_84 : memref<1x1x125xi32, #tpu.memory_space<hbm>> -> memref<1x125xi32, #tpu.memory_space<hbm>>
    tpu.enqueue_dma source(%dma_start3A_85 : memref<1x125xi32, #tpu.memory_space<hbm>>) target(%arg13 : memref<1x125xi32, #tpu.memory_space<vmem>>) target_semaphore(%arg20 : memref<!tpu.dma_semaphore, #tpu.memory_space<semaphore_mem>>)
    %dma_start3A_86 = arith.constant 0 : i32
    %dma_start3A_87 = arith.constant 0 : i32
    %dma_start3A_88 = tpu.memref_slice %arg4[%sub3A_77, %dma_start3A_86, %dma_start3A_87] : memref<2560x1x125xi32, #tpu.memory_space<hbm>> -> memref<1x1x125xi32, #tpu.memory_space<hbm>>
    %dma_start3A_89 = tpu.memref_squeeze %dma_start3A_88 : memref<1x1x125xi32, #tpu.memory_space<hbm>> -> memref<1x125xi32, #tpu.memory_space<hbm>>
    %dma_start3A_90 = arith.constant 0 : i32
    %dma_start3A_91 = arith.constant 0 : i32
    %dma_start3A_92 = tpu.memref_slice %arg4[%sub3A_77, %dma_start3A_90, %dma_start3A_91] : memref<2560x1x125xi32, #tpu.memory_space<hbm>> -> memref<1x1x125xi32, #tpu.memory_space<hbm>>
    %dma_start3A_93 = tpu.memref_squeeze %dma_start3A_92 : memref<1x1x125xi32, #tpu.memory_space<hbm>> -> memref<1x125xi32, #tpu.memory_space<hbm>>
    tpu.enqueue_dma source(%dma_start3A_93 : memref<1x125xi32, #tpu.memory_space<hbm>>) target(%arg14 : memref<1x125xi32, #tpu.memory_space<vmem>>) target_semaphore(%arg20 : memref<!tpu.dma_semaphore, #tpu.memory_space<semaphore_mem>>)
    %dma_wait3A_94 = arith.constant 0 : i32
    %dma_wait3A_95 = arith.constant 0 : i32
    %dma_wait3A_96 = tpu.memref_slice %arg13[%dma_wait3A_94, %dma_wait3A_95] : memref<1x125xi32, #tpu.memory_space<vmem>> -> memref<1x125xi32, #tpu.memory_space<vmem>>
    %dma_wait3A_97 = tpu.memref_squeeze %dma_wait3A_96 : memref<1x125xi32, #tpu.memory_space<vmem>> -> memref<125xi32, #tpu.memory_space<vmem>>
    %dma_wait3A_98 = arith.constant 0 : i32
    %dma_wait3A_99 = arith.constant 0 : i32
    %dma_wait3A_100 = tpu.memref_slice %arg2[%dma_wait3A_98, %dma_wait3A_99] : memref<10000x128xf32, #tpu.memory_space<hbm>> -> memref<10000x128xf32, #tpu.memory_space<hbm>>
    tpu.wait_indirect_dma semaphore(%arg19 : memref<!tpu.dma_semaphore, #tpu.memory_space<semaphore_mem>>) src(%dma_wait3A_100 : memref<10000x128xf32, #tpu.memory_space<hbm>>) dst(%arg16 : memref<125x128xf32, #tpu.memory_space<vmem>>)
    %run_scoped3A_101 = arith.constant 0 : i32
    "tpu.region"() ({
      %run_scoped3A_146 = tpu.sem_alloc : memref<!tpu.dma_semaphore, #tpu.memory_space<semaphore_mem>>
      %dma_start3A_147 = arith.constant 0 : i32
      %dma_start3A_148 = tpu.memref_slice %arg12[%run_scoped3A_101, %dma_start3A_147] : memref<1x125xi32, #tpu.memory_space<vmem>> -> memref<1x125xi32, #tpu.memory_space<vmem>>
      %dma_start3A_149 = tpu.memref_squeeze %dma_start3A_148 : memref<1x125xi32, #tpu.memory_space<vmem>> -> memref<125xi32, #tpu.memory_space<vmem>>
      %dma_start3A_150 = arith.constant 0 : i32
      %dma_start3A_151 = arith.constant 0 : i32
      %dma_start3A_152 = tpu.memref_slice %arg17[%dma_start3A_150, %dma_start3A_151] : memref<10240x128xf32, #tpu.memory_space<vmem_shared>> -> memref<10240x128xf32, #tpu.memory_space<vmem_shared>>
      tpu.enqueue_indirect_dma source(%arg16 : memref<125x128xf32, #tpu.memory_space<vmem>>) target(%dma_start3A_152 : memref<10240x128xf32, #tpu.memory_space<vmem_shared>>) offsets(%dma_start3A_149 : memref<125xi32, #tpu.memory_space<vmem>>) semaphore(%run_scoped3A_146 : memref<!tpu.dma_semaphore, #tpu.memory_space<semaphore_mem>>) {add = true}
      %dma_wait3A_153 = arith.constant 0 : i32
      %dma_wait3A_154 = tpu.memref_slice %arg12[%run_scoped3A_101, %dma_wait3A_153] : memref<1x125xi32, #tpu.memory_space<vmem>> -> memref<1x125xi32, #tpu.memory_space<vmem>>
      %dma_wait3A_155 = tpu.memref_squeeze %dma_wait3A_154 : memref<1x125xi32, #tpu.memory_space<vmem>> -> memref<125xi32, #tpu.memory_space<vmem>>
      %dma_wait3A_156 = arith.constant 0 : i32
      %dma_wait3A_157 = arith.constant 0 : i32
      %dma_wait3A_158 = tpu.memref_slice %arg17[%dma_wait3A_156, %dma_wait3A_157] : memref<10240x128xf32, #tpu.memory_space<vmem_shared>> -> memref<10240x128xf32, #tpu.memory_space<vmem_shared>>
      tpu.wait_indirect_dma semaphore(%run_scoped3A_146 : memref<!tpu.dma_semaphore, #tpu.memory_space<semaphore_mem>>) src(%arg16 : memref<125x128xf32, #tpu.memory_space<vmem>>) dst(%dma_wait3A_158 : memref<10240x128xf32, #tpu.memory_space<vmem_shared>>)
      tpu.yield
    }) : () -> ()
    %dma_wait3A_102 = arith.constant 0 : i32
    %dma_wait3A_103 = arith.constant 0 : i32
    %dma_wait3A_104 = tpu.memref_slice %arg3[%sub3A_77, %dma_wait3A_102, %dma_wait3A_103] : memref<2560x1x125xi32, #tpu.memory_space<hbm>> -> memref<1x1x125xi32, #tpu.memory_space<hbm>>
    %dma_wait3A_105 = tpu.memref_squeeze %dma_wait3A_104 : memref<1x1x125xi32, #tpu.memory_space<hbm>> -> memref<1x125xi32, #tpu.memory_space<hbm>>
    %dma_wait3A_106 = arith.constant 0 : i32
    %dma_wait3A_107 = arith.constant 0 : i32
    %dma_wait3A_108 = tpu.memref_slice %arg3[%sub3A_77, %dma_wait3A_106, %dma_wait3A_107] : memref<2560x1x125xi32, #tpu.memory_space<hbm>> -> memref<1x1x125xi32, #tpu.memory_space<hbm>>
    %dma_wait3A_109 = tpu.memref_squeeze %dma_wait3A_108 : memref<1x1x125xi32, #tpu.memory_space<hbm>> -> memref<1x125xi32, #tpu.memory_space<hbm>>
    tpu.wait_dma2 semaphore(%arg20 : memref<!tpu.dma_semaphore, #tpu.memory_space<semaphore_mem>>) src(%dma_wait3A_109 : memref<1x125xi32, #tpu.memory_space<hbm>>) dst(%arg13 : memref<1x125xi32, #tpu.memory_space<vmem>>)
    %dma_wait3A_110 = arith.constant 0 : i32
    %dma_wait3A_111 = arith.constant 0 : i32
    %dma_wait3A_112 = tpu.memref_slice %arg4[%sub3A_77, %dma_wait3A_110, %dma_wait3A_111] : memref<2560x1x125xi32, #tpu.memory_space<hbm>> -> memref<1x1x125xi32, #tpu.memory_space<hbm>>
    %dma_wait3A_113 = tpu.memref_squeeze %dma_wait3A_112 : memref<1x1x125xi32, #tpu.memory_space<hbm>> -> memref<1x125xi32, #tpu.memory_space<hbm>>
    %dma_wait3A_114 = arith.constant 0 : i32
    %dma_wait3A_115 = arith.constant 0 : i32
    %dma_wait3A_116 = tpu.memref_slice %arg4[%sub3A_77, %dma_wait3A_114, %dma_wait3A_115] : memref<2560x1x125xi32, #tpu.memory_space<hbm>> -> memref<1x1x125xi32, #tpu.memory_space<hbm>>
    %dma_wait3A_117 = tpu.memref_squeeze %dma_wait3A_116 : memref<1x1x125xi32, #tpu.memory_space<hbm>> -> memref<1x125xi32, #tpu.memory_space<hbm>>
    tpu.wait_dma2 semaphore(%arg20 : memref<!tpu.dma_semaphore, #tpu.memory_space<semaphore_mem>>) src(%dma_wait3A_117 : memref<1x125xi32, #tpu.memory_space<hbm>>) dst(%arg14 : memref<1x125xi32, #tpu.memory_space<vmem>>)
    %dma_start3A_118 = arith.constant 0 : i32
    %dma_start3A_119 = arith.constant 0 : i32
    %dma_start3A_120 = tpu.memref_slice %arg13[%dma_start3A_118, %dma_start3A_119] : memref<1x125xi32, #tpu.memory_space<vmem>> -> memref<1x125xi32, #tpu.memory_space<vmem>>
    %dma_start3A_121 = tpu.memref_squeeze %dma_start3A_120 : memref<1x125xi32, #tpu.memory_space<vmem>> -> memref<125xi32, #tpu.memory_space<vmem>>
    %dma_start3A_122 = arith.constant 0 : i32
    %dma_start3A_123 = arith.constant 0 : i32
    %dma_start3A_124 = tpu.memref_slice %arg2[%dma_start3A_122, %dma_start3A_123] : memref<10000x128xf32, #tpu.memory_space<hbm>> -> memref<10000x128xf32, #tpu.memory_space<hbm>>
    tpu.enqueue_indirect_dma source(%dma_start3A_124 : memref<10000x128xf32, #tpu.memory_space<hbm>>) target(%arg16 : memref<125x128xf32, #tpu.memory_space<vmem>>) offsets(%dma_start3A_121 : memref<125xi32, #tpu.memory_space<vmem>>) semaphore(%arg19 : memref<!tpu.dma_semaphore, #tpu.memory_space<semaphore_mem>>)
    %dma_wait3A_125 = arith.constant 0 : i32
    %dma_wait3A_126 = arith.constant 0 : i32
    %dma_wait3A_127 = tpu.memref_slice %arg9[%dma_wait3A_125, %dma_wait3A_126] : memref<1x125xi32, #tpu.memory_space<vmem>> -> memref<1x125xi32, #tpu.memory_space<vmem>>
    %dma_wait3A_128 = tpu.memref_squeeze %dma_wait3A_127 : memref<1x125xi32, #tpu.memory_space<vmem>> -> memref<125xi32, #tpu.memory_space<vmem>>
    %dma_wait3A_129 = arith.constant 0 : i32
    %dma_wait3A_130 = arith.constant 0 : i32
    %dma_wait3A_131 = tpu.memref_slice %arg2[%dma_wait3A_129, %dma_wait3A_130] : memref<10000x128xf32, #tpu.memory_space<hbm>> -> memref<10000x128xf32, #tpu.memory_space<hbm>>
    tpu.wait_indirect_dma semaphore(%arg18 : memref<!tpu.dma_semaphore, #tpu.memory_space<semaphore_mem>>) src(%dma_wait3A_131 : memref<10000x128xf32, #tpu.memory_space<hbm>>) dst(%arg15 : memref<125x128xf32, #tpu.memory_space<vmem>>)
    %run_scoped3A_132 = arith.constant 0 : i32
    "tpu.region"() ({
      %run_scoped3A_146 = tpu.sem_alloc : memref<!tpu.dma_semaphore, #tpu.memory_space<semaphore_mem>>
      %dma_start3A_147 = arith.constant 0 : i32
      %dma_start3A_148 = tpu.memref_slice %arg10[%run_scoped3A_132, %dma_start3A_147] : memref<1x125xi32, #tpu.memory_space<vmem>> -> memref<1x125xi32, #tpu.memory_space<vmem>>
      %dma_start3A_149 = tpu.memref_squeeze %dma_start3A_148 : memref<1x125xi32, #tpu.memory_space<vmem>> -> memref<125xi32, #tpu.memory_space<vmem>>
      %dma_start3A_150 = arith.constant 0 : i32
      %dma_start3A_151 = arith.constant 0 : i32
      %dma_start3A_152 = tpu.memref_slice %arg17[%dma_start3A_150, %dma_start3A_151] : memref<10240x128xf32, #tpu.memory_space<vmem_shared>> -> memref<10240x128xf32, #tpu.memory_space<vmem_shared>>
      tpu.enqueue_indirect_dma source(%arg15 : memref<125x128xf32, #tpu.memory_space<vmem>>) target(%dma_start3A_152 : memref<10240x128xf32, #tpu.memory_space<vmem_shared>>) offsets(%dma_start3A_149 : memref<125xi32, #tpu.memory_space<vmem>>) semaphore(%run_scoped3A_146 : memref<!tpu.dma_semaphore, #tpu.memory_space<semaphore_mem>>) {add = true}
      %dma_wait3A_153 = arith.constant 0 : i32
      %dma_wait3A_154 = tpu.memref_slice %arg10[%run_scoped3A_132, %dma_wait3A_153] : memref<1x125xi32, #tpu.memory_space<vmem>> -> memref<1x125xi32, #tpu.memory_space<vmem>>
      %dma_wait3A_155 = tpu.memref_squeeze %dma_wait3A_154 : memref<1x125xi32, #tpu.memory_space<vmem>> -> memref<125xi32, #tpu.memory_space<vmem>>
      %dma_wait3A_156 = arith.constant 0 : i32
      %dma_wait3A_157 = arith.constant 0 : i32
      %dma_wait3A_158 = tpu.memref_slice %arg17[%dma_wait3A_156, %dma_wait3A_157] : memref<10240x128xf32, #tpu.memory_space<vmem_shared>> -> memref<10240x128xf32, #tpu.memory_space<vmem_shared>>
      tpu.wait_indirect_dma semaphore(%run_scoped3A_146 : memref<!tpu.dma_semaphore, #tpu.memory_space<semaphore_mem>>) src(%arg15 : memref<125x128xf32, #tpu.memory_space<vmem>>) dst(%dma_wait3A_158 : memref<10240x128xf32, #tpu.memory_space<vmem_shared>>)
      tpu.yield
    }) : () -> ()
    %dma_wait3A_133 = arith.constant 0 : i32
    %dma_wait3A_134 = arith.constant 0 : i32
    %dma_wait3A_135 = tpu.memref_slice %arg13[%dma_wait3A_133, %dma_wait3A_134] : memref<1x125xi32, #tpu.memory_space<vmem>> -> memref<1x125xi32, #tpu.memory_space<vmem>>
    %dma_wait3A_136 = tpu.memref_squeeze %dma_wait3A_135 : memref<1x125xi32, #tpu.memory_space<vmem>> -> memref<125xi32, #tpu.memory_space<vmem>>
    %dma_wait3A_137 = arith.constant 0 : i32
    %dma_wait3A_138 = arith.constant 0 : i32
    %dma_wait3A_139 = tpu.memref_slice %arg2[%dma_wait3A_137, %dma_wait3A_138] : memref<10000x128xf32, #tpu.memory_space<hbm>> -> memref<10000x128xf32, #tpu.memory_space<hbm>>
    tpu.wait_indirect_dma semaphore(%arg19 : memref<!tpu.dma_semaphore, #tpu.memory_space<semaphore_mem>>) src(%dma_wait3A_139 : memref<10000x128xf32, #tpu.memory_space<hbm>>) dst(%arg16 : memref<125x128xf32, #tpu.memory_space<vmem>>)
    %run_scoped3A_140 = arith.constant 0 : i32
    "tpu.region"() ({
      %run_scoped3A_146 = tpu.sem_alloc : memref<!tpu.dma_semaphore, #tpu.memory_space<semaphore_mem>>
      %dma_start3A_147 = arith.constant 0 : i32
      %dma_start3A_148 = tpu.memref_slice %arg14[%run_scoped3A_140, %dma_start3A_147] : memref<1x125xi32, #tpu.memory_space<vmem>> -> memref<1x125xi32, #tpu.memory_space<vmem>>
      %dma_start3A_149 = tpu.memref_squeeze %dma_start3A_148 : memref<1x125xi32, #tpu.memory_space<vmem>> -> memref<125xi32, #tpu.memory_space<vmem>>
      %dma_start3A_150 = arith.constant 0 : i32
      %dma_start3A_151 = arith.constant 0 : i32
      %dma_start3A_152 = tpu.memref_slice %arg17[%dma_start3A_150, %dma_start3A_151] : memref<10240x128xf32, #tpu.memory_space<vmem_shared>> -> memref<10240x128xf32, #tpu.memory_space<vmem_shared>>
      tpu.enqueue_indirect_dma source(%arg16 : memref<125x128xf32, #tpu.memory_space<vmem>>) target(%dma_start3A_152 : memref<10240x128xf32, #tpu.memory_space<vmem_shared>>) offsets(%dma_start3A_149 : memref<125xi32, #tpu.memory_space<vmem>>) semaphore(%run_scoped3A_146 : memref<!tpu.dma_semaphore, #tpu.memory_space<semaphore_mem>>) {add = true}
      %dma_wait3A_153 = arith.constant 0 : i32
      %dma_wait3A_154 = tpu.memref_slice %arg14[%run_scoped3A_140, %dma_wait3A_153] : memref<1x125xi32, #tpu.memory_space<vmem>> -> memref<1x125xi32, #tpu.memory_space<vmem>>
      %dma_wait3A_155 = tpu.memref_squeeze %dma_wait3A_154 : memref<1x125xi32, #tpu.memory_space<vmem>> -> memref<125xi32, #tpu.memory_space<vmem>>
      %dma_wait3A_156 = arith.constant 0 : i32
      %dma_wait3A_157 = arith.constant 0 : i32
      %dma_wait3A_158 = tpu.memref_slice %arg17[%dma_wait3A_156, %dma_wait3A_157] : memref<10240x128xf32, #tpu.memory_space<vmem_shared>> -> memref<10240x128xf32, #tpu.memory_space<vmem_shared>>
      tpu.wait_indirect_dma semaphore(%run_scoped3A_146 : memref<!tpu.dma_semaphore, #tpu.memory_space<semaphore_mem>>) src(%arg16 : memref<125x128xf32, #tpu.memory_space<vmem>>) dst(%dma_wait3A_158 : memref<10240x128xf32, #tpu.memory_space<vmem_shared>>)
      tpu.yield
    }) : () -> ()
    %barrier3A_141 = arith.constant 0 : index
    tpu.barrier barrier_id(%barrier3A_141)
    %mul3A_142 = arith.constant 640 : i32
    %mul3A_143 = arith.muli %arg1, %mul3A_142 : i32
    %mul3A_144 = arith.constant 640 : i32
    %mul3A_145 = arith.muli %arg1, %mul3A_144 : i32
    "tpu.region"() ({
      %run_scoped3A_146 = tpu.sem_alloc : memref<!tpu.dma_semaphore, #tpu.memory_space<semaphore_mem>>
      %dma_start3A_147 = arith.constant 0 : i32
      %dma_start3A_148 = arith.constant 0 : i32
      %dma_start3A_149 = tpu.memref_slice %arg6[%arg0, %dma_start3A_147, %dma_start3A_148] : memref<2x10240x128xf32, #tpu.memory_space<hbm>> -> memref<1x10240x128xf32, #tpu.memory_space<hbm>>
      %dma_start3A_150 = tpu.memref_squeeze %dma_start3A_149 : memref<1x10240x128xf32, #tpu.memory_space<hbm>> -> memref<10240x128xf32, #tpu.memory_space<hbm>>
      %dma_start3A_151 = arith.constant 0 : i32
      %dma_start3A_152 = tpu.memref_slice %dma_start3A_150[%mul3A_145, %dma_start3A_151] : memref<10240x128xf32, #tpu.memory_space<hbm>> -> memref<640x128xf32, #tpu.memory_space<hbm>>
      %dma_start3A_153 = arith.constant 0 : i32
      %dma_start3A_154 = tpu.memref_slice %arg17[%mul3A_143, %dma_start3A_153] : memref<10240x128xf32, #tpu.memory_space<vmem_shared>> -> memref<640x128xf32, #tpu.memory_space<vmem_shared>>
      tpu.enqueue_dma source(%dma_start3A_154 : memref<640x128xf32, #tpu.memory_space<vmem_shared>>) target(%dma_start3A_152 : memref<640x128xf32, #tpu.memory_space<hbm>>) target_semaphore(%run_scoped3A_146 : memref<!tpu.dma_semaphore, #tpu.memory_space<semaphore_mem>>)
      %dma_wait3A_155 = arith.constant 0 : i32
      %dma_wait3A_156 = arith.constant 0 : i32
      %dma_wait3A_157 = tpu.memref_slice %arg6[%arg0, %dma_wait3A_155, %dma_wait3A_156] : memref<2x10240x128xf32, #tpu.memory_space<hbm>> -> memref<1x10240x128xf32, #tpu.memory_space<hbm>>
      %dma_wait3A_158 = tpu.memref_squeeze %dma_wait3A_157 : memref<1x10240x128xf32, #tpu.memory_space<hbm>> -> memref<10240x128xf32, #tpu.memory_space<hbm>>
      %dma_wait3A_159 = arith.constant 0 : i32
      %dma_wait3A_160 = tpu.memref_slice %dma_wait3A_158[%mul3A_145, %dma_wait3A_159] : memref<10240x128xf32, #tpu.memory_space<hbm>> -> memref<640x128xf32, #tpu.memory_space<hbm>>
      %dma_wait3A_161 = arith.constant 0 : i32
      %dma_wait3A_162 = tpu.memref_slice %arg17[%mul3A_143, %dma_wait3A_161] : memref<10240x128xf32, #tpu.memory_space<vmem_shared>> -> memref<640x128xf32, #tpu.memory_space<vmem_shared>>
      tpu.wait_dma2 semaphore(%run_scoped3A_146 : memref<!tpu.dma_semaphore, #tpu.memory_space<semaphore_mem>>) src(%dma_wait3A_162 : memref<640x128xf32, #tpu.memory_space<vmem_shared>>) dst(%dma_wait3A_160 : memref<640x128xf32, #tpu.memory_space<hbm>>)
      tpu.yield
    }) : () -> ()
    return
  }
}

#map = affine_map<(d0, d1) -> (0)>
#map1 = affine_map<(d0, d1) -> (0, 0)>
module attributes {stable_mosaic.version = 14 : i64} {
  func.func @k(%arg0: i32, %arg1: i32, %arg2: memref<10000xi32, #tpu.memory_space<hbm>>, %arg3: memref<160x2000xi32, #tpu.memory_space<hbm>>, %arg4: memref<160x2000xi32, #tpu.memory_space<hbm>>, %arg5: memref<2560xf32, #tpu.memory_space<hbm>>, %arg6: memref<2x40960xf32, #tpu.memory_space<hbm>>, %arg7: memref<2000xi32, #tpu.memory_space<vmem>>, %arg8: memref<2000xi32, #tpu.memory_space<vmem>>, %arg9: memref<2000xi32, #tpu.memory_space<vmem>>, %arg10: memref<2000xi32, #tpu.memory_space<vmem>>, %arg11: memref<2000xi32, #tpu.memory_space<vmem>>, %arg12: memref<2000xi32, #tpu.memory_space<vmem>>, %arg13: memref<2000xi32, #tpu.memory_space<vmem>>, %arg14: memref<2000xi32, #tpu.memory_space<vmem>>, %arg15: memref<2000xf32, #tpu.memory_space<vmem>>, %arg16: memref<40960xf32, #tpu.memory_space<vmem_shared>>, %arg17: memref<!tpu.dma_semaphore, #tpu.memory_space<semaphore_mem>>, %arg18: memref<!tpu.dma_semaphore, #tpu.memory_space<semaphore_mem>>) attributes {dimension_semantics = [#tpu.dimension_semantics<core_parallel>, #tpu.dimension_semantics<subcore_parallel>], iteration_bounds = array<i64: 2, 16>, scalar_prefetch = 0 : i64, scratch_operands = 12 : i64, tpu.core_type = #tpu.core_type<sc_vector_subcore>, window_params = [{transform_indices = #map}, {transform_indices = #map1}, {transform_indices = #map1}, {transform_indices = #map}, {transform_indices = #map1}]} {
    %mul3A = arith.constant 16 : i32
    %mul3A_0 = arith.muli %arg0, %mul3A : i32
    %add3A = arith.addi %mul3A_0, %arg1 : i32
    %mul3A_1 = arith.constant 2560 : i32
    %mul3A_2 = arith.muli %arg1, %mul3A_1 : i32
    "tpu.region"() ({
      %run_scoped3A = tpu.sem_alloc : memref<!tpu.dma_semaphore, #tpu.memory_space<semaphore_mem>>
      %dma_start3A_89 = tpu.memref_slice %arg16[%mul3A_2] : memref<40960xf32, #tpu.memory_space<vmem_shared>> -> memref<2560xf32, #tpu.memory_space<vmem_shared>>
      tpu.enqueue_dma source(%arg5 : memref<2560xf32, #tpu.memory_space<hbm>>) target(%dma_start3A_89 : memref<2560xf32, #tpu.memory_space<vmem_shared>>) target_semaphore(%run_scoped3A : memref<!tpu.dma_semaphore, #tpu.memory_space<semaphore_mem>>)
      %dma_wait3A_90 = tpu.memref_slice %arg16[%mul3A_2] : memref<40960xf32, #tpu.memory_space<vmem_shared>> -> memref<2560xf32, #tpu.memory_space<vmem_shared>>
      tpu.wait_dma2 semaphore(%run_scoped3A : memref<!tpu.dma_semaphore, #tpu.memory_space<semaphore_mem>>) src(%arg5 : memref<2560xf32, #tpu.memory_space<hbm>>) dst(%dma_wait3A_90 : memref<2560xf32, #tpu.memory_space<vmem_shared>>)
      tpu.yield
    }) : () -> ()
    %scan3A = arith.constant 0 : i32
    %scan3A_3 = arith.constant 125 : i32
    %scan3A_4 = arith.addi %scan3A, %scan3A_3 : i32
    %scan3A_5 = arith.constant 1 : i32
    scf.for %scan3A_89 = %scan3A to %scan3A_4 step %scan3A_5  : i32 {
      %mul3A_90 = arith.constant 16 : i32
      %mul3A_91 = arith.muli %scan3A_89, %mul3A_90 : i32
      %add3A_92 = arith.constant 0 : i32
      %add3A_93 = arith.addi %add3A_92, %mul3A_91 : i32
      %broadcast_in_dim3A = arith.constant 1.000000e+00 : f32
      %broadcast_in_dim3A_94 = vector.broadcast %broadcast_in_dim3A : f32 to vector<16xf32>
      %swap3A = arith.index_cast %add3A_93 : i32 to index
      %swap3A_95 = tpu.vector_load %arg15[%swap3A] {strides = array<i32>} : memref<2000xf32, #tpu.memory_space<vmem>>, vector<16xf32>,
      %swap3A_96 = vector.shape_cast %swap3A_95 : vector<16xf32> to vector<16xf32>
      %swap3A_97 = vector.shape_cast %broadcast_in_dim3A_94 : vector<16xf32> to vector<16xf32>
      tpu.vector_store %arg15[%swap3A], %swap3A_97 {strides = array<i32>} : memref<2000xf32, #tpu.memory_space<vmem>>, vector<16xf32>,
    }
    %scan3A_6 = arith.constant 125 : i32
    %barrier3A = arith.constant 0 : index
    tpu.barrier barrier_id(%barrier3A)
    %mul3A_7 = arith.constant 5 : i32
    %mul3A_8 = arith.muli %add3A, %mul3A_7 : i32
    "tpu.region"() ({
      %run_scoped3A = tpu.sem_alloc : memref<!tpu.dma_semaphore, #tpu.memory_space<semaphore_mem>>
      %dma_start3A_89 = arith.constant 0 : i32
      %dma_start3A_90 = tpu.memref_slice %arg3[%mul3A_8, %dma_start3A_89] : memref<160x2000xi32, #tpu.memory_space<hbm>> -> memref<1x2000xi32, #tpu.memory_space<hbm>>
      %dma_start3A_91 = tpu.memref_squeeze %dma_start3A_90 : memref<1x2000xi32, #tpu.memory_space<hbm>> -> memref<2000xi32, #tpu.memory_space<hbm>>
      %dma_start3A_92 = arith.constant 0 : i32
      %dma_start3A_93 = tpu.memref_slice %arg3[%mul3A_8, %dma_start3A_92] : memref<160x2000xi32, #tpu.memory_space<hbm>> -> memref<1x2000xi32, #tpu.memory_space<hbm>>
      %dma_start3A_94 = tpu.memref_squeeze %dma_start3A_93 : memref<1x2000xi32, #tpu.memory_space<hbm>> -> memref<2000xi32, #tpu.memory_space<hbm>>
      tpu.enqueue_dma source(%dma_start3A_94 : memref<2000xi32, #tpu.memory_space<hbm>>) target(%arg7 : memref<2000xi32, #tpu.memory_space<vmem>>) target_semaphore(%run_scoped3A : memref<!tpu.dma_semaphore, #tpu.memory_space<semaphore_mem>>)
      %dma_wait3A_95 = arith.constant 0 : i32
      %dma_wait3A_96 = tpu.memref_slice %arg3[%mul3A_8, %dma_wait3A_95] : memref<160x2000xi32, #tpu.memory_space<hbm>> -> memref<1x2000xi32, #tpu.memory_space<hbm>>
      %dma_wait3A_97 = tpu.memref_squeeze %dma_wait3A_96 : memref<1x2000xi32, #tpu.memory_space<hbm>> -> memref<2000xi32, #tpu.memory_space<hbm>>
      %dma_wait3A_98 = arith.constant 0 : i32
      %dma_wait3A_99 = tpu.memref_slice %arg3[%mul3A_8, %dma_wait3A_98] : memref<160x2000xi32, #tpu.memory_space<hbm>> -> memref<1x2000xi32, #tpu.memory_space<hbm>>
      %dma_wait3A_100 = tpu.memref_squeeze %dma_wait3A_99 : memref<1x2000xi32, #tpu.memory_space<hbm>> -> memref<2000xi32, #tpu.memory_space<hbm>>
      tpu.wait_dma2 semaphore(%run_scoped3A : memref<!tpu.dma_semaphore, #tpu.memory_space<semaphore_mem>>) src(%dma_wait3A_100 : memref<2000xi32, #tpu.memory_space<hbm>>) dst(%arg7 : memref<2000xi32, #tpu.memory_space<vmem>>)
      tpu.yield
    }) : () -> ()
    "tpu.region"() ({
      %run_scoped3A = tpu.sem_alloc : memref<!tpu.dma_semaphore, #tpu.memory_space<semaphore_mem>>
      %dma_start3A_89 = arith.constant 0 : i32
      %dma_start3A_90 = tpu.memref_slice %arg4[%mul3A_8, %dma_start3A_89] : memref<160x2000xi32, #tpu.memory_space<hbm>> -> memref<1x2000xi32, #tpu.memory_space<hbm>>
      %dma_start3A_91 = tpu.memref_squeeze %dma_start3A_90 : memref<1x2000xi32, #tpu.memory_space<hbm>> -> memref<2000xi32, #tpu.memory_space<hbm>>
      %dma_start3A_92 = arith.constant 0 : i32
      %dma_start3A_93 = tpu.memref_slice %arg4[%mul3A_8, %dma_start3A_92] : memref<160x2000xi32, #tpu.memory_space<hbm>> -> memref<1x2000xi32, #tpu.memory_space<hbm>>
      %dma_start3A_94 = tpu.memref_squeeze %dma_start3A_93 : memref<1x2000xi32, #tpu.memory_space<hbm>> -> memref<2000xi32, #tpu.memory_space<hbm>>
      tpu.enqueue_dma source(%dma_start3A_94 : memref<2000xi32, #tpu.memory_space<hbm>>) target(%arg8 : memref<2000xi32, #tpu.memory_space<vmem>>) target_semaphore(%run_scoped3A : memref<!tpu.dma_semaphore, #tpu.memory_space<semaphore_mem>>)
      %dma_wait3A_95 = arith.constant 0 : i32
      %dma_wait3A_96 = tpu.memref_slice %arg4[%mul3A_8, %dma_wait3A_95] : memref<160x2000xi32, #tpu.memory_space<hbm>> -> memref<1x2000xi32, #tpu.memory_space<hbm>>
      %dma_wait3A_97 = tpu.memref_squeeze %dma_wait3A_96 : memref<1x2000xi32, #tpu.memory_space<hbm>> -> memref<2000xi32, #tpu.memory_space<hbm>>
      %dma_wait3A_98 = arith.constant 0 : i32
      %dma_wait3A_99 = tpu.memref_slice %arg4[%mul3A_8, %dma_wait3A_98] : memref<160x2000xi32, #tpu.memory_space<hbm>> -> memref<1x2000xi32, #tpu.memory_space<hbm>>
      %dma_wait3A_100 = tpu.memref_squeeze %dma_wait3A_99 : memref<1x2000xi32, #tpu.memory_space<hbm>> -> memref<2000xi32, #tpu.memory_space<hbm>>
      tpu.wait_dma2 semaphore(%run_scoped3A : memref<!tpu.dma_semaphore, #tpu.memory_space<semaphore_mem>>) src(%dma_wait3A_100 : memref<2000xi32, #tpu.memory_space<hbm>>) dst(%arg8 : memref<2000xi32, #tpu.memory_space<vmem>>)
      tpu.yield
    }) : () -> ()
    %dma_start3A = arith.constant 0 : i32
    %dma_start3A_9 = tpu.memref_slice %arg2[%dma_start3A] : memref<10000xi32, #tpu.memory_space<hbm>> -> memref<10000xi32, #tpu.memory_space<hbm>>
    tpu.enqueue_indirect_dma source(%dma_start3A_9 : memref<10000xi32, #tpu.memory_space<hbm>>) target(%arg9 : memref<2000xi32, #tpu.memory_space<vmem>>) offsets(%arg7 : memref<2000xi32, #tpu.memory_space<vmem>>) semaphore(%arg17 : memref<!tpu.dma_semaphore, #tpu.memory_space<semaphore_mem>>)
    %add3A_10 = arith.constant 0 : i32
    %add3A_11 = arith.addi %mul3A_8, %add3A_10 : i32
    %add3A_12 = arith.constant 1 : i32
    %add3A_13 = arith.addi %add3A_11, %add3A_12 : i32
    "tpu.region"() ({
      %run_scoped3A = tpu.sem_alloc : memref<!tpu.dma_semaphore, #tpu.memory_space<semaphore_mem>>
      %dma_start3A_89 = arith.constant 0 : i32
      %dma_start3A_90 = tpu.memref_slice %arg3[%add3A_13, %dma_start3A_89] : memref<160x2000xi32, #tpu.memory_space<hbm>> -> memref<1x2000xi32, #tpu.memory_space<hbm>>
      %dma_start3A_91 = tpu.memref_squeeze %dma_start3A_90 : memref<1x2000xi32, #tpu.memory_space<hbm>> -> memref<2000xi32, #tpu.memory_space<hbm>>
      %dma_start3A_92 = arith.constant 0 : i32
      %dma_start3A_93 = tpu.memref_slice %arg3[%add3A_13, %dma_start3A_92] : memref<160x2000xi32, #tpu.memory_space<hbm>> -> memref<1x2000xi32, #tpu.memory_space<hbm>>
      %dma_start3A_94 = tpu.memref_squeeze %dma_start3A_93 : memref<1x2000xi32, #tpu.memory_space<hbm>> -> memref<2000xi32, #tpu.memory_space<hbm>>
      tpu.enqueue_dma source(%dma_start3A_94 : memref<2000xi32, #tpu.memory_space<hbm>>) target(%arg11 : memref<2000xi32, #tpu.memory_space<vmem>>) target_semaphore(%run_scoped3A : memref<!tpu.dma_semaphore, #tpu.memory_space<semaphore_mem>>)
      %dma_wait3A_95 = arith.constant 0 : i32
      %dma_wait3A_96 = tpu.memref_slice %arg3[%add3A_13, %dma_wait3A_95] : memref<160x2000xi32, #tpu.memory_space<hbm>> -> memref<1x2000xi32, #tpu.memory_space<hbm>>
      %dma_wait3A_97 = tpu.memref_squeeze %dma_wait3A_96 : memref<1x2000xi32, #tpu.memory_space<hbm>> -> memref<2000xi32, #tpu.memory_space<hbm>>
      %dma_wait3A_98 = arith.constant 0 : i32
      %dma_wait3A_99 = tpu.memref_slice %arg3[%add3A_13, %dma_wait3A_98] : memref<160x2000xi32, #tpu.memory_space<hbm>> -> memref<1x2000xi32, #tpu.memory_space<hbm>>
      %dma_wait3A_100 = tpu.memref_squeeze %dma_wait3A_99 : memref<1x2000xi32, #tpu.memory_space<hbm>> -> memref<2000xi32, #tpu.memory_space<hbm>>
      tpu.wait_dma2 semaphore(%run_scoped3A : memref<!tpu.dma_semaphore, #tpu.memory_space<semaphore_mem>>) src(%dma_wait3A_100 : memref<2000xi32, #tpu.memory_space<hbm>>) dst(%arg11 : memref<2000xi32, #tpu.memory_space<vmem>>)
      tpu.yield
    }) : () -> ()
    %add3A_14 = arith.constant 0 : i32
    %add3A_15 = arith.addi %mul3A_8, %add3A_14 : i32
    %add3A_16 = arith.constant 1 : i32
    %add3A_17 = arith.addi %add3A_15, %add3A_16 : i32
    "tpu.region"() ({
      %run_scoped3A = tpu.sem_alloc : memref<!tpu.dma_semaphore, #tpu.memory_space<semaphore_mem>>
      %dma_start3A_89 = arith.constant 0 : i32
      %dma_start3A_90 = tpu.memref_slice %arg4[%add3A_17, %dma_start3A_89] : memref<160x2000xi32, #tpu.memory_space<hbm>> -> memref<1x2000xi32, #tpu.memory_space<hbm>>
      %dma_start3A_91 = tpu.memref_squeeze %dma_start3A_90 : memref<1x2000xi32, #tpu.memory_space<hbm>> -> memref<2000xi32, #tpu.memory_space<hbm>>
      %dma_start3A_92 = arith.constant 0 : i32
      %dma_start3A_93 = tpu.memref_slice %arg4[%add3A_17, %dma_start3A_92] : memref<160x2000xi32, #tpu.memory_space<hbm>> -> memref<1x2000xi32, #tpu.memory_space<hbm>>
      %dma_start3A_94 = tpu.memref_squeeze %dma_start3A_93 : memref<1x2000xi32, #tpu.memory_space<hbm>> -> memref<2000xi32, #tpu.memory_space<hbm>>
      tpu.enqueue_dma source(%dma_start3A_94 : memref<2000xi32, #tpu.memory_space<hbm>>) target(%arg12 : memref<2000xi32, #tpu.memory_space<vmem>>) target_semaphore(%run_scoped3A : memref<!tpu.dma_semaphore, #tpu.memory_space<semaphore_mem>>)
      %dma_wait3A_95 = arith.constant 0 : i32
      %dma_wait3A_96 = tpu.memref_slice %arg4[%add3A_17, %dma_wait3A_95] : memref<160x2000xi32, #tpu.memory_space<hbm>> -> memref<1x2000xi32, #tpu.memory_space<hbm>>
      %dma_wait3A_97 = tpu.memref_squeeze %dma_wait3A_96 : memref<1x2000xi32, #tpu.memory_space<hbm>> -> memref<2000xi32, #tpu.memory_space<hbm>>
      %dma_wait3A_98 = arith.constant 0 : i32
      %dma_wait3A_99 = tpu.memref_slice %arg4[%add3A_17, %dma_wait3A_98] : memref<160x2000xi32, #tpu.memory_space<hbm>> -> memref<1x2000xi32, #tpu.memory_space<hbm>>
      %dma_wait3A_100 = tpu.memref_squeeze %dma_wait3A_99 : memref<1x2000xi32, #tpu.memory_space<hbm>> -> memref<2000xi32, #tpu.memory_space<hbm>>
      tpu.wait_dma2 semaphore(%run_scoped3A : memref<!tpu.dma_semaphore, #tpu.memory_space<semaphore_mem>>) src(%dma_wait3A_100 : memref<2000xi32, #tpu.memory_space<hbm>>) dst(%arg12 : memref<2000xi32, #tpu.memory_space<vmem>>)
      tpu.yield
    }) : () -> ()
    %dma_start3A_18 = arith.constant 0 : i32
    %dma_start3A_19 = tpu.memref_slice %arg2[%dma_start3A_18] : memref<10000xi32, #tpu.memory_space<hbm>> -> memref<10000xi32, #tpu.memory_space<hbm>>
    tpu.enqueue_indirect_dma source(%dma_start3A_19 : memref<10000xi32, #tpu.memory_space<hbm>>) target(%arg13 : memref<2000xi32, #tpu.memory_space<vmem>>) offsets(%arg11 : memref<2000xi32, #tpu.memory_space<vmem>>) semaphore(%arg18 : memref<!tpu.dma_semaphore, #tpu.memory_space<semaphore_mem>>)
    %dma_wait3A = arith.constant 0 : i32
    %dma_wait3A_20 = tpu.memref_slice %arg2[%dma_wait3A] : memref<10000xi32, #tpu.memory_space<hbm>> -> memref<10000xi32, #tpu.memory_space<hbm>>
    tpu.wait_indirect_dma semaphore(%arg17 : memref<!tpu.dma_semaphore, #tpu.memory_space<semaphore_mem>>) src(%dma_wait3A_20 : memref<10000xi32, #tpu.memory_space<hbm>>) dst(%arg9 : memref<2000xi32, #tpu.memory_space<vmem>>)
    %scan3A_21 = arith.constant 0 : i32
    %scan3A_22 = arith.constant 125 : i32
    %scan3A_23 = arith.addi %scan3A_21, %scan3A_22 : i32
    %scan3A_24 = arith.constant 1 : i32
    scf.for %scan3A_89 = %scan3A_21 to %scan3A_23 step %scan3A_24  : i32 {
      %mul3A_90 = arith.constant 16 : i32
      %mul3A_91 = arith.muli %scan3A_89, %mul3A_90 : i32
      %add3A_92 = arith.constant 0 : i32
      %add3A_93 = arith.addi %add3A_92, %mul3A_91 : i32
      %get3A = arith.index_cast %add3A_93 : i32 to index
      %get3A_94 = tpu.vector_load %arg8[%get3A] {strides = array<i32>} : memref<2000xi32, #tpu.memory_space<vmem>>, vector<16xi32>,
      %get3A_95 = vector.shape_cast %get3A_94 : vector<16xi32> to vector<16xi32>
      %mul3A_96 = arith.constant 4 : i32
      %mul3A_97 = vector.broadcast %mul3A_96 : i32 to vector<16xi32>
      %mul3A_98 = arith.muli %get3A_95, %mul3A_97 : vector<16xi32>
      %get3A_99 = arith.index_cast %add3A_93 : i32 to index
      %get3A_100 = tpu.vector_load %arg9[%get3A_99] {strides = array<i32>} : memref<2000xi32, #tpu.memory_space<vmem>>, vector<16xi32>,
      %get3A_101 = vector.shape_cast %get3A_100 : vector<16xi32> to vector<16xi32>
      %add3A_102 = arith.addi %mul3A_98, %get3A_101 : vector<16xi32>
      %swap3A = arith.index_cast %add3A_93 : i32 to index
      %swap3A_103 = tpu.vector_load %arg10[%swap3A] {strides = array<i32>} : memref<2000xi32, #tpu.memory_space<vmem>>, vector<16xi32>,
      %swap3A_104 = vector.shape_cast %swap3A_103 : vector<16xi32> to vector<16xi32>
      %swap3A_105 = vector.shape_cast %add3A_102 : vector<16xi32> to vector<16xi32>
      tpu.vector_store %arg10[%swap3A], %swap3A_105 {strides = array<i32>} : memref<2000xi32, #tpu.memory_space<vmem>>, vector<16xi32>,
    }
    %scan3A_25 = arith.constant 125 : i32
    "tpu.region"() ({
      %run_scoped3A = tpu.sem_alloc : memref<!tpu.dma_semaphore, #tpu.memory_space<semaphore_mem>>
      %dma_start3A_89 = arith.constant 0 : i32
      %dma_start3A_90 = tpu.memref_slice %arg16[%dma_start3A_89] : memref<40960xf32, #tpu.memory_space<vmem_shared>> -> memref<40960xf32, #tpu.memory_space<vmem_shared>>
      tpu.enqueue_indirect_dma source(%arg15 : memref<2000xf32, #tpu.memory_space<vmem>>) target(%dma_start3A_90 : memref<40960xf32, #tpu.memory_space<vmem_shared>>) offsets(%arg10 : memref<2000xi32, #tpu.memory_space<vmem>>) semaphore(%run_scoped3A : memref<!tpu.dma_semaphore, #tpu.memory_space<semaphore_mem>>) {add = true}
      %dma_wait3A_91 = arith.constant 0 : i32
      %dma_wait3A_92 = tpu.memref_slice %arg16[%dma_wait3A_91] : memref<40960xf32, #tpu.memory_space<vmem_shared>> -> memref<40960xf32, #tpu.memory_space<vmem_shared>>
      tpu.wait_indirect_dma semaphore(%run_scoped3A : memref<!tpu.dma_semaphore, #tpu.memory_space<semaphore_mem>>) src(%arg15 : memref<2000xf32, #tpu.memory_space<vmem>>) dst(%dma_wait3A_92 : memref<40960xf32, #tpu.memory_space<vmem_shared>>)
      tpu.yield
    }) : () -> ()
    %add3A_26 = arith.constant 1 : i32
    %add3A_27 = arith.addi %mul3A_8, %add3A_26 : i32
    %add3A_28 = arith.constant 1 : i32
    %add3A_29 = arith.addi %add3A_27, %add3A_28 : i32
    "tpu.region"() ({
      %run_scoped3A = tpu.sem_alloc : memref<!tpu.dma_semaphore, #tpu.memory_space<semaphore_mem>>
      %dma_start3A_89 = arith.constant 0 : i32
      %dma_start3A_90 = tpu.memref_slice %arg3[%add3A_29, %dma_start3A_89] : memref<160x2000xi32, #tpu.memory_space<hbm>> -> memref<1x2000xi32, #tpu.memory_space<hbm>>
      %dma_start3A_91 = tpu.memref_squeeze %dma_start3A_90 : memref<1x2000xi32, #tpu.memory_space<hbm>> -> memref<2000xi32, #tpu.memory_space<hbm>>
      %dma_start3A_92 = arith.constant 0 : i32
      %dma_start3A_93 = tpu.memref_slice %arg3[%add3A_29, %dma_start3A_92] : memref<160x2000xi32, #tpu.memory_space<hbm>> -> memref<1x2000xi32, #tpu.memory_space<hbm>>
      %dma_start3A_94 = tpu.memref_squeeze %dma_start3A_93 : memref<1x2000xi32, #tpu.memory_space<hbm>> -> memref<2000xi32, #tpu.memory_space<hbm>>
      tpu.enqueue_dma source(%dma_start3A_94 : memref<2000xi32, #tpu.memory_space<hbm>>) target(%arg7 : memref<2000xi32, #tpu.memory_space<vmem>>) target_semaphore(%run_scoped3A : memref<!tpu.dma_semaphore, #tpu.memory_space<semaphore_mem>>)
      %dma_wait3A_95 = arith.constant 0 : i32
      %dma_wait3A_96 = tpu.memref_slice %arg3[%add3A_29, %dma_wait3A_95] : memref<160x2000xi32, #tpu.memory_space<hbm>> -> memref<1x2000xi32, #tpu.memory_space<hbm>>
      %dma_wait3A_97 = tpu.memref_squeeze %dma_wait3A_96 : memref<1x2000xi32, #tpu.memory_space<hbm>> -> memref<2000xi32, #tpu.memory_space<hbm>>
      %dma_wait3A_98 = arith.constant 0 : i32
      %dma_wait3A_99 = tpu.memref_slice %arg3[%add3A_29, %dma_wait3A_98] : memref<160x2000xi32, #tpu.memory_space<hbm>> -> memref<1x2000xi32, #tpu.memory_space<hbm>>
      %dma_wait3A_100 = tpu.memref_squeeze %dma_wait3A_99 : memref<1x2000xi32, #tpu.memory_space<hbm>> -> memref<2000xi32, #tpu.memory_space<hbm>>
      tpu.wait_dma2 semaphore(%run_scoped3A : memref<!tpu.dma_semaphore, #tpu.memory_space<semaphore_mem>>) src(%dma_wait3A_100 : memref<2000xi32, #tpu.memory_space<hbm>>) dst(%arg7 : memref<2000xi32, #tpu.memory_space<vmem>>)
      tpu.yield
    }) : () -> ()
    %add3A_30 = arith.constant 1 : i32
    %add3A_31 = arith.addi %mul3A_8, %add3A_30 : i32
    %add3A_32 = arith.constant 1 : i32
    %add3A_33 = arith.addi %add3A_31, %add3A_32 : i32
    "tpu.region"() ({
      %run_scoped3A = tpu.sem_alloc : memref<!tpu.dma_semaphore, #tpu.memory_space<semaphore_mem>>
      %dma_start3A_89 = arith.constant 0 : i32
      %dma_start3A_90 = tpu.memref_slice %arg4[%add3A_33, %dma_start3A_89] : memref<160x2000xi32, #tpu.memory_space<hbm>> -> memref<1x2000xi32, #tpu.memory_space<hbm>>
      %dma_start3A_91 = tpu.memref_squeeze %dma_start3A_90 : memref<1x2000xi32, #tpu.memory_space<hbm>> -> memref<2000xi32, #tpu.memory_space<hbm>>
      %dma_start3A_92 = arith.constant 0 : i32
      %dma_start3A_93 = tpu.memref_slice %arg4[%add3A_33, %dma_start3A_92] : memref<160x2000xi32, #tpu.memory_space<hbm>> -> memref<1x2000xi32, #tpu.memory_space<hbm>>
      %dma_start3A_94 = tpu.memref_squeeze %dma_start3A_93 : memref<1x2000xi32, #tpu.memory_space<hbm>> -> memref<2000xi32, #tpu.memory_space<hbm>>
      tpu.enqueue_dma source(%dma_start3A_94 : memref<2000xi32, #tpu.memory_space<hbm>>) target(%arg8 : memref<2000xi32, #tpu.memory_space<vmem>>) target_semaphore(%run_scoped3A : memref<!tpu.dma_semaphore, #tpu.memory_space<semaphore_mem>>)
      %dma_wait3A_95 = arith.constant 0 : i32
      %dma_wait3A_96 = tpu.memref_slice %arg4[%add3A_33, %dma_wait3A_95] : memref<160x2000xi32, #tpu.memory_space<hbm>> -> memref<1x2000xi32, #tpu.memory_space<hbm>>
      %dma_wait3A_97 = tpu.memref_squeeze %dma_wait3A_96 : memref<1x2000xi32, #tpu.memory_space<hbm>> -> memref<2000xi32, #tpu.memory_space<hbm>>
      %dma_wait3A_98 = arith.constant 0 : i32
      %dma_wait3A_99 = tpu.memref_slice %arg4[%add3A_33, %dma_wait3A_98] : memref<160x2000xi32, #tpu.memory_space<hbm>> -> memref<1x2000xi32, #tpu.memory_space<hbm>>
      %dma_wait3A_100 = tpu.memref_squeeze %dma_wait3A_99 : memref<1x2000xi32, #tpu.memory_space<hbm>> -> memref<2000xi32, #tpu.memory_space<hbm>>
      tpu.wait_dma2 semaphore(%run_scoped3A : memref<!tpu.dma_semaphore, #tpu.memory_space<semaphore_mem>>) src(%dma_wait3A_100 : memref<2000xi32, #tpu.memory_space<hbm>>) dst(%arg8 : memref<2000xi32, #tpu.memory_space<vmem>>)
      tpu.yield
    }) : () -> ()
    %dma_start3A_34 = arith.constant 0 : i32
    %dma_start3A_35 = tpu.memref_slice %arg2[%dma_start3A_34] : memref<10000xi32, #tpu.memory_space<hbm>> -> memref<10000xi32, #tpu.memory_space<hbm>>
    tpu.enqueue_indirect_dma source(%dma_start3A_35 : memref<10000xi32, #tpu.memory_space<hbm>>) target(%arg9 : memref<2000xi32, #tpu.memory_space<vmem>>) offsets(%arg7 : memref<2000xi32, #tpu.memory_space<vmem>>) semaphore(%arg17 : memref<!tpu.dma_semaphore, #tpu.memory_space<semaphore_mem>>)
    %dma_wait3A_36 = arith.constant 0 : i32
    %dma_wait3A_37 = tpu.memref_slice %arg2[%dma_wait3A_36] : memref<10000xi32, #tpu.memory_space<hbm>> -> memref<10000xi32, #tpu.memory_space<hbm>>
    tpu.wait_indirect_dma semaphore(%arg18 : memref<!tpu.dma_semaphore, #tpu.memory_space<semaphore_mem>>) src(%dma_wait3A_37 : memref<10000xi32, #tpu.memory_space<hbm>>) dst(%arg13 : memref<2000xi32, #tpu.memory_space<vmem>>)
    %scan3A_38 = arith.constant 0 : i32
    %scan3A_39 = arith.constant 125 : i32
    %scan3A_40 = arith.addi %scan3A_38, %scan3A_39 : i32
    %scan3A_41 = arith.constant 1 : i32
    scf.for %scan3A_89 = %scan3A_38 to %scan3A_40 step %scan3A_41  : i32 {
      %mul3A_90 = arith.constant 16 : i32
      %mul3A_91 = arith.muli %scan3A_89, %mul3A_90 : i32
      %add3A_92 = arith.constant 0 : i32
      %add3A_93 = arith.addi %add3A_92, %mul3A_91 : i32
      %get3A = arith.index_cast %add3A_93 : i32 to index
      %get3A_94 = tpu.vector_load %arg12[%get3A] {strides = array<i32>} : memref<2000xi32, #tpu.memory_space<vmem>>, vector<16xi32>,
      %get3A_95 = vector.shape_cast %get3A_94 : vector<16xi32> to vector<16xi32>
      %mul3A_96 = arith.constant 4 : i32
      %mul3A_97 = vector.broadcast %mul3A_96 : i32 to vector<16xi32>
      %mul3A_98 = arith.muli %get3A_95, %mul3A_97 : vector<16xi32>
      %get3A_99 = arith.index_cast %add3A_93 : i32 to index
      %get3A_100 = tpu.vector_load %arg13[%get3A_99] {strides = array<i32>} : memref<2000xi32, #tpu.memory_space<vmem>>, vector<16xi32>,
      %get3A_101 = vector.shape_cast %get3A_100 : vector<16xi32> to vector<16xi32>
      %add3A_102 = arith.addi %mul3A_98, %get3A_101 : vector<16xi32>
      %swap3A = arith.index_cast %add3A_93 : i32 to index
      %swap3A_103 = tpu.vector_load %arg14[%swap3A] {strides = array<i32>} : memref<2000xi32, #tpu.memory_space<vmem>>, vector<16xi32>,
      %swap3A_104 = vector.shape_cast %swap3A_103 : vector<16xi32> to vector<16xi32>
      %swap3A_105 = vector.shape_cast %add3A_102 : vector<16xi32> to vector<16xi32>
      tpu.vector_store %arg14[%swap3A], %swap3A_105 {strides = array<i32>} : memref<2000xi32, #tpu.memory_space<vmem>>, vector<16xi32>,
    }
    %scan3A_42 = arith.constant 125 : i32
    "tpu.region"() ({
      %run_scoped3A = tpu.sem_alloc : memref<!tpu.dma_semaphore, #tpu.memory_space<semaphore_mem>>
      %dma_start3A_89 = arith.constant 0 : i32
      %dma_start3A_90 = tpu.memref_slice %arg16[%dma_start3A_89] : memref<40960xf32, #tpu.memory_space<vmem_shared>> -> memref<40960xf32, #tpu.memory_space<vmem_shared>>
      tpu.enqueue_indirect_dma source(%arg15 : memref<2000xf32, #tpu.memory_space<vmem>>) target(%dma_start3A_90 : memref<40960xf32, #tpu.memory_space<vmem_shared>>) offsets(%arg14 : memref<2000xi32, #tpu.memory_space<vmem>>) semaphore(%run_scoped3A : memref<!tpu.dma_semaphore, #tpu.memory_space<semaphore_mem>>) {add = true}
      %dma_wait3A_91 = arith.constant 0 : i32
      %dma_wait3A_92 = tpu.memref_slice %arg16[%dma_wait3A_91] : memref<40960xf32, #tpu.memory_space<vmem_shared>> -> memref<40960xf32, #tpu.memory_space<vmem_shared>>
      tpu.wait_indirect_dma semaphore(%run_scoped3A : memref<!tpu.dma_semaphore, #tpu.memory_space<semaphore_mem>>) src(%arg15 : memref<2000xf32, #tpu.memory_space<vmem>>) dst(%dma_wait3A_92 : memref<40960xf32, #tpu.memory_space<vmem_shared>>)
      tpu.yield
    }) : () -> ()
    %add3A_43 = arith.constant 2 : i32
    %add3A_44 = arith.addi %mul3A_8, %add3A_43 : i32
    %add3A_45 = arith.constant 1 : i32
    %add3A_46 = arith.addi %add3A_44, %add3A_45 : i32
    "tpu.region"() ({
      %run_scoped3A = tpu.sem_alloc : memref<!tpu.dma_semaphore, #tpu.memory_space<semaphore_mem>>
      %dma_start3A_89 = arith.constant 0 : i32
      %dma_start3A_90 = tpu.memref_slice %arg3[%add3A_46, %dma_start3A_89] : memref<160x2000xi32, #tpu.memory_space<hbm>> -> memref<1x2000xi32, #tpu.memory_space<hbm>>
      %dma_start3A_91 = tpu.memref_squeeze %dma_start3A_90 : memref<1x2000xi32, #tpu.memory_space<hbm>> -> memref<2000xi32, #tpu.memory_space<hbm>>
      %dma_start3A_92 = arith.constant 0 : i32
      %dma_start3A_93 = tpu.memref_slice %arg3[%add3A_46, %dma_start3A_92] : memref<160x2000xi32, #tpu.memory_space<hbm>> -> memref<1x2000xi32, #tpu.memory_space<hbm>>
      %dma_start3A_94 = tpu.memref_squeeze %dma_start3A_93 : memref<1x2000xi32, #tpu.memory_space<hbm>> -> memref<2000xi32, #tpu.memory_space<hbm>>
      tpu.enqueue_dma source(%dma_start3A_94 : memref<2000xi32, #tpu.memory_space<hbm>>) target(%arg11 : memref<2000xi32, #tpu.memory_space<vmem>>) target_semaphore(%run_scoped3A : memref<!tpu.dma_semaphore, #tpu.memory_space<semaphore_mem>>)
      %dma_wait3A_95 = arith.constant 0 : i32
      %dma_wait3A_96 = tpu.memref_slice %arg3[%add3A_46, %dma_wait3A_95] : memref<160x2000xi32, #tpu.memory_space<hbm>> -> memref<1x2000xi32, #tpu.memory_space<hbm>>
      %dma_wait3A_97 = tpu.memref_squeeze %dma_wait3A_96 : memref<1x2000xi32, #tpu.memory_space<hbm>> -> memref<2000xi32, #tpu.memory_space<hbm>>
      %dma_wait3A_98 = arith.constant 0 : i32
      %dma_wait3A_99 = tpu.memref_slice %arg3[%add3A_46, %dma_wait3A_98] : memref<160x2000xi32, #tpu.memory_space<hbm>> -> memref<1x2000xi32, #tpu.memory_space<hbm>>
      %dma_wait3A_100 = tpu.memref_squeeze %dma_wait3A_99 : memref<1x2000xi32, #tpu.memory_space<hbm>> -> memref<2000xi32, #tpu.memory_space<hbm>>
      tpu.wait_dma2 semaphore(%run_scoped3A : memref<!tpu.dma_semaphore, #tpu.memory_space<semaphore_mem>>) src(%dma_wait3A_100 : memref<2000xi32, #tpu.memory_space<hbm>>) dst(%arg11 : memref<2000xi32, #tpu.memory_space<vmem>>)
      tpu.yield
    }) : () -> ()
    %add3A_47 = arith.constant 2 : i32
    %add3A_48 = arith.addi %mul3A_8, %add3A_47 : i32
    %add3A_49 = arith.constant 1 : i32
    %add3A_50 = arith.addi %add3A_48, %add3A_49 : i32
    "tpu.region"() ({
      %run_scoped3A = tpu.sem_alloc : memref<!tpu.dma_semaphore, #tpu.memory_space<semaphore_mem>>
      %dma_start3A_89 = arith.constant 0 : i32
      %dma_start3A_90 = tpu.memref_slice %arg4[%add3A_50, %dma_start3A_89] : memref<160x2000xi32, #tpu.memory_space<hbm>> -> memref<1x2000xi32, #tpu.memory_space<hbm>>
      %dma_start3A_91 = tpu.memref_squeeze %dma_start3A_90 : memref<1x2000xi32, #tpu.memory_space<hbm>> -> memref<2000xi32, #tpu.memory_space<hbm>>
      %dma_start3A_92 = arith.constant 0 : i32
      %dma_start3A_93 = tpu.memref_slice %arg4[%add3A_50, %dma_start3A_92] : memref<160x2000xi32, #tpu.memory_space<hbm>> -> memref<1x2000xi32, #tpu.memory_space<hbm>>
      %dma_start3A_94 = tpu.memref_squeeze %dma_start3A_93 : memref<1x2000xi32, #tpu.memory_space<hbm>> -> memref<2000xi32, #tpu.memory_space<hbm>>
      tpu.enqueue_dma source(%dma_start3A_94 : memref<2000xi32, #tpu.memory_space<hbm>>) target(%arg12 : memref<2000xi32, #tpu.memory_space<vmem>>) target_semaphore(%run_scoped3A : memref<!tpu.dma_semaphore, #tpu.memory_space<semaphore_mem>>)
      %dma_wait3A_95 = arith.constant 0 : i32
      %dma_wait3A_96 = tpu.memref_slice %arg4[%add3A_50, %dma_wait3A_95] : memref<160x2000xi32, #tpu.memory_space<hbm>> -> memref<1x2000xi32, #tpu.memory_space<hbm>>
      %dma_wait3A_97 = tpu.memref_squeeze %dma_wait3A_96 : memref<1x2000xi32, #tpu.memory_space<hbm>> -> memref<2000xi32, #tpu.memory_space<hbm>>
      %dma_wait3A_98 = arith.constant 0 : i32
      %dma_wait3A_99 = tpu.memref_slice %arg4[%add3A_50, %dma_wait3A_98] : memref<160x2000xi32, #tpu.memory_space<hbm>> -> memref<1x2000xi32, #tpu.memory_space<hbm>>
      %dma_wait3A_100 = tpu.memref_squeeze %dma_wait3A_99 : memref<1x2000xi32, #tpu.memory_space<hbm>> -> memref<2000xi32, #tpu.memory_space<hbm>>
      tpu.wait_dma2 semaphore(%run_scoped3A : memref<!tpu.dma_semaphore, #tpu.memory_space<semaphore_mem>>) src(%dma_wait3A_100 : memref<2000xi32, #tpu.memory_space<hbm>>) dst(%arg12 : memref<2000xi32, #tpu.memory_space<vmem>>)
      tpu.yield
    }) : () -> ()
    %dma_start3A_51 = arith.constant 0 : i32
    %dma_start3A_52 = tpu.memref_slice %arg2[%dma_start3A_51] : memref<10000xi32, #tpu.memory_space<hbm>> -> memref<10000xi32, #tpu.memory_space<hbm>>
    tpu.enqueue_indirect_dma source(%dma_start3A_52 : memref<10000xi32, #tpu.memory_space<hbm>>) target(%arg13 : memref<2000xi32, #tpu.memory_space<vmem>>) offsets(%arg11 : memref<2000xi32, #tpu.memory_space<vmem>>) semaphore(%arg18 : memref<!tpu.dma_semaphore, #tpu.memory_space<semaphore_mem>>)
    %dma_wait3A_53 = arith.constant 0 : i32
    %dma_wait3A_54 = tpu.memref_slice %arg2[%dma_wait3A_53] : memref<10000xi32, #tpu.memory_space<hbm>> -> memref<10000xi32, #tpu.memory_space<hbm>>
    tpu.wait_indirect_dma semaphore(%arg17 : memref<!tpu.dma_semaphore, #tpu.memory_space<semaphore_mem>>) src(%dma_wait3A_54 : memref<10000xi32, #tpu.memory_space<hbm>>) dst(%arg9 : memref<2000xi32, #tpu.memory_space<vmem>>)
    %scan3A_55 = arith.constant 0 : i32
    %scan3A_56 = arith.constant 125 : i32
    %scan3A_57 = arith.addi %scan3A_55, %scan3A_56 : i32
    %scan3A_58 = arith.constant 1 : i32
    scf.for %scan3A_89 = %scan3A_55 to %scan3A_57 step %scan3A_58  : i32 {
      %mul3A_90 = arith.constant 16 : i32
      %mul3A_91 = arith.muli %scan3A_89, %mul3A_90 : i32
      %add3A_92 = arith.constant 0 : i32
      %add3A_93 = arith.addi %add3A_92, %mul3A_91 : i32
      %get3A = arith.index_cast %add3A_93 : i32 to index
      %get3A_94 = tpu.vector_load %arg8[%get3A] {strides = array<i32>} : memref<2000xi32, #tpu.memory_space<vmem>>, vector<16xi32>,
      %get3A_95 = vector.shape_cast %get3A_94 : vector<16xi32> to vector<16xi32>
      %mul3A_96 = arith.constant 4 : i32
      %mul3A_97 = vector.broadcast %mul3A_96 : i32 to vector<16xi32>
      %mul3A_98 = arith.muli %get3A_95, %mul3A_97 : vector<16xi32>
      %get3A_99 = arith.index_cast %add3A_93 : i32 to index
      %get3A_100 = tpu.vector_load %arg9[%get3A_99] {strides = array<i32>} : memref<2000xi32, #tpu.memory_space<vmem>>, vector<16xi32>,
      %get3A_101 = vector.shape_cast %get3A_100 : vector<16xi32> to vector<16xi32>
      %add3A_102 = arith.addi %mul3A_98, %get3A_101 : vector<16xi32>
      %swap3A = arith.index_cast %add3A_93 : i32 to index
      %swap3A_103 = tpu.vector_load %arg10[%swap3A] {strides = array<i32>} : memref<2000xi32, #tpu.memory_space<vmem>>, vector<16xi32>,
      %swap3A_104 = vector.shape_cast %swap3A_103 : vector<16xi32> to vector<16xi32>
      %swap3A_105 = vector.shape_cast %add3A_102 : vector<16xi32> to vector<16xi32>
      tpu.vector_store %arg10[%swap3A], %swap3A_105 {strides = array<i32>} : memref<2000xi32, #tpu.memory_space<vmem>>, vector<16xi32>,
    }
    %scan3A_59 = arith.constant 125 : i32
    "tpu.region"() ({
      %run_scoped3A = tpu.sem_alloc : memref<!tpu.dma_semaphore, #tpu.memory_space<semaphore_mem>>
      %dma_start3A_89 = arith.constant 0 : i32
      %dma_start3A_90 = tpu.memref_slice %arg16[%dma_start3A_89] : memref<40960xf32, #tpu.memory_space<vmem_shared>> -> memref<40960xf32, #tpu.memory_space<vmem_shared>>
      tpu.enqueue_indirect_dma source(%arg15 : memref<2000xf32, #tpu.memory_space<vmem>>) target(%dma_start3A_90 : memref<40960xf32, #tpu.memory_space<vmem_shared>>) offsets(%arg10 : memref<2000xi32, #tpu.memory_space<vmem>>) semaphore(%run_scoped3A : memref<!tpu.dma_semaphore, #tpu.memory_space<semaphore_mem>>) {add = true}
      %dma_wait3A_91 = arith.constant 0 : i32
      %dma_wait3A_92 = tpu.memref_slice %arg16[%dma_wait3A_91] : memref<40960xf32, #tpu.memory_space<vmem_shared>> -> memref<40960xf32, #tpu.memory_space<vmem_shared>>
      tpu.wait_indirect_dma semaphore(%run_scoped3A : memref<!tpu.dma_semaphore, #tpu.memory_space<semaphore_mem>>) src(%arg15 : memref<2000xf32, #tpu.memory_space<vmem>>) dst(%dma_wait3A_92 : memref<40960xf32, #tpu.memory_space<vmem_shared>>)
      tpu.yield
    }) : () -> ()
    %add3A_60 = arith.constant 3 : i32
    %add3A_61 = arith.addi %mul3A_8, %add3A_60 : i32
    %add3A_62 = arith.constant 1 : i32
    %add3A_63 = arith.addi %add3A_61, %add3A_62 : i32
    "tpu.region"() ({
      %run_scoped3A = tpu.sem_alloc : memref<!tpu.dma_semaphore, #tpu.memory_space<semaphore_mem>>
      %dma_start3A_89 = arith.constant 0 : i32
      %dma_start3A_90 = tpu.memref_slice %arg3[%add3A_63, %dma_start3A_89] : memref<160x2000xi32, #tpu.memory_space<hbm>> -> memref<1x2000xi32, #tpu.memory_space<hbm>>
      %dma_start3A_91 = tpu.memref_squeeze %dma_start3A_90 : memref<1x2000xi32, #tpu.memory_space<hbm>> -> memref<2000xi32, #tpu.memory_space<hbm>>
      %dma_start3A_92 = arith.constant 0 : i32
      %dma_start3A_93 = tpu.memref_slice %arg3[%add3A_63, %dma_start3A_92] : memref<160x2000xi32, #tpu.memory_space<hbm>> -> memref<1x2000xi32, #tpu.memory_space<hbm>>
      %dma_start3A_94 = tpu.memref_squeeze %dma_start3A_93 : memref<1x2000xi32, #tpu.memory_space<hbm>> -> memref<2000xi32, #tpu.memory_space<hbm>>
      tpu.enqueue_dma source(%dma_start3A_94 : memref<2000xi32, #tpu.memory_space<hbm>>) target(%arg7 : memref<2000xi32, #tpu.memory_space<vmem>>) target_semaphore(%run_scoped3A : memref<!tpu.dma_semaphore, #tpu.memory_space<semaphore_mem>>)
      %dma_wait3A_95 = arith.constant 0 : i32
      %dma_wait3A_96 = tpu.memref_slice %arg3[%add3A_63, %dma_wait3A_95] : memref<160x2000xi32, #tpu.memory_space<hbm>> -> memref<1x2000xi32, #tpu.memory_space<hbm>>
      %dma_wait3A_97 = tpu.memref_squeeze %dma_wait3A_96 : memref<1x2000xi32, #tpu.memory_space<hbm>> -> memref<2000xi32, #tpu.memory_space<hbm>>
      %dma_wait3A_98 = arith.constant 0 : i32
      %dma_wait3A_99 = tpu.memref_slice %arg3[%add3A_63, %dma_wait3A_98] : memref<160x2000xi32, #tpu.memory_space<hbm>> -> memref<1x2000xi32, #tpu.memory_space<hbm>>
      %dma_wait3A_100 = tpu.memref_squeeze %dma_wait3A_99 : memref<1x2000xi32, #tpu.memory_space<hbm>> -> memref<2000xi32, #tpu.memory_space<hbm>>
      tpu.wait_dma2 semaphore(%run_scoped3A : memref<!tpu.dma_semaphore, #tpu.memory_space<semaphore_mem>>) src(%dma_wait3A_100 : memref<2000xi32, #tpu.memory_space<hbm>>) dst(%arg7 : memref<2000xi32, #tpu.memory_space<vmem>>)
      tpu.yield
    }) : () -> ()
    %add3A_64 = arith.constant 3 : i32
    %add3A_65 = arith.addi %mul3A_8, %add3A_64 : i32
    %add3A_66 = arith.constant 1 : i32
    %add3A_67 = arith.addi %add3A_65, %add3A_66 : i32
    "tpu.region"() ({
      %run_scoped3A = tpu.sem_alloc : memref<!tpu.dma_semaphore, #tpu.memory_space<semaphore_mem>>
      %dma_start3A_89 = arith.constant 0 : i32
      %dma_start3A_90 = tpu.memref_slice %arg4[%add3A_67, %dma_start3A_89] : memref<160x2000xi32, #tpu.memory_space<hbm>> -> memref<1x2000xi32, #tpu.memory_space<hbm>>
      %dma_start3A_91 = tpu.memref_squeeze %dma_start3A_90 : memref<1x2000xi32, #tpu.memory_space<hbm>> -> memref<2000xi32, #tpu.memory_space<hbm>>
      %dma_start3A_92 = arith.constant 0 : i32
      %dma_start3A_93 = tpu.memref_slice %arg4[%add3A_67, %dma_start3A_92] : memref<160x2000xi32, #tpu.memory_space<hbm>> -> memref<1x2000xi32, #tpu.memory_space<hbm>>
      %dma_start3A_94 = tpu.memref_squeeze %dma_start3A_93 : memref<1x2000xi32, #tpu.memory_space<hbm>> -> memref<2000xi32, #tpu.memory_space<hbm>>
      tpu.enqueue_dma source(%dma_start3A_94 : memref<2000xi32, #tpu.memory_space<hbm>>) target(%arg8 : memref<2000xi32, #tpu.memory_space<vmem>>) target_semaphore(%run_scoped3A : memref<!tpu.dma_semaphore, #tpu.memory_space<semaphore_mem>>)
      %dma_wait3A_95 = arith.constant 0 : i32
      %dma_wait3A_96 = tpu.memref_slice %arg4[%add3A_67, %dma_wait3A_95] : memref<160x2000xi32, #tpu.memory_space<hbm>> -> memref<1x2000xi32, #tpu.memory_space<hbm>>
      %dma_wait3A_97 = tpu.memref_squeeze %dma_wait3A_96 : memref<1x2000xi32, #tpu.memory_space<hbm>> -> memref<2000xi32, #tpu.memory_space<hbm>>
      %dma_wait3A_98 = arith.constant 0 : i32
      %dma_wait3A_99 = tpu.memref_slice %arg4[%add3A_67, %dma_wait3A_98] : memref<160x2000xi32, #tpu.memory_space<hbm>> -> memref<1x2000xi32, #tpu.memory_space<hbm>>
      %dma_wait3A_100 = tpu.memref_squeeze %dma_wait3A_99 : memref<1x2000xi32, #tpu.memory_space<hbm>> -> memref<2000xi32, #tpu.memory_space<hbm>>
      tpu.wait_dma2 semaphore(%run_scoped3A : memref<!tpu.dma_semaphore, #tpu.memory_space<semaphore_mem>>) src(%dma_wait3A_100 : memref<2000xi32, #tpu.memory_space<hbm>>) dst(%arg8 : memref<2000xi32, #tpu.memory_space<vmem>>)
      tpu.yield
    }) : () -> ()
    %dma_start3A_68 = arith.constant 0 : i32
    %dma_start3A_69 = tpu.memref_slice %arg2[%dma_start3A_68] : memref<10000xi32, #tpu.memory_space<hbm>> -> memref<10000xi32, #tpu.memory_space<hbm>>
    tpu.enqueue_indirect_dma source(%dma_start3A_69 : memref<10000xi32, #tpu.memory_space<hbm>>) target(%arg9 : memref<2000xi32, #tpu.memory_space<vmem>>) offsets(%arg7 : memref<2000xi32, #tpu.memory_space<vmem>>) semaphore(%arg17 : memref<!tpu.dma_semaphore, #tpu.memory_space<semaphore_mem>>)
    %dma_wait3A_70 = arith.constant 0 : i32
    %dma_wait3A_71 = tpu.memref_slice %arg2[%dma_wait3A_70] : memref<10000xi32, #tpu.memory_space<hbm>> -> memref<10000xi32, #tpu.memory_space<hbm>>
    tpu.wait_indirect_dma semaphore(%arg18 : memref<!tpu.dma_semaphore, #tpu.memory_space<semaphore_mem>>) src(%dma_wait3A_71 : memref<10000xi32, #tpu.memory_space<hbm>>) dst(%arg13 : memref<2000xi32, #tpu.memory_space<vmem>>)
    %scan3A_72 = arith.constant 0 : i32
    %scan3A_73 = arith.constant 125 : i32
    %scan3A_74 = arith.addi %scan3A_72, %scan3A_73 : i32
    %scan3A_75 = arith.constant 1 : i32
    scf.for %scan3A_89 = %scan3A_72 to %scan3A_74 step %scan3A_75  : i32 {
      %mul3A_90 = arith.constant 16 : i32
      %mul3A_91 = arith.muli %scan3A_89, %mul3A_90 : i32
      %add3A_92 = arith.constant 0 : i32
      %add3A_93 = arith.addi %add3A_92, %mul3A_91 : i32
      %get3A = arith.index_cast %add3A_93 : i32 to index
      %get3A_94 = tpu.vector_load %arg12[%get3A] {strides = array<i32>} : memref<2000xi32, #tpu.memory_space<vmem>>, vector<16xi32>,
      %get3A_95 = vector.shape_cast %get3A_94 : vector<16xi32> to vector<16xi32>
      %mul3A_96 = arith.constant 4 : i32
      %mul3A_97 = vector.broadcast %mul3A_96 : i32 to vector<16xi32>
      %mul3A_98 = arith.muli %get3A_95, %mul3A_97 : vector<16xi32>
      %get3A_99 = arith.index_cast %add3A_93 : i32 to index
      %get3A_100 = tpu.vector_load %arg13[%get3A_99] {strides = array<i32>} : memref<2000xi32, #tpu.memory_space<vmem>>, vector<16xi32>,
      %get3A_101 = vector.shape_cast %get3A_100 : vector<16xi32> to vector<16xi32>
      %add3A_102 = arith.addi %mul3A_98, %get3A_101 : vector<16xi32>
      %swap3A = arith.index_cast %add3A_93 : i32 to index
      %swap3A_103 = tpu.vector_load %arg14[%swap3A] {strides = array<i32>} : memref<2000xi32, #tpu.memory_space<vmem>>, vector<16xi32>,
      %swap3A_104 = vector.shape_cast %swap3A_103 : vector<16xi32> to vector<16xi32>
      %swap3A_105 = vector.shape_cast %add3A_102 : vector<16xi32> to vector<16xi32>
      tpu.vector_store %arg14[%swap3A], %swap3A_105 {strides = array<i32>} : memref<2000xi32, #tpu.memory_space<vmem>>, vector<16xi32>,
    }
    %scan3A_76 = arith.constant 125 : i32
    "tpu.region"() ({
      %run_scoped3A = tpu.sem_alloc : memref<!tpu.dma_semaphore, #tpu.memory_space<semaphore_mem>>
      %dma_start3A_89 = arith.constant 0 : i32
      %dma_start3A_90 = tpu.memref_slice %arg16[%dma_start3A_89] : memref<40960xf32, #tpu.memory_space<vmem_shared>> -> memref<40960xf32, #tpu.memory_space<vmem_shared>>
      tpu.enqueue_indirect_dma source(%arg15 : memref<2000xf32, #tpu.memory_space<vmem>>) target(%dma_start3A_90 : memref<40960xf32, #tpu.memory_space<vmem_shared>>) offsets(%arg14 : memref<2000xi32, #tpu.memory_space<vmem>>) semaphore(%run_scoped3A : memref<!tpu.dma_semaphore, #tpu.memory_space<semaphore_mem>>) {add = true}
      %dma_wait3A_91 = arith.constant 0 : i32
      %dma_wait3A_92 = tpu.memref_slice %arg16[%dma_wait3A_91] : memref<40960xf32, #tpu.memory_space<vmem_shared>> -> memref<40960xf32, #tpu.memory_space<vmem_shared>>
      tpu.wait_indirect_dma semaphore(%run_scoped3A : memref<!tpu.dma_semaphore, #tpu.memory_space<semaphore_mem>>) src(%arg15 : memref<2000xf32, #tpu.memory_space<vmem>>) dst(%dma_wait3A_92 : memref<40960xf32, #tpu.memory_space<vmem_shared>>)
      tpu.yield
    }) : () -> ()
    %dma_wait3A_77 = arith.constant 0 : i32
    %dma_wait3A_78 = tpu.memref_slice %arg2[%dma_wait3A_77] : memref<10000xi32, #tpu.memory_space<hbm>> -> memref<10000xi32, #tpu.memory_space<hbm>>
    tpu.wait_indirect_dma semaphore(%arg17 : memref<!tpu.dma_semaphore, #tpu.memory_space<semaphore_mem>>) src(%dma_wait3A_78 : memref<10000xi32, #tpu.memory_space<hbm>>) dst(%arg9 : memref<2000xi32, #tpu.memory_space<vmem>>)
    %scan3A_79 = arith.constant 0 : i32
    %scan3A_80 = arith.constant 125 : i32
    %scan3A_81 = arith.addi %scan3A_79, %scan3A_80 : i32
    %scan3A_82 = arith.constant 1 : i32
    scf.for %scan3A_89 = %scan3A_79 to %scan3A_81 step %scan3A_82  : i32 {
      %mul3A_90 = arith.constant 16 : i32
      %mul3A_91 = arith.muli %scan3A_89, %mul3A_90 : i32
      %add3A_92 = arith.constant 0 : i32
      %add3A_93 = arith.addi %add3A_92, %mul3A_91 : i32
      %get3A = arith.index_cast %add3A_93 : i32 to index
      %get3A_94 = tpu.vector_load %arg8[%get3A] {strides = array<i32>} : memref<2000xi32, #tpu.memory_space<vmem>>, vector<16xi32>,
      %get3A_95 = vector.shape_cast %get3A_94 : vector<16xi32> to vector<16xi32>
      %mul3A_96 = arith.constant 4 : i32
      %mul3A_97 = vector.broadcast %mul3A_96 : i32 to vector<16xi32>
      %mul3A_98 = arith.muli %get3A_95, %mul3A_97 : vector<16xi32>
      %get3A_99 = arith.index_cast %add3A_93 : i32 to index
      %get3A_100 = tpu.vector_load %arg9[%get3A_99] {strides = array<i32>} : memref<2000xi32, #tpu.memory_space<vmem>>, vector<16xi32>,
      %get3A_101 = vector.shape_cast %get3A_100 : vector<16xi32> to vector<16xi32>
      %add3A_102 = arith.addi %mul3A_98, %get3A_101 : vector<16xi32>
      %swap3A = arith.index_cast %add3A_93 : i32 to index
      %swap3A_103 = tpu.vector_load %arg10[%swap3A] {strides = array<i32>} : memref<2000xi32, #tpu.memory_space<vmem>>, vector<16xi32>,
      %swap3A_104 = vector.shape_cast %swap3A_103 : vector<16xi32> to vector<16xi32>
      %swap3A_105 = vector.shape_cast %add3A_102 : vector<16xi32> to vector<16xi32>
      tpu.vector_store %arg10[%swap3A], %swap3A_105 {strides = array<i32>} : memref<2000xi32, #tpu.memory_space<vmem>>, vector<16xi32>,
    }
    %scan3A_83 = arith.constant 125 : i32
    "tpu.region"() ({
      %run_scoped3A = tpu.sem_alloc : memref<!tpu.dma_semaphore, #tpu.memory_space<semaphore_mem>>
      %dma_start3A_89 = arith.constant 0 : i32
      %dma_start3A_90 = tpu.memref_slice %arg16[%dma_start3A_89] : memref<40960xf32, #tpu.memory_space<vmem_shared>> -> memref<40960xf32, #tpu.memory_space<vmem_shared>>
      tpu.enqueue_indirect_dma source(%arg15 : memref<2000xf32, #tpu.memory_space<vmem>>) target(%dma_start3A_90 : memref<40960xf32, #tpu.memory_space<vmem_shared>>) offsets(%arg10 : memref<2000xi32, #tpu.memory_space<vmem>>) semaphore(%run_scoped3A : memref<!tpu.dma_semaphore, #tpu.memory_space<semaphore_mem>>) {add = true}
      %dma_wait3A_91 = arith.constant 0 : i32
      %dma_wait3A_92 = tpu.memref_slice %arg16[%dma_wait3A_91] : memref<40960xf32, #tpu.memory_space<vmem_shared>> -> memref<40960xf32, #tpu.memory_space<vmem_shared>>
      tpu.wait_indirect_dma semaphore(%run_scoped3A : memref<!tpu.dma_semaphore, #tpu.memory_space<semaphore_mem>>) src(%arg15 : memref<2000xf32, #tpu.memory_space<vmem>>) dst(%dma_wait3A_92 : memref<40960xf32, #tpu.memory_space<vmem_shared>>)
      tpu.yield
    }) : () -> ()
    %barrier3A_84 = arith.constant 0 : index
    tpu.barrier barrier_id(%barrier3A_84)
    %mul3A_85 = arith.constant 2560 : i32
    %mul3A_86 = arith.muli %arg1, %mul3A_85 : i32
    %mul3A_87 = arith.constant 2560 : i32
    %mul3A_88 = arith.muli %arg1, %mul3A_87 : i32
    "tpu.region"() ({
      %run_scoped3A = tpu.sem_alloc : memref<!tpu.dma_semaphore, #tpu.memory_space<semaphore_mem>>
      %dma_start3A_89 = arith.constant 0 : i32
      %dma_start3A_90 = tpu.memref_slice %arg6[%arg0, %dma_start3A_89] : memref<2x40960xf32, #tpu.memory_space<hbm>> -> memref<1x40960xf32, #tpu.memory_space<hbm>>
      %dma_start3A_91 = tpu.memref_squeeze %dma_start3A_90 : memref<1x40960xf32, #tpu.memory_space<hbm>> -> memref<40960xf32, #tpu.memory_space<hbm>>
      %dma_start3A_92 = tpu.memref_slice %dma_start3A_91[%mul3A_88] : memref<40960xf32, #tpu.memory_space<hbm>> -> memref<2560xf32, #tpu.memory_space<hbm>>
      %dma_start3A_93 = tpu.memref_slice %arg16[%mul3A_86] : memref<40960xf32, #tpu.memory_space<vmem_shared>> -> memref<2560xf32, #tpu.memory_space<vmem_shared>>
      tpu.enqueue_dma source(%dma_start3A_93 : memref<2560xf32, #tpu.memory_space<vmem_shared>>) target(%dma_start3A_92 : memref<2560xf32, #tpu.memory_space<hbm>>) target_semaphore(%run_scoped3A : memref<!tpu.dma_semaphore, #tpu.memory_space<semaphore_mem>>)
      %dma_wait3A_94 = arith.constant 0 : i32
      %dma_wait3A_95 = tpu.memref_slice %arg6[%arg0, %dma_wait3A_94] : memref<2x40960xf32, #tpu.memory_space<hbm>> -> memref<1x40960xf32, #tpu.memory_space<hbm>>
      %dma_wait3A_96 = tpu.memref_squeeze %dma_wait3A_95 : memref<1x40960xf32, #tpu.memory_space<hbm>> -> memref<40960xf32, #tpu.memory_space<hbm>>
      %dma_wait3A_97 = tpu.memref_slice %dma_wait3A_96[%mul3A_88] : memref<40960xf32, #tpu.memory_space<hbm>> -> memref<2560xf32, #tpu.memory_space<hbm>>
      %dma_wait3A_98 = tpu.memref_slice %arg16[%mul3A_86] : memref<40960xf32, #tpu.memory_space<vmem_shared>> -> memref<2560xf32, #tpu.memory_space<vmem_shared>>
      tpu.wait_dma2 semaphore(%run_scoped3A : memref<!tpu.dma_semaphore, #tpu.memory_space<semaphore_mem>>) src(%dma_wait3A_98 : memref<2560xf32, #tpu.memory_space<vmem_shared>>) dst(%dma_wait3A_97 : memref<2560xf32, #tpu.memory_space<hbm>>)
      tpu.yield
    }) : () -> ()
    return
  }
}

module attributes {stable_mosaic.version = 14 : i64} {
  func.func @body(%arg0: i32, %arg1: memref<1x2000x4xf32, #tpu.memory_space<vmem>>, %arg2: memref<1x2000x4xf32, #tpu.memory_space<vmem>>, %arg3: memref<2000x1xi32, #tpu.memory_space<vmem>>, %arg4: memref<4x128xf32, #tpu.memory_space<vmem>>, %arg5: memref<128x128xf32, #tpu.memory_space<vmem>>, %arg6: memref<1x128xf32, #tpu.memory_space<vmem>>, %arg7: memref<128x128xf32, #tpu.memory_space<vmem>>, %arg8: memref<2000x128xf32, #tpu.memory_space<vmem>>) attributes {dimension_semantics = [#tpu.dimension_semantics<arbitrary>], iteration_bounds = array<i64: 5>, scalar_prefetch = 0 : i64, scratch_operands = 0 : i64, tpu.core_type = #tpu.core_type<tc>, window_params = [{transform_indices = @transform_0, window_bounds = array<i64: 1, 2000, 4>}, {transform_indices = @transform_1, window_bounds = array<i64: 1, 2000, 4>}, {transform_indices = @transform_2, window_bounds = array<i64: 2000, 1>}, {pipeline_mode = #tpu.pipeline_mode<synchronous>, transform_indices = @transform_3, window_bounds = array<i64: 4, 128>}, {pipeline_mode = #tpu.pipeline_mode<synchronous>, transform_indices = @transform_4, window_bounds = array<i64: 128, 128>}, {pipeline_mode = #tpu.pipeline_mode<synchronous>, transform_indices = @transform_5, window_bounds = array<i64: 1, 128>}, {pipeline_mode = #tpu.pipeline_mode<synchronous>, transform_indices = @transform_6, window_bounds = array<i64: 128, 128>}, {transform_indices = @transform_7, window_bounds = array<i64: 2000, 128>}]} {
    %get3A = arith.constant 0 : index
    %get3A_0 = arith.constant 0 : index
    %get3A_1 = arith.constant 0 : index
    %get3A_2 = vector.load %arg1[%get3A, %get3A_0, %get3A_1] : memref<1x2000x4xf32, #tpu.memory_space<vmem>>, vector<1x2000x4xf32>
    %get3A_3 = vector.shape_cast %get3A_2 : vector<1x2000x4xf32> to vector<2000x4xf32>
    %get3A_4 = arith.constant 0 : index
    %get3A_5 = arith.constant 0 : index
    %get3A_6 = arith.constant 0 : index
    %get3A_7 = vector.load %arg2[%get3A_4, %get3A_5, %get3A_6] : memref<1x2000x4xf32, #tpu.memory_space<vmem>>, vector<1x2000x4xf32>
    %get3A_8 = vector.shape_cast %get3A_7 : vector<1x2000x4xf32> to vector<2000x4xf32>
    %add3A = arith.addf %get3A_3, %get3A_8 : vector<2000x4xf32>
    %reduce_sum3A = arith.constant dense<0.000000e+00> : vector<2000xf32>
    %reduce_sum3A_9 = vector.multi_reduction <add>, %add3A, %reduce_sum3A [1] : vector<2000x4xf32> to vector<2000xf32>
    %broadcast_in_dim3A = vector.shape_cast %reduce_sum3A_9 : vector<2000xf32> to vector<2000x1xf32>
    %max3A = arith.constant 1.000000e+00 : f32
    %max3A_10 = vector.broadcast %max3A : f32 to vector<2000x1xf32>
    %max3A_11 = arith.maximumf %broadcast_in_dim3A, %max3A_10 : vector<2000x1xf32>
    %div3A = arith.constant 1.000000e+00 : f32
    %div3A_12 = vector.broadcast %div3A : f32 to vector<2000x1xf32>
    %div3A_13 = arith.divf %div3A_12, %max3A_11 : vector<2000x1xf32>
    %iota3A = tpu.iota {dimensions = array<i32: 1>} : vector<1x4xi32>
    %get3A_14 = arith.constant 0 : index
    %get3A_15 = arith.constant 0 : index
    %get3A_16 = vector.load %arg3[%get3A_14, %get3A_15] : memref<2000x1xi32, #tpu.memory_space<vmem>>, vector<2000x1xi32>
    %eq3A = vector.broadcast %get3A_16 : vector<2000x1xi32> to vector<2000x4xi32>
    %eq3A_17 = vector.broadcast %iota3A : vector<1x4xi32> to vector<2000x4xi32>
    %eq3A_18 = arith.cmpi eq, %eq3A, %eq3A_17 : vector<2000x4xi32>
    %convert_element_type3A = arith.extui %eq3A_18 : vector<2000x4xi1> to vector<2000x4xi32>
    %convert_element_type3A_19 = arith.sitofp %convert_element_type3A : vector<2000x4xi32> to vector<2000x4xf32>
    %get3A_20 = arith.constant 0 : index
    %get3A_21 = arith.constant 0 : index
    %get3A_22 = vector.load %arg4[%get3A_20, %get3A_21] : memref<4x128xf32, #tpu.memory_space<vmem>>, vector<4x128xf32>
    %get3A_23 = arith.constant 0 : index
    %get3A_24 = arith.constant 0 : index
    %get3A_25 = vector.load %arg5[%get3A_23, %get3A_24] : memref<128x128xf32, #tpu.memory_space<vmem>>, vector<128x128xf32>
    %dot_general3A = arith.constant dense<0.000000e+00> : vector<4x128xf32>
    %dot_general3A_26 = tpu.matmul %get3A_22, %get3A_25, %dot_general3A {dimension_numbers = #tpu.dot_dimension_numbers<[1], [1], [0], [0], [0, 0, 1, 0], [], []>, transpose_lhs_hint = false} : vector<4x128xf32>, vector<128x128xf32>, vector<4x128xf32> -> vector<4x128xf32>
    %get3A_27 = arith.constant 0 : index
    %get3A_28 = arith.constant 0 : index
    %get3A_29 = vector.load %arg4[%get3A_27, %get3A_28] : memref<4x128xf32, #tpu.memory_space<vmem>>, vector<4x128xf32>
    %get3A_30 = arith.constant 0 : index
    %get3A_31 = arith.constant 0 : index
    %get3A_32 = vector.load %arg7[%get3A_30, %get3A_31] : memref<128x128xf32, #tpu.memory_space<vmem>>, vector<128x128xf32>
    %dot_general3A_33 = arith.constant dense<0.000000e+00> : vector<4x128xf32>
    %dot_general3A_34 = tpu.matmul %get3A_29, %get3A_32, %dot_general3A_33 {dimension_numbers = #tpu.dot_dimension_numbers<[1], [1], [0], [0], [0, 0, 1, 0], [], []>, transpose_lhs_hint = false} : vector<4x128xf32>, vector<128x128xf32>, vector<4x128xf32> -> vector<4x128xf32>
    %dot_general3A_35 = arith.constant dense<0.000000e+00> : vector<2000x128xf32>
    %dot_general3A_36 = tpu.matmul %add3A, %dot_general3A_26, %dot_general3A_35 {dimension_numbers = #tpu.dot_dimension_numbers<[1], [0], [0], [1], [0, 0, 1, 1], [], []>, transpose_lhs_hint = false} : vector<2000x4xf32>, vector<4x128xf32>, vector<2000x128xf32> -> vector<2000x128xf32>
    %mul3A = vector.broadcast %div3A_13 : vector<2000x1xf32> to vector<2000x128xf32>
    %mul3A_37 = arith.mulf %dot_general3A_36, %mul3A : vector<2000x128xf32>
    %dot_general3A_38 = arith.constant dense<0.000000e+00> : vector<2000x128xf32>
    %dot_general3A_39 = tpu.matmul %convert_element_type3A_19, %dot_general3A_34, %dot_general3A_38 {dimension_numbers = #tpu.dot_dimension_numbers<[1], [0], [0], [1], [0, 0, 1, 1], [], []>, transpose_lhs_hint = false} : vector<2000x4xf32>, vector<4x128xf32>, vector<2000x128xf32> -> vector<2000x128xf32>
    %get3A_40 = arith.constant 0 : index
    %get3A_41 = arith.constant 0 : index
    %get3A_42 = vector.load %arg6[%get3A_40, %get3A_41] : memref<1x128xf32, #tpu.memory_space<vmem>>, vector<1x128xf32>
    %add3A_43 = vector.broadcast %get3A_42 : vector<1x128xf32> to vector<2000x128xf32>
    %add3A_44 = arith.addf %mul3A_37, %add3A_43 : vector<2000x128xf32>
    %add3A_45 = arith.addf %add3A_44, %dot_general3A_39 : vector<2000x128xf32>
    %max3A_46 = arith.constant 0.000000e+00 : f32
    %max3A_47 = vector.broadcast %max3A_46 : f32 to vector<2000x128xf32>
    %max3A_48 = arith.maximumf %add3A_45, %max3A_47 : vector<2000x128xf32>
    %swap3A = arith.constant 0 : index
    %swap3A_49 = arith.constant 0 : index
    %swap3A_50 = vector.load %arg8[%swap3A, %swap3A_49] : memref<2000x128xf32, #tpu.memory_space<vmem>>, vector<2000x128xf32>
    tpu.vector_store %arg8[%swap3A, %swap3A_49], %max3A_48 {strides = array<i32>} : memref<2000x128xf32, #tpu.memory_space<vmem>>, vector<2000x128xf32>,
    return
  }
  func.func @transform_0(%arg0: i32) -> (i32, i32, i32) {
    %c0_i32 = arith.constant 0 : i32
    %c0_i32_0 = arith.constant 0 : i32
    %c0_i32_1 = arith.constant 0 : i32
    return %c0_i32, %arg0, %c0_i32_0 : i32, i32, i32
  }
  func.func @transform_1(%arg0: i32) -> (i32, i32, i32) {
    %c1_i32 = arith.constant 1 : i32
    %c0_i32 = arith.constant 0 : i32
    %c0_i32_0 = arith.constant 0 : i32
    return %c1_i32, %arg0, %c0_i32 : i32, i32, i32
  }
  func.func @transform_2(%arg0: i32) -> (i32, i32) {
    %c0_i32 = arith.constant 0 : i32
    %c0_i32_0 = arith.constant 0 : i32
    return %arg0, %c0_i32 : i32, i32
  }
  func.func @transform_3(%arg0: i32) -> (i32, i32) {
    %c0_i32 = arith.constant 0 : i32
    %c0_i32_0 = arith.constant 0 : i32
    %c0_i32_1 = arith.constant 0 : i32
    return %c0_i32, %c0_i32_0 : i32, i32
  }
  func.func @transform_4(%arg0: i32) -> (i32, i32) {
    %c0_i32 = arith.constant 0 : i32
    %c0_i32_0 = arith.constant 0 : i32
    %c0_i32_1 = arith.constant 0 : i32
    return %c0_i32, %c0_i32_0 : i32, i32
  }
  func.func @transform_5(%arg0: i32) -> (i32, i32) {
    %c0_i32 = arith.constant 0 : i32
    %c0_i32_0 = arith.constant 0 : i32
    %c0_i32_1 = arith.constant 0 : i32
    return %c0_i32, %c0_i32_0 : i32, i32
  }
  func.func @transform_6(%arg0: i32) -> (i32, i32) {
    %c0_i32 = arith.constant 0 : i32
    %c0_i32_0 = arith.constant 0 : i32
    %c0_i32_1 = arith.constant 0 : i32
    return %c0_i32, %c0_i32_0 : i32, i32
  }
  func.func @transform_7(%arg0: i32) -> (i32, i32) {
    %c0_i32 = arith.constant 0 : i32
    %c0_i32_0 = arith.constant 0 : i32
    return %arg0, %c0_i32 : i32, i32
  }
}

module attributes {stable_mosaic.version = 14 : i64} {
  func.func @body(%arg0: i32, %arg1: memref<1x2000x128xf32, #tpu.memory_space<vmem>>, %arg2: memref<1x2000x128xf32, #tpu.memory_space<vmem>>, %arg3: memref<1x2000x4xf32, #tpu.memory_space<vmem>>, %arg4: memref<1x2000x4xf32, #tpu.memory_space<vmem>>, %arg5: memref<2000x128xf32, #tpu.memory_space<vmem>>, %arg6: memref<128x128xf32, #tpu.memory_space<vmem>>, %arg7: memref<1x128xf32, #tpu.memory_space<vmem>>, %arg8: memref<128x128xf32, #tpu.memory_space<vmem>>, %arg9: memref<128x128xf32, #tpu.memory_space<vmem>>, %arg10: memref<1x128xf32, #tpu.memory_space<vmem>>, %arg11: memref<8x128xf32, #tpu.memory_space<vmem>>, %arg12: memref<1x8xf32, #tpu.memory_space<vmem>>, %arg13: memref<2000x8xf32, #tpu.memory_space<vmem>>) attributes {dimension_semantics = [#tpu.dimension_semantics<arbitrary>], iteration_bounds = array<i64: 5>, scalar_prefetch = 0 : i64, scratch_operands = 0 : i64, tpu.core_type = #tpu.core_type<tc>, window_params = [{transform_indices = @transform_0, window_bounds = array<i64: 1, 2000, 128>}, {transform_indices = @transform_1, window_bounds = array<i64: 1, 2000, 128>}, {transform_indices = @transform_2, window_bounds = array<i64: 1, 2000, 4>}, {transform_indices = @transform_3, window_bounds = array<i64: 1, 2000, 4>}, {transform_indices = @transform_4, window_bounds = array<i64: 2000, 128>}, {pipeline_mode = #tpu.pipeline_mode<synchronous>, transform_indices = @transform_5, window_bounds = array<i64: 128, 128>}, {pipeline_mode = #tpu.pipeline_mode<synchronous>, transform_indices = @transform_6, window_bounds = array<i64: 1, 128>}, {pipeline_mode = #tpu.pipeline_mode<synchronous>, transform_indices = @transform_7, window_bounds = array<i64: 128, 128>}, {pipeline_mode = #tpu.pipeline_mode<synchronous>, transform_indices = @transform_8, window_bounds = array<i64: 128, 128>}, {pipeline_mode = #tpu.pipeline_mode<synchronous>, transform_indices = @transform_9, window_bounds = array<i64: 1, 128>}, {pipeline_mode = #tpu.pipeline_mode<synchronous>, transform_indices = @transform_10, window_bounds = array<i64: 8, 128>}, {pipeline_mode = #tpu.pipeline_mode<synchronous>, transform_indices = @transform_11, window_bounds = array<i64: 1, 8>}, {transform_indices = @transform_12, window_bounds = array<i64: 2000, 8>}]} {
    %get3A = arith.constant 0 : index
    %get3A_0 = arith.constant 0 : index
    %get3A_1 = arith.constant 0 : index
    %get3A_2 = vector.load %arg3[%get3A, %get3A_0, %get3A_1] : memref<1x2000x4xf32, #tpu.memory_space<vmem>>, vector<1x2000x4xf32>
    %get3A_3 = vector.shape_cast %get3A_2 : vector<1x2000x4xf32> to vector<2000x4xf32>
    %get3A_4 = arith.constant 0 : index
    %get3A_5 = arith.constant 0 : index
    %get3A_6 = arith.constant 0 : index
    %get3A_7 = vector.load %arg4[%get3A_4, %get3A_5, %get3A_6] : memref<1x2000x4xf32, #tpu.memory_space<vmem>>, vector<1x2000x4xf32>
    %get3A_8 = vector.shape_cast %get3A_7 : vector<1x2000x4xf32> to vector<2000x4xf32>
    %add3A = arith.addf %get3A_3, %get3A_8 : vector<2000x4xf32>
    %reduce_sum3A = arith.constant dense<0.000000e+00> : vector<2000xf32>
    %reduce_sum3A_9 = vector.multi_reduction <add>, %add3A, %reduce_sum3A [1] : vector<2000x4xf32> to vector<2000xf32>
    %broadcast_in_dim3A = vector.shape_cast %reduce_sum3A_9 : vector<2000xf32> to vector<2000x1xf32>
    %max3A = arith.constant 1.000000e+00 : f32
    %max3A_10 = vector.broadcast %max3A : f32 to vector<2000x1xf32>
    %max3A_11 = arith.maximumf %broadcast_in_dim3A, %max3A_10 : vector<2000x1xf32>
    %div3A = arith.constant 1.000000e+00 : f32
    %div3A_12 = vector.broadcast %div3A : f32 to vector<2000x1xf32>
    %div3A_13 = arith.divf %div3A_12, %max3A_11 : vector<2000x1xf32>
    %get3A_14 = arith.constant 0 : index
    %get3A_15 = arith.constant 0 : index
    %get3A_16 = arith.constant 0 : index
    %get3A_17 = vector.load %arg1[%get3A_14, %get3A_15, %get3A_16] : memref<1x2000x128xf32, #tpu.memory_space<vmem>>, vector<1x2000x128xf32>
    %get3A_18 = vector.shape_cast %get3A_17 : vector<1x2000x128xf32> to vector<2000x128xf32>
    %get3A_19 = arith.constant 0 : index
    %get3A_20 = arith.constant 0 : index
    %get3A_21 = arith.constant 0 : index
    %get3A_22 = vector.load %arg2[%get3A_19, %get3A_20, %get3A_21] : memref<1x2000x128xf32, #tpu.memory_space<vmem>>, vector<1x2000x128xf32>
    %get3A_23 = vector.shape_cast %get3A_22 : vector<1x2000x128xf32> to vector<2000x128xf32>
    %add3A_24 = arith.addf %get3A_18, %get3A_23 : vector<2000x128xf32>
    %mul3A = vector.broadcast %div3A_13 : vector<2000x1xf32> to vector<2000x128xf32>
    %mul3A_25 = arith.mulf %add3A_24, %mul3A : vector<2000x128xf32>
    %get3A_26 = arith.constant 0 : index
    %get3A_27 = arith.constant 0 : index
    %get3A_28 = vector.load %arg5[%get3A_26, %get3A_27] : memref<2000x128xf32, #tpu.memory_space<vmem>>, vector<2000x128xf32>
    %get3A_29 = arith.constant 0 : index
    %get3A_30 = arith.constant 0 : index
    %get3A_31 = vector.load %arg6[%get3A_29, %get3A_30] : memref<128x128xf32, #tpu.memory_space<vmem>>, vector<128x128xf32>
    %dot_general3A = arith.constant dense<0.000000e+00> : vector<2000x128xf32>
    %dot_general3A_32 = tpu.matmul %mul3A_25, %get3A_31, %dot_general3A {dimension_numbers = #tpu.dot_dimension_numbers<[1], [1], [0], [0], [0, 0, 1, 0], [], []>, transpose_lhs_hint = false} : vector<2000x128xf32>, vector<128x128xf32>, vector<2000x128xf32> -> vector<2000x128xf32>
    %get3A_33 = arith.constant 0 : index
    %get3A_34 = arith.constant 0 : index
    %get3A_35 = vector.load %arg7[%get3A_33, %get3A_34] : memref<1x128xf32, #tpu.memory_space<vmem>>, vector<1x128xf32>
    %add3A_36 = vector.broadcast %get3A_35 : vector<1x128xf32> to vector<2000x128xf32>
    %add3A_37 = arith.addf %dot_general3A_32, %add3A_36 : vector<2000x128xf32>
    %get3A_38 = arith.constant 0 : index
    %get3A_39 = arith.constant 0 : index
    %get3A_40 = vector.load %arg8[%get3A_38, %get3A_39] : memref<128x128xf32, #tpu.memory_space<vmem>>, vector<128x128xf32>
    %dot_general3A_41 = arith.constant dense<0.000000e+00> : vector<2000x128xf32>
    %dot_general3A_42 = tpu.matmul %get3A_28, %get3A_40, %dot_general3A_41 {dimension_numbers = #tpu.dot_dimension_numbers<[1], [1], [0], [0], [0, 0, 1, 0], [], []>, transpose_lhs_hint = false} : vector<2000x128xf32>, vector<128x128xf32>, vector<2000x128xf32> -> vector<2000x128xf32>
    %add3A_43 = arith.addf %add3A_37, %dot_general3A_42 : vector<2000x128xf32>
    %max3A_44 = arith.constant 0.000000e+00 : f32
    %max3A_45 = vector.broadcast %max3A_44 : f32 to vector<2000x128xf32>
    %max3A_46 = arith.maximumf %add3A_43, %max3A_45 : vector<2000x128xf32>
    %get3A_47 = arith.constant 0 : index
    %get3A_48 = arith.constant 0 : index
    %get3A_49 = vector.load %arg9[%get3A_47, %get3A_48] : memref<128x128xf32, #tpu.memory_space<vmem>>, vector<128x128xf32>
    %dot_general3A_50 = arith.constant dense<0.000000e+00> : vector<2000x128xf32>
    %dot_general3A_51 = tpu.matmul %max3A_46, %get3A_49, %dot_general3A_50 {dimension_numbers = #tpu.dot_dimension_numbers<[1], [1], [0], [0], [0, 0, 1, 0], [], []>, transpose_lhs_hint = false} : vector<2000x128xf32>, vector<128x128xf32>, vector<2000x128xf32> -> vector<2000x128xf32>
    %get3A_52 = arith.constant 0 : index
    %get3A_53 = arith.constant 0 : index
    %get3A_54 = vector.load %arg10[%get3A_52, %get3A_53] : memref<1x128xf32, #tpu.memory_space<vmem>>, vector<1x128xf32>
    %add3A_55 = vector.broadcast %get3A_54 : vector<1x128xf32> to vector<2000x128xf32>
    %add3A_56 = arith.addf %dot_general3A_51, %add3A_55 : vector<2000x128xf32>
    %max3A_57 = arith.constant 0.000000e+00 : f32
    %max3A_58 = vector.broadcast %max3A_57 : f32 to vector<2000x128xf32>
    %max3A_59 = arith.maximumf %add3A_56, %max3A_58 : vector<2000x128xf32>
    %get3A_60 = arith.constant 0 : index
    %get3A_61 = arith.constant 0 : index
    %get3A_62 = vector.load %arg11[%get3A_60, %get3A_61] : memref<8x128xf32, #tpu.memory_space<vmem>>, vector<8x128xf32>
    %dot_general3A_63 = arith.constant dense<0.000000e+00> : vector<2000x8xf32>
    %dot_general3A_64 = tpu.matmul %max3A_59, %get3A_62, %dot_general3A_63 {dimension_numbers = #tpu.dot_dimension_numbers<[1], [1], [0], [0], [0, 0, 1, 0], [], []>, transpose_lhs_hint = false} : vector<2000x128xf32>, vector<8x128xf32>, vector<2000x8xf32> -> vector<2000x8xf32>
    %get3A_65 = arith.constant 0 : index
    %get3A_66 = arith.constant 0 : index
    %get3A_67 = vector.load %arg12[%get3A_65, %get3A_66] : memref<1x8xf32, #tpu.memory_space<vmem>>, vector<1x8xf32>
    %add3A_68 = vector.broadcast %get3A_67 : vector<1x8xf32> to vector<2000x8xf32>
    %add3A_69 = arith.addf %dot_general3A_64, %add3A_68 : vector<2000x8xf32>
    %swap3A = arith.constant 0 : index
    %swap3A_70 = arith.constant 0 : index
    %swap3A_71 = vector.load %arg13[%swap3A, %swap3A_70] : memref<2000x8xf32, #tpu.memory_space<vmem>>, vector<2000x8xf32>
    tpu.vector_store %arg13[%swap3A, %swap3A_70], %add3A_69 {strides = array<i32>} : memref<2000x8xf32, #tpu.memory_space<vmem>>, vector<2000x8xf32>,
    return
  }
  func.func @transform_0(%arg0: i32) -> (i32, i32, i32) {
    %c0_i32 = arith.constant 0 : i32
    %c0_i32_0 = arith.constant 0 : i32
    %c0_i32_1 = arith.constant 0 : i32
    return %c0_i32, %arg0, %c0_i32_0 : i32, i32, i32
  }
  func.func @transform_1(%arg0: i32) -> (i32, i32, i32) {
    %c1_i32 = arith.constant 1 : i32
    %c0_i32 = arith.constant 0 : i32
    %c0_i32_0 = arith.constant 0 : i32
    return %c1_i32, %arg0, %c0_i32 : i32, i32, i32
  }
  func.func @transform_2(%arg0: i32) -> (i32, i32, i32) {
    %c0_i32 = arith.constant 0 : i32
    %c0_i32_0 = arith.constant 0 : i32
    %c0_i32_1 = arith.constant 0 : i32
    return %c0_i32, %arg0, %c0_i32_0 : i32, i32, i32
  }
  func.func @transform_3(%arg0: i32) -> (i32, i32, i32) {
    %c1_i32 = arith.constant 1 : i32
    %c0_i32 = arith.constant 0 : i32
    %c0_i32_0 = arith.constant 0 : i32
    return %c1_i32, %arg0, %c0_i32 : i32, i32, i32
  }
  func.func @transform_4(%arg0: i32) -> (i32, i32) {
    %c0_i32 = arith.constant 0 : i32
    %c0_i32_0 = arith.constant 0 : i32
    return %arg0, %c0_i32 : i32, i32
  }
  func.func @transform_5(%arg0: i32) -> (i32, i32) {
    %c0_i32 = arith.constant 0 : i32
    %c0_i32_0 = arith.constant 0 : i32
    %c0_i32_1 = arith.constant 0 : i32
    return %c0_i32, %c0_i32_0 : i32, i32
  }
  func.func @transform_6(%arg0: i32) -> (i32, i32) {
    %c0_i32 = arith.constant 0 : i32
    %c0_i32_0 = arith.constant 0 : i32
    %c0_i32_1 = arith.constant 0 : i32
    return %c0_i32, %c0_i32_0 : i32, i32
  }
  func.func @transform_7(%arg0: i32) -> (i32, i32) {
    %c0_i32 = arith.constant 0 : i32
    %c0_i32_0 = arith.constant 0 : i32
    %c0_i32_1 = arith.constant 0 : i32
    return %c0_i32, %c0_i32_0 : i32, i32
  }
  func.func @transform_8(%arg0: i32) -> (i32, i32) {
    %c0_i32 = arith.constant 0 : i32
    %c0_i32_0 = arith.constant 0 : i32
    %c0_i32_1 = arith.constant 0 : i32
    return %c0_i32, %c0_i32_0 : i32, i32
  }
  func.func @transform_9(%arg0: i32) -> (i32, i32) {
    %c0_i32 = arith.constant 0 : i32
    %c0_i32_0 = arith.constant 0 : i32
    %c0_i32_1 = arith.constant 0 : i32
    return %c0_i32, %c0_i32_0 : i32, i32
  }
  func.func @transform_10(%arg0: i32) -> (i32, i32) {
    %c0_i32 = arith.constant 0 : i32
    %c0_i32_0 = arith.constant 0 : i32
    %c0_i32_1 = arith.constant 0 : i32
    return %c0_i32, %c0_i32_0 : i32, i32
  }
  func.func @transform_11(%arg0: i32) -> (i32, i32) {
    %c0_i32 = arith.constant 0 : i32
    %c0_i32_0 = arith.constant 0 : i32
    %c0_i32_1 = arith.constant 0 : i32
    return %c0_i32, %c0_i32_0 : i32, i32
  }
  func.func @transform_12(%arg0: i32) -> (i32, i32) {
    %c0_i32 = arith.constant 0 : i32
    %c0_i32_0 = arith.constant 0 : i32
    return %arg0, %c0_i32 : i32, i32
  }
}

</mosaic_0001>

<sc_bundles>
// kernel: kernel.6.cloned.1.call-start
scs
__scs_entry_jumppad:
0x0: {  	(pc) =	sbr.rel $0x88, $3  }
0x1: {  	(tag) =	ssettag $0x0;
	lr =	simm.s32 $0x1  }
0x2: {  	[smem:$0x3F93] =	sst lr;
	_ =	strace $0xD0000000  }
0x3: {  	_ = 	snop  }
0x4: {  	_ = 	snop  }
0x5: {  	_ = 	snop  }
0x6: {  	_ = 	snop  }
0x7: {  	_ = 	snop  }
__scs_overlays_trampoline_lowered:
0x8: {  	[smem:$0x3FA2] =	sst s0  }
0x9: {  	[smem:$0x3FA3] =	sst s1  }
0xa: {  	[smem:$0x3FA4] =	sst s2  }
0xb: {  	[smem:$0x3FA5] =	sst s3  }
0xc: {  	[smem:$0x3FA6] =	sst s4  }
0xd: {  	[smem:$0x3FA7] =	sst s5  }
0xe: {  	[smem:$0x3FA8] =	sst s6  }
0xf: {  	[smem:$0x3FA9] =	sst s7  }
0x10: {  	[smem:$0x3FAA] =	sst s8  }
0x11: {  	[smem:$0x3FAB] =	sst s9;
	s0 =	simm.s32 @!p0 $0x0  }
0x12: {  	s1 =	sld [smem:$0x3F91];
	s0 =	simm.s32 @p0 $0x1  }
0x13: {  	[smem:$0x3FAC] =	sst s0;
	s0 =	simm.s32 @!p1 $0x0  }
0x14: {  	s2 =	sld [smem:$0x3F90];
	s0 =	simm.s32 @p1 $0x1  }
0x15: {  	[smem:$0x3FAD] =	sst s0;
	s0 =	simm.s32 @!p2 $0x0  }
0x16: {  	s3 =	sld [smem:$0x3FDB];
	s0 =	simm.s32 @p2 $0x1  }
0x17: {  	s4 =	simm.s32 $0x1BF5;
	[smem:$0x3FAF] =	sst s0  }
0x18: {  	s0 =	sld [smem:$0x3F92];
	_ =	swait.ge [sflag:s4], $0x0  }
0x19: {  	s7 =	sld [smem:$0x3F93]  }
0x1a: {  	s8 =	sadd.s32 $0xFFFFE003, lr  }
0x1b: {  	s9 =	sadd.s32 $0xFFFFFEF7, lr;
	s5 =	simm.s32 $0xFFFFFFFF;
	p2 =	slt.u32 s8, $0xFFFFF086  }
0x1c: {  	p1 =	slt.u32 s9, $0xF7A;
	s5 =	simm.s32 @!p2 $0x0  }
0x1d: {  	s5 =	simm.s32 @p1 $0x1;
	p0 =	seq.s32 s7, s2  }
0x1e: {  	s7 =	smul.u32 @!p0 $0xF7A, s2;
	p2 =	seq.s32 @!p0 s5, $0x0  }
0x1f: {  	s9 =	smul.u32 $0xF7A, s1;
	s8 =	simm.s32 @!p0 $0x1BF5;
	p2 =	por !p2, p0  }
0x20: {  	[sflag:s8] =	ssyncset.s32 @!p0 $0xFFFFF086;
	s6 =	sadd.s32 @!p0 s3, s7;
	s7 =	simm.s32 @!p0 $0x108  }
0x21: {  	s3 =	sadd.s32 s3, s9;
	s6 =	sadd.s32 @!p0 $0x88, s6;
	s7 =	simm.s32 @p2 $0x1082  }
0x22: {  	[simem:s7], [sflag:s8] =	dma.local @!p0 [hbm:s6], $0xF7A  }
0x23: {  	s9 =	sor.u32 $0xD0000000, s2;
	s6 =	simm.s32 $0x108;
	_ =	swait.ge @!p0 [sflag:s8], $0x0  }
0x24: {  	s3 =	sadd.s32 $0x88, s3;
	s6 =	simm.s32 @!p1 $0x1082;
	[sflag:s4] =	ssyncset.s32 $0xFFFFF086  }
0x25: {  	[simem:s6], [sflag:s4] =	dma.local [hbm:s3], $0xF7A  }
0x26: {  	[smem:$0x3F93] =	sst s1;
	(tag) =	ssettag s2;
	_ =	strace s9  }
0x27: {  	s1 =	sld [smem:$0x3FA3]  }
0x28: {  	s2 =	sld [smem:$0x3FA4]  }
0x29: {  	s4 =	sld [smem:$0x3FA6]  }
0x2a: {  	p0 =	seq.s32 s5, $0x0;
	s5 =	sld [smem:$0x3FA7]  }
0x2b: {  	s6 =	sld [smem:$0x3FA8]  }
0x2c: {  	s7 =	sld [smem:$0x3FA9]  }
0x2d: {  	s3 =	simm.s32 $0x108;
	s8 =	sld [smem:$0x3FAA]  }
0x2e: {  	s3 =	simm.s32 @!p0 $0x1082;
	s9 =	sld [smem:$0x3FAB]  }
0x2f: {  	lr =	sadd.s32 s0, s3;
	s0 =	sld [smem:$0x3FA2]  }
0x30: {  	s3 =	sld [smem:$0x3FA5]  }
0x31: {  	[smem:$0x3FAE] =	sst s10  }
0x32: {  	s10 =	sld [smem:$0x3FAC];
	_ =	sdelay $0x3  }
0x33: {  	p0 =	seq.s32 s10, $0x1;
	s10 =	sld [smem:$0x3FAE];
	_ =	sdelay $0x3  }
0x34: {  	[smem:$0x3FAE] =	sst s10  }
0x35: {  	s10 =	sld [smem:$0x3FAD];
	_ =	sdelay $0x3  }
0x36: {  	p1 =	seq.s32 s10, $0x1;
	s10 =	sld [smem:$0x3FAE];
	_ =	sdelay $0x3  }
0x37: {  	[smem:$0x3FAE] =	sst s10  }
0x38: {  	s10 =	sld [smem:$0x3FAF]  }
0x39: {  	_ = 	snop;
	(pc) =	sbr.ind lr, $3  }
0x3a: {  	_ = 	snop  }
0x3b: {  	_ = 	snop  }
0x3c: {  	p2 =	seq.s32 s10, $0x1;
	s10 =	sld [smem:$0x3FAE]  }
0x3d: {  	_ =	shalt  }
0x3e: {  	_ =	shalt  }
0x3f: {  	_ =	shalt  }
0x40: {  	_ =	shalt  }
0x41: {  	_ =	shalt  }
0x42: {  	_ =	shalt  }
0x43: {  	_ =	shalt  }
0x44: {  	_ =	shalt  }
0x45: {  	_ =	shalt  }
0x46: {  	_ =	shalt  }
0x47: {  	_ =	shalt  }
0x48: {  	_ =	shalt  }
0x49: {  	_ =	shalt  }
0x4a: {  	_ =	shalt  }
0x4b: {  	_ =	shalt  }
0x4c: {  	_ =	shalt  }
0x4d: {  	_ =	shalt  }
0x4e: {  	_ =	shalt  }
0x4f: {  	_ =	shalt  }
0x50: {  	_ =	shalt  }
0x51: {  	_ =	shalt  }
0x52: {  	_ =	shalt  }
0x53: {  	_ =	shalt  }
0x54: {  	_ =	shalt  }
0x55: {  	_ =	shalt  }
0x56: {  	_ =	shalt  }
0x57: {  	_ =	shalt  }
0x58: {  	_ =	shalt  }
0x59: {  	_ =	shalt  }
0x5a: {  	_ =	shalt  }
0x5b: {  	_ =	shalt  }
0x5c: {  	_ =	shalt  }
0x5d: {  	_ =	shalt  }
0x5e: {  	_ =	shalt  }
0x5f: {  	_ =	shalt  }
0x60: {  	_ =	shalt  }
0x61: {  	_ =	shalt  }
0x62: {  	_ =	shalt  }
0x63: {  	_ =	shalt  }
0x64: {  	_ =	shalt  }
0x65: {  	_ =	shalt  }
0x66: {  	_ =	shalt  }
0x67: {  	_ =	shalt  }
0x68: {  	_ =	shalt  }
0x69: {  	_ =	shalt  }
0x6a: {  	_ =	shalt  }
0x6b: {  	_ =	shalt  }
0x6c: {  	_ =	shalt  }
0x6d: {  	_ =	shalt  }
0x6e: {  	_ =	shalt  }
0x6f: {  	_ =	shalt  }
0x70: {  	_ =	shalt  }
0x71: {  	_ =	shalt  }
0x72: {  	_ =	shalt  }
0x73: {  	_ =	shalt  }
0x74: {  	_ =	shalt  }
0x75: {  	_ =	shalt  }
0x76: {  	_ =	shalt  }
0x77: {  	_ =	shalt  }
0x78: {  	_ =	shalt  }
0x79: {  	_ =	shalt  }
0x7a: {  	_ =	shalt  }
0x7b: {  	_ =	shalt  }
0x7c: {  	_ =	shalt  }
0x7d: {  	_ =	shalt  }
0x7e: {  	_ =	shalt  }
0x7f: {  	_ =	shalt  }
0x80: {  	_ =	shalt  }
0x81: {  	_ =	shalt  }
0x82: {  	_ =	shalt  }
0x83: {  	_ =	shalt  }
0x84: {  	_ =	shalt  }
0x85: {  	_ =	shalt  }
0x86: {  	_ =	shalt  }
0x87: {  	_ =	shalt  }
.Lfunc_end0:
.L_simem_size_0:
called_computation_lowered:
.L_overlay_start_0:
0x88: {  	s2 =	sld [smem:$0x3FD9]  }
0x89: {  	s3 =	sld [smem:$0x3FFE];
	_ =	sdelay $0x1  }
0x8a: {  	s1 =	srdreg.scid  }
0x8b: {  	s0 =	sand.u32 $0x1, s1  }
0x8c: {  	s14 =	sshll.u32 s0, $0xA;
	s2 =	sadd.s32 s3, s2  }
0x8d: {  	s2 =	sadd.s32 s2, s14  }
0x8e: {  	[smem:$0x3FBA] =	sst s2  }
0x8f: {  	_ = 	snop  }
0x90: {  	s2 =	sld [smem:$0x3FD0];
	_ =	sdelay $0x2  }
0x91: {  	s4 =	simm.s32 $0xA;
	s5 =	simm.s32 $0x10;
	s15 =	sld [smem:$0x3FC9]  }
0x92: {  	[smem:s5], [sflag:s4] =	dma.local [hbm:s2], $0x1  }
0x93: {  	_ =	swait.eq [sflag:s4], $0x1  }
0x94: {  	[sflag:s4] =	ssyncset.done $0x0  }
0x95: {  	[sflag:s4] =	ssyncadd.s32 $0xFFFFFFFF  }
0x96: {  	s16 =	sld [smem:$0x11];
	(tm) =	ssettm $0x1  }
0x97: {  	s17 =	sld [smem:$0x3FFB];
	_ =	sdelay $0x3  }
0x98: {  	_ =	strace s17  }
0x99: {  	s4 =	sld [smem:$0x3FFC];
	_ =	sdelay $0x3  }
0x9a: {  	_ =	strace s4  }
0x9b: {  	s4 =	sld [smem:$0x3FFD];
	_ =	sdelay $0x3  }
0x9c: {  	_ =	strace s4  }
0x9d: {  	_ =	strace $0x8FFFFFFF  }
0x9e: {  	s18 =	sld [smem:$0x3FDB];
	_ =	sdelay $0x1  }
0x9f: {  	s19 =	simm.s32 $_scs_section_size  }
0xa0: {  	s6 =	simm.s32 $_size__tile_overlayer_lowered;
	s7 =	simm.s32 $_tile_overlayer_lowered  }
0xa1: {  	s22 =	simm.s32 $0x1BFF;
	s21 =	sshll.u32 s7, $0x1;
	s4 =	sadd.s32 s19, s18  }
0xa2: {  	s8 =	simm.s32 $0x0;
	s20 =	sshll.u32 s6, $0x1;
	s6 =	sadd.s32 s21, s4  }
0xa3: {  	[timem:s8], [sflag:s22] =	dma.local [hbm:s6], s20  }
0xa4: {  	_ =	swait.ge [sflag:s22], s20  }
0xa5: {  	s5 =	ssub.s32 $0x0, s20;
	[sflag:s22] =	ssyncset.done $0x0  }
0xa6: {  	[sflag:s22] =	ssyncadd.s32 s5;
	_ =	sdelay $0x1  }
0xa7: {  	s23 =	simm.s32 $0x1B8B  }
0xa8: {  	_ =	swait.ge [sflag:s23], $0x1  }
0xa9: {  	[sflag:s23] =	ssyncset.done $0x0  }
0xaa: {  	s25 =	simm.s32 $0x1B8E;
	s24 =	sld [smem:$0x3FFE];
	[sflag:s23] =	ssyncadd.s32 $0xFFFFFFFF  }
0xab: {  	s26 =	simm.s32 $execute0_lowered;
	[smem:$0x3FD2] =	sst s25  }
0xac: {  	s6 =	sshll.u32 s26, $0x1;
	_ =	strace $0x80000046;
	[dreg:$0x1] =	wrdreg $0xFFFFFFFF  }
0xad: {  	s28 =	simm.s32 $_size_execute0_lowered;
	s4 =	sadd.s32 s4, s6;
	[dreg:$0x0] =	wrdreg $0x0  }
0xae: {  	s6 =	sshll.u32 s28, $0x1;
	[dreg:$0x2] =	wrdreg s4  }
0xaf: {  	[dreg:$0x3] =	wrdreg s6  }
0xb0: {  	[dreg:$0x4] =	wrdreg $0xC0  }
0xb1: {  	_ =	task [dreg:s8], $0x5FFFF  }
0xb2: {  	[dreg:$0x1] =	wrdreg $0xFFFFFFFF  }
0xb3: {  	[dreg:$0x0] =	wrdreg $0x60  }
0xb4: {  	[dreg:$0x2] =	wrdreg s15  }
0xb5: {  	[dreg:$0x3] =	wrdreg s24  }
0xb6: {  	[dreg:$0x4] =	wrdreg s16  }
0xb7: {  	[dreg:$0x5] =	wrdreg $0x48000  }
0xb8: {  	[dreg:$0x6] =	wrdreg $0x9  }
0xb9: {  	_ =	task.clear_ibuf [dreg:s8], $0x7FFFF;
	_ =	strace $0x90000046  }
0xba: {  	s29 =	simm.s32 $0x9;
	_ =	strace $0x80000048  }
0xbb: {  	_ =	swait.ge [sflag:s29], $0x1  }
0xbc: {  	[sflag:s29] =	ssyncadd.s32 $0xFFFFFFFF  }
0xbd: {  	_ =	strace $0x90000048  }
0xbe: {  	_ =	sfence  }
0xbf: {  	s30 =	sld [smem:$0x0];
	_ =	sdelay $0x2  }
0xc0: {  	s31 =	sshll.u32 s1, $0xD;
	s1 =	sshrl.u32 s1, $0x2  }
0xc1: {  	s3 =	sand.u32 $0x4000, s31;
	s1 =	sadd.s32 s1, s30  }
0xc2: {  	s0 =	sor.u32 s3, s0;
	s1 =	sshll.u32 s1, $0x11  }
0xc3: {  	s0 =	sor.u32 s1, s0  }
0xc4: {  	s0 =	sadd.s32 $0x8F2B, s0  }
0xc5: {  	[sflag:s0] =	ssyncadd.remote.s32 $0x1  }
0xc6: {  	_ =	sfence.sel $0xFFFF  }
0xc7: {  	[dreg:$0x0] =	wrdreg $0xFFFFFFFF;
	(pc) =	sbr.abs _section_cstart, $3  }
0xc8: {  	[dreg:$0x1] =	wrdreg $0xFFFFFFFF  }
0xc9: {  	_ =	task.clear_ibuf [dreg:s8], $0x2FFFF;
	_ =	strace $0x9FFFFFFF  }
0xca: {  	(tm) =	ssettm $0x7FFFFFFF  }
0xcb: {  	_ =	shalt  }
tec
execute0_lowered:
.L_overlay_start_1:
0x0: {  	(tag) =	ssettag $0x1  }
0x1: {  	s1 =	rddreg [dreg:$0x0]  }
0x2: {  	s0 =	rddreg [dreg:$0x1]  }
0x3: {  	s3 =	rddreg [dreg:$0x3];
	s4 =	simm.s32 $0x0  }
0x4: {  	s2 =	srdreg.scid;
	s18 =	stileid.u32;
	s28 =	simm.s32 $0x2800  }
0x5: {  	s29 =	simm.s32 $0x3000;
	s30 =	simm.s32 $0x1;
	s31 =	simm.s32 $0x1800  }
0x6: {  	[smem:$0x7FF] =	sst s4;
	s2 =	sand.u32 $0x1, s2;
	s5 =	sadd.s32 $0x2200, s0  }
0x7: {  	s8 =	sadd.s32 $0xC200, s0;
	s9 =	smul.u32 $0x2800, s18;
	s6 =	sshll.u32 s2, $0x4  }
0x8: {  	s13 =	sshll.u32 s18, $0x6;
	_ =	strace $0x80000047;
	s7 =	sor.u32 s18, s6  }
0x9: {  	s2 =	ssub.s32 $0x2, s2;
	s0 =	sadd.s32 s6, s0;
	s25 =	smul.u32 $0x2800, s7  }
0xa: {  	s10 =	sshrl.u32 s2, $0x1;
	s9 =	sshrl.u32 s9, $0x2;
	s11 =	smul.u32 $0x280, s7  }
0xb: {  	s2 =	ssub.s32 s2, s10;
	s9 =	sadd.s32 s9, s3;
	s26 =	smul.u32 $0x5, s7  }
0xc: {  	s7 =	sor.u32 $0x1C03, s13;
	s0 =	sadd.s32 $0x16200, s0;
	[dreg:$0x5] =	wrdreg s9  }
0xd: {  	s6 =	sand.u32 $0x7C000, s25;
	s14 =	sand.u32 $0x380, s11;
	s15 =	sadd.s32 $0x1, s26  }
0xe: {  	s19 =	sadd.s32 $0x2, s26;
	s9 =	sadd.s32 $0x4, s26;
	s6 =	sor.u32 s14, s6  }
0xf: {  	s16 =	sshll.u32 s15, $0x8;
	s10 =	sshll.u32 s15, $0x4;
	s20 =	sshll.u32 s19, $0x8  }
0x10: {  	s14 =	sadd.s32 $0x3, s26;
	s24 =	sshll.u32 s9, $0x8;
	s9 =	sshll.u32 s9, $0x4  }
0x11: {  	s26 =	smul.u32 $0x280, s18;
	s18 =	smax.u32 s2, $0x1;
	s2 =	simm.s32 $0x3800  }
0x12: {  	s6 =	sshrl.u32 s6, $0x3;
	s11 =	sand.u32 $0x1F800, s16;
	s10 =	sand.u32 $0x70, s10  }
0x13: {  	s22 =	sshll.u32 s14, $0x8;
	s23 =	sshll.u32 s14, $0x4;
	s14 =	sand.u32 $0x1F800, s24  }
0x14: {  	s9 =	sand.u32 $0x70, s9;
	s12 =	sadd.s32 s5, s6;
	s6 =	sadd.s32 s8, s6  }
0x15: {  	s17 =	sor.u32 s10, s11;
	s11 =	sshll.u32 s19, $0x4;
	s15 =	sand.u32 $0x1F800, s22  }
0x16: {  	s16 =	sand.u32 $0x70, s23;
	s9 =	sor.u32 s9, s14;
	s19 =	simm.s32 $0x3  }
0x17: {  	s22 =	simm.s32 $0x800;
	s23 =	simm.s32 $0x7D0;
	s24 =	sadd.s32 s26, s0  }
0x18: {  	s26 =	simm.s32 $0x2000;
	s0 =	simm.s32 $0x4000;
	[dreg:$0x6] =	wrdreg s12  }
0x19: {  	[dreg:$0x7] =	wrdreg s6;
	s10 =	sadd.s32 s5, s17;
	s12 =	sand.u32 $0x1F800, s20  }
0x1a: {  	s13 =	sand.u32 $0x70, s11;
	s11 =	sadd.s32 s8, s17;
	s25 =	sor.u32 s16, s15  }
0x1b: {  	s16 =	sadd.s32 s5, s9;
	s17 =	sadd.s32 s8, s9;
	s20 =	simm.s32 $0x80  }
0x1c: {  	[dreg:$0x8] =	wrdreg s10;
	s21 =	sor.u32 s13, s12;
	s14 =	sadd.s32 s5, s25  }
0x1d: {  	s15 =	sadd.s32 s8, s25;
	s25 =	simm.s32 $0x1000;
	s12 =	sadd.s32 s5, s21  }
0x1e: {  	v0 =	vimm.f32 $1.000000000e+00;
	s13 =	sadd.s32 s8, s21;
	s21 =	simm.s32 $0x400;
	s5 =	simm.s32 $0x2  }
.LBB2_1:
0x1f: {  	s6 =	rddreg [dreg:$0x5]  }
0x20: {  	s8 =	rddreg [dreg:$0x2];
	s6 =	sshrl.u32 s6, $0x3  }
0x21: {  	[spmem:s6], [sflag:s7] =	dma.local [hbm:s8], $0x140  }
0x22: {  	_ =	swait.ge [sflag:s19], $0x140  }
0x23: {  	[sflag:s19] =	ssyncset.done $0x0  }
0x24: {  	s9 =	simm.s32 $0x0;
	s8 =	simm.s32 $0x40;
	[sflag:s19] =	ssyncadd.s32 $0xFFFFFEC0  }
.LBB2_2:
0x25: {  	p0 =	sne.s32 s8, $0x1F00;
	[tilespmem:s9+$0x4000] =	vst v0;
	s9 =	smov.u32 s8;
	s8 =	sadd.s32 $0x40, s8  }
.Ltmp0:
0x26: {  	(pc) =	sbr.rel @p0 .LBB2_2-.Ltmp0, $2  }
0x27: {  	_ =	sdelay $0x2  }
0x28: {  	s9 =	sshra.s32 s9, $0x2  }
0x29: {  	[tilespmem:s9+$0x4000] =	vst v0  }
0x2a: {  	[bflag:$0x0] =	sbarrier.arrive $0xFFFF  }
0x2b: {  	s8 =	simm.s32 $0x0;
	s10 =	rddreg [dreg:$0x6]  }
0x2c: {  	[tilespmem:s8], [sflag:$0x3] =	stream.strided.gather [hbm4b:s10+s20], $0x800, s21, s20, $0x38;
	[tilespmem:$0x5200] =	vst v63  }
0x2d: {  	_ =	swait.ge [sflag:s19], $0x800  }
0x2e: {  	[sflag:s19] =	ssyncset.done $0x0  }
0x2f: {  	s10 =	rddreg [dreg:$0x7];
	[sflag:s19] =	ssyncadd.s32 $0xFFFFF800  }
0x30: {  	[tilespmem:s22], [sflag:$0x3] =	stream.strided.gather [hbm4b:s10+s20], $0x800, s21, s20, $0x38;
	[tilespmem:$0x5200] =	vst v63  }
0x31: {  	_ =	swait.ge [sflag:s19], $0x800  }
0x32: {  	[sflag:s19] =	ssyncset.done $0x0  }
0x33: {  	[sflag:s19] =	ssyncadd.s32 $0xFFFFF800  }
0x34: {  	[tilespmem:s25], [sflag:$0x1] =	stream.indirect.gather [hbm4b:s1+s23], $0x1, s8, s23, $0xb8;
	[tilespmem:$0x5200] =	vst v63  }
0x35: {  	s10 =	rddreg [dreg:$0x8]  }
0x36: {  	[tilespmem:s26], [sflag:$0x3] =	stream.strided.gather [hbm4b:s10+s20], $0x800, s21, s20, $0x38;
	[tilespmem:$0x5200] =	vst v63  }
0x37: {  	_ =	swait.ge [sflag:s19], $0x800  }
0x38: {  	[sflag:s19] =	ssyncset.done $0x0  }
0x39: {  	[sflag:s19] =	ssyncadd.s32 $0xFFFFF800  }
0x3a: {  	[tilespmem:s28], [sflag:$0x3] =	stream.strided.gather [hbm4b:s11+s20], $0x800, s21, s20, $0x38;
	[tilespmem:$0x5200] =	vst v63  }
0x3b: {  	_ =	swait.ge [sflag:s19], $0x800  }
0x3c: {  	[sflag:s19] =	ssyncset.done $0x0  }
0x3d: {  	[sflag:s19] =	ssyncadd.s32 $0xFFFFF800  }
0x3e: {  	[tilespmem:s29], [sflag:$0x2] =	stream.indirect.gather [hbm4b:s1+s23], $0x1, s26, s23, $0xb8;
	[tilespmem:$0x5200] =	vst v63  }
0x3f: {  	_ =	swait.ge [sflag:s30], $0x7D0  }
0x40: {  	[sflag:s30] =	ssyncset.done $0x0  }
0x41: {  	s8 =	simm.s32 $0x0;
	[sflag:s30] =	ssyncadd.s32 $0xFFFFF830  }
0x42: {  	v1 =	vld [tilespmem:s8+$0x800]  }
0x43: {  	s9 =	simm.s32 $0x40;
	v2 =	vld [tilespmem:s8+$0x1000]  }
.LBB2_4:
0x44: {  	p0 =	sne.s32 s9, $0x1F00  }
.Ltmp1:
0x45: {  	_ = 	snop;
	(pc) =	sbr.rel @p0 .LBB2_4-.Ltmp1, $4  }
0x46: {  	_ = 	snop  }
0x47: {  	s10 =	sshra.s32 s9, $0x2;
	s9 =	sadd.s32 $0x40, s9;
	v3 =	vshll.u32 v1, $0x2  }
0x48: {  	v1 =	vld [tilespmem:s10+$0x800];
	v3 =	vadd.s32 v2, v3  }
0x49: {  	v2 =	vld [tilespmem:s10+$0x1000];
	[tilespmem:s8+$0x1800] =	vst v3;
	s8 =	smov.u32 s10  }
0x4a: {  	_ =	sdelay $0x2  }
0x4b: {  	v1 =	vshll.u32 v1, $0x2  }
0x4c: {  	v1 =	vadd.s32 v2, v1  }
0x4d: {  	[tilespmem:s8+$0x1800] =	vst v1  }
0x4e: {  	[spmem:s3] =	stream.indirect.scatter.add.f32 [tilespmem:s0], [sflag:$0x3], $0x1, s31, s23, $0xb8;
	[tilespmem:$0x5200] =	vst v63  }
0x4f: {  	_ =	swait.ge [sflag:s19], $0x7D0  }
0x50: {  	[sflag:s19] =	ssyncset.done $0x0  }
0x51: {  	s10 =	simm.s32 $0x0;
	[sflag:s19] =	ssyncadd.s32 $0xFFFFF830  }
0x52: {  	[tilespmem:s10], [sflag:$0x3] =	stream.strided.gather [hbm4b:s12+s20], $0x800, s21, s20, $0x38;
	[tilespmem:$0x5200] =	vst v63  }
0x53: {  	_ =	swait.ge [sflag:s19], $0x800  }
0x54: {  	[sflag:s19] =	ssyncset.done $0x0  }
0x55: {  	[sflag:s19] =	ssyncadd.s32 $0xFFFFF800  }
0x56: {  	[tilespmem:s22], [sflag:$0x3] =	stream.strided.gather [hbm4b:s13+s20], $0x800, s21, s20, $0x38;
	[tilespmem:$0x5200] =	vst v63  }
0x57: {  	_ =	swait.ge [sflag:s19], $0x800  }
0x58: {  	[sflag:s19] =	ssyncset.done $0x0  }
0x59: {  	[sflag:s19] =	ssyncadd.s32 $0xFFFFF800  }
0x5a: {  	[tilespmem:s25], [sflag:$0x1] =	stream.indirect.gather [hbm4b:s1+s23], $0x1, s10, s23, $0xb8;
	[tilespmem:$0x5200] =	vst v63  }
0x5b: {  	_ =	swait.ge [sflag:s5], $0x7D0  }
0x5c: {  	[sflag:s5] =	ssyncset.done $0x0  }
0x5d: {  	s8 =	simm.s32 $0x0;
	[sflag:s5] =	ssyncadd.s32 $0xFFFFF830  }
0x5e: {  	v1 =	vld [tilespmem:s8+$0x2800]  }
0x5f: {  	s9 =	simm.s32 $0x40;
	v2 =	vld [tilespmem:s8+$0x3000]  }
.LBB2_6:
0x60: {  	p0 =	sne.s32 s9, $0x1F00  }
.Ltmp2:
0x61: {  	_ = 	snop;
	(pc) =	sbr.rel @p0 .LBB2_6-.Ltmp2, $4  }
0x62: {  	_ = 	snop  }
0x63: {  	s10 =	sshra.s32 s9, $0x2;
	s9 =	sadd.s32 $0x40, s9;
	v3 =	vshll.u32 v1, $0x2  }
0x64: {  	v1 =	vld [tilespmem:s10+$0x2800];
	v3 =	vadd.s32 v2, v3  }
0x65: {  	v2 =	vld [tilespmem:s10+$0x3000];
	[tilespmem:s8+$0x3800] =	vst v3;
	s8 =	smov.u32 s10  }
0x66: {  	_ =	sdelay $0x2  }
0x67: {  	v1 =	vshll.u32 v1, $0x2  }
0x68: {  	v1 =	vadd.s32 v2, v1  }
0x69: {  	[tilespmem:s8+$0x3800] =	vst v1  }
0x6a: {  	[spmem:s3] =	stream.indirect.scatter.add.f32 [tilespmem:s0], [sflag:$0x3], $0x1, s2, s23, $0xb8;
	[tilespmem:$0x5200] =	vst v63  }
0x6b: {  	_ =	swait.ge [sflag:s19], $0x7D0  }
0x6c: {  	[sflag:s19] =	ssyncset.done $0x0  }
0x6d: {  	[sflag:s19] =	ssyncadd.s32 $0xFFFFF830  }
0x6e: {  	[tilespmem:s26], [sflag:$0x3] =	stream.strided.gather [hbm4b:s14+s20], $0x800, s21, s20, $0x38;
	[tilespmem:$0x5200] =	vst v63  }
0x6f: {  	_ =	swait.ge [sflag:s19], $0x800  }
0x70: {  	[sflag:s19] =	ssyncset.done $0x0  }
0x71: {  	[sflag:s19] =	ssyncadd.s32 $0xFFFFF800  }
0x72: {  	[tilespmem:s28], [sflag:$0x3] =	stream.strided.gather [hbm4b:s15+s20], $0x800, s21, s20, $0x38;
	[tilespmem:$0x5200] =	vst v63  }
0x73: {  	_ =	swait.ge [sflag:s19], $0x800  }
0x74: {  	[sflag:s19] =	ssyncset.done $0x0  }
0x75: {  	[sflag:s19] =	ssyncadd.s32 $0xFFFFF800  }
0x76: {  	[tilespmem:s29], [sflag:$0x2] =	stream.indirect.gather [hbm4b:s1+s23], $0x1, s26, s23, $0xb8;
	[tilespmem:$0x5200] =	vst v63  }
0x77: {  	_ =	swait.ge [sflag:s30], $0x7D0  }
0x78: {  	[sflag:s30] =	ssyncset.done $0x0  }
0x79: {  	s8 =	simm.s32 $0x0;
	[sflag:s30] =	ssyncadd.s32 $0xFFFFF830  }
0x7a: {  	v1 =	vld [tilespmem:s8+$0x800]  }
0x7b: {  	s9 =	simm.s32 $0x40;
	v2 =	vld [tilespmem:s8+$0x1000]  }
.LBB2_8:
0x7c: {  	p0 =	sne.s32 s9, $0x1F00  }
.Ltmp3:
0x7d: {  	_ = 	snop;
	(pc) =	sbr.rel @p0 .LBB2_8-.Ltmp3, $4  }
0x7e: {  	_ = 	snop  }
0x7f: {  	s10 =	sshra.s32 s9, $0x2;
	s9 =	sadd.s32 $0x40, s9;
	v3 =	vshll.u32 v1, $0x2  }
0x80: {  	v1 =	vld [tilespmem:s10+$0x800];
	v3 =	vadd.s32 v2, v3  }
0x81: {  	v2 =	vld [tilespmem:s10+$0x1000];
	[tilespmem:s8+$0x1800] =	vst v3;
	s8 =	smov.u32 s10  }
0x82: {  	_ =	sdelay $0x2  }
0x83: {  	v1 =	vshll.u32 v1, $0x2  }
0x84: {  	v1 =	vadd.s32 v2, v1  }
0x85: {  	[tilespmem:s8+$0x1800] =	vst v1  }
0x86: {  	[spmem:s3] =	stream.indirect.scatter.add.f32 [tilespmem:s0], [sflag:$0x3], $0x1, s31, s23, $0xb8;
	[tilespmem:$0x5200] =	vst v63  }
0x87: {  	_ =	swait.ge [sflag:s19], $0x7D0  }
0x88: {  	[sflag:s19] =	ssyncset.done $0x0  }
0x89: {  	s10 =	simm.s32 $0x0;
	[sflag:s19] =	ssyncadd.s32 $0xFFFFF830  }
0x8a: {  	[tilespmem:s10], [sflag:$0x3] =	stream.strided.gather [hbm4b:s16+s20], $0x800, s21, s20, $0x38;
	[tilespmem:$0x5200] =	vst v63  }
0x8b: {  	_ =	swait.ge [sflag:s19], $0x800  }
0x8c: {  	[sflag:s19] =	ssyncset.done $0x0  }
0x8d: {  	[sflag:s19] =	ssyncadd.s32 $0xFFFFF800  }
0x8e: {  	[tilespmem:s22], [sflag:$0x3] =	stream.strided.gather [hbm4b:s17+s20], $0x800, s21, s20, $0x38;
	[tilespmem:$0x5200] =	vst v63  }
0x8f: {  	_ =	swait.ge [sflag:s19], $0x800  }
0x90: {  	[sflag:s19] =	ssyncset.done $0x0  }
0x91: {  	[sflag:s19] =	ssyncadd.s32 $0xFFFFF800  }
0x92: {  	[tilespmem:s25], [sflag:$0x1] =	stream.indirect.gather [hbm4b:s1+s23], $0x1, s10, s23, $0xb8;
	[tilespmem:$0x5200] =	vst v63  }
0x93: {  	_ =	swait.ge [sflag:s5], $0x7D0  }
0x94: {  	[sflag:s5] =	ssyncset.done $0x0  }
0x95: {  	s8 =	simm.s32 $0x0;
	[sflag:s5] =	ssyncadd.s32 $0xFFFFF830  }
0x96: {  	v1 =	vld [tilespmem:s8+$0x2800]  }
0x97: {  	s9 =	simm.s32 $0x40;
	v2 =	vld [tilespmem:s8+$0x3000]  }
.LBB2_10:
0x98: {  	p0 =	sne.s32 s9, $0x1F00  }
.Ltmp4:
0x99: {  	_ = 	snop;
	(pc) =	sbr.rel @p0 .LBB2_10-.Ltmp4, $4  }
0x9a: {  	_ = 	snop  }
0x9b: {  	s10 =	sshra.s32 s9, $0x2;
	s9 =	sadd.s32 $0x40, s9;
	v3 =	vshll.u32 v1, $0x2  }
0x9c: {  	v1 =	vld [tilespmem:s10+$0x2800];
	v3 =	vadd.s32 v2, v3  }
0x9d: {  	v2 =	vld [tilespmem:s10+$0x3000];
	[tilespmem:s8+$0x3800] =	vst v3;
	s8 =	smov.u32 s10  }
0x9e: {  	_ =	sdelay $0x2  }
0x9f: {  	v1 =	vshll.u32 v1, $0x2  }
0xa0: {  	v1 =	vadd.s32 v2, v1  }
0xa1: {  	[tilespmem:s8+$0x3800] =	vst v1  }
0xa2: {  	[spmem:s3] =	stream.indirect.scatter.add.f32 [tilespmem:s0], [sflag:$0x3], $0x1, s2, s23, $0xb8;
	[tilespmem:$0x5200] =	vst v63  }
0xa3: {  	_ =	swait.ge [sflag:s19], $0x7D0  }
0xa4: {  	[sflag:s19] =	ssyncset.done $0x0  }
0xa5: {  	[sflag:s19] =	ssyncadd.s32 $0xFFFFF830  }
0xa6: {  	_ =	swait.ge [sflag:s30], $0x7D0  }
0xa7: {  	[sflag:s30] =	ssyncset.done $0x0  }
0xa8: {  	s8 =	simm.s32 $0x0;
	[sflag:s30] =	ssyncadd.s32 $0xFFFFF830  }
0xa9: {  	v1 =	vld [tilespmem:s8+$0x800]  }
0xaa: {  	s9 =	simm.s32 $0x40;
	v2 =	vld [tilespmem:s8+$0x1000]  }
.LBB2_12:
0xab: {  	p0 =	sne.s32 s9, $0x1F00  }
.Ltmp5:
0xac: {  	_ = 	snop;
	(pc) =	sbr.rel @p0 .LBB2_12-.Ltmp5, $4  }
0xad: {  	_ = 	snop  }
0xae: {  	s10 =	sshra.s32 s9, $0x2;
	s9 =	sadd.s32 $0x40, s9;
	v3 =	vshll.u32 v1, $0x2  }
0xaf: {  	v1 =	vld [tilespmem:s10+$0x800];
	v3 =	vadd.s32 v2, v3  }
0xb0: {  	v2 =	vld [tilespmem:s10+$0x1000];
	[tilespmem:s8+$0x1800] =	vst v3;
	s8 =	smov.u32 s10  }
0xb1: {  	_ =	sdelay $0x2  }
0xb2: {  	v1 =	vshll.u32 v1, $0x2  }
0xb3: {  	v1 =	vadd.s32 v2, v1  }
0xb4: {  	[tilespmem:s8+$0x1800] =	vst v1  }
0xb5: {  	[spmem:s3] =	stream.indirect.scatter.add.f32 [tilespmem:s0], [sflag:$0x3], $0x1, s31, s23, $0xb8;
	[tilespmem:$0x5200] =	vst v63  }
0xb6: {  	_ =	swait.ge [sflag:s19], $0x7D0  }
0xb7: {  	s4 =	sadd.s32 $0x1, s4;
	[sflag:s19] =	ssyncset.done $0x0  }
0xb8: {  	s10 =	simm.s32 $0x20;
	p0 =	sne.s32 s4, s18;
	[sflag:s19] =	ssyncadd.s32 $0xFFFFF830  }
.Ltmp6:
0xb9: {  	s9 =	simm.s32 $0x10;
	[bflag:$0x0] =	sbarrier.arrive $0xFFFF;
	(pc) =	sbr.rel @p0 .LBB2_1-.Ltmp6, $4  }
0xba: {  	[hbm:s24@s10], [sflag:s7] =	dma.strided [spmem:s6@s9], $0x140, s30, $0x10   }
0xbb: {  	_ =	swait.ge [sflag:s19], $0x140  }
0xbc: {  	[sflag:s19] =	ssyncset.done $0x0  }
0xbd: {  	[sflag:s19] =	ssyncadd.s32 $0xFFFFFEC0  }
0xbe: {  	_ =	sfence.sel $0x180000  }
0xbf: {  	[bflag:$0x0] =	sbarrier.arrive $0xFFFF  }
0xc0: {  	_ =	strace $0x90000047  }
0xc1: {  	s0 =	stileid.u32;
	[bflag:$0x2] =	sbarrier.arrive $0xFFFF  }
0xc2: {  	p0 =	sne.s32 s0, $0x0;
	s0 =	rddreg [dreg:$0x4]  }
0xc3: {  	s0 =	sadd.s32 @!p0 $0x100000, s0  }
0xc4: {  	[sflag:s0] =	ssyncadd.tile.s32 @!p0 $0x1;
	_ =	shalt  }
.Lfunc_end2:
_tile_overlayer_lowered:
.L_overlay_start_2:
0xc5: {  	(tag) =	ssettag $0x2  }
0xc6: {  	s0 =	rddreg [dreg:$0x0];
	s2 =	stileid.u32  }
0xc7: {  	s1 =	rddreg [dreg:$0x1];
	p0 =	sne.s32 s2, $0x0  }
0xc8: {  	s3 =	rddreg [dreg:$0x2];
	[bflag:$0x3] =	sbarrier.arrive $0xFFFF;
	s2 =	simm.s32 @!p0 $0x1C03  }
0xc9: {  	[timem:s3], [sflag:s2] =	dma.local @!p0 [hbm:s0], s1  }
0xca: {  	s0 =	simm.s32 @!p0 $0x3  }
0xcb: {  	_ =	swait.ge @!p0 [sflag:s0], s1  }
0xcc: {  	s1 =	ssub.s32 @!p0 $0x0, s1;
	[sflag:s0] =	ssyncset.done @!p0 $0x0  }
0xcd: {  	[sflag:s0] =	ssyncadd.s32 @!p0 s1  }
0xce: {  	[bflag:$0x3] =	sbarrier.arrive $0xFFFF  }
0xcf: {  	_ =	shalt  }

// kernel: kernel.9.cloned.1.call-start
scs
__scs_entry_jumppad:
0x0: {  	(pc) =	sbr.rel $0x88, $3  }
0x1: {  	(tag) =	ssettag $0x0;
	lr =	simm.s32 $0x1  }
0x2: {  	[smem:$0x3F93] =	sst lr;
	_ =	strace $0xD0000000  }
0x3: {  	_ = 	snop  }
0x4: {  	_ = 	snop  }
0x5: {  	_ = 	snop  }
0x6: {  	_ = 	snop  }
0x7: {  	_ = 	snop  }
__scs_overlays_trampoline_lowered:
0x8: {  	[smem:$0x3FA2] =	sst s0  }
0x9: {  	[smem:$0x3FA3] =	sst s1  }
0xa: {  	[smem:$0x3FA4] =	sst s2  }
0xb: {  	[smem:$0x3FA5] =	sst s3  }
0xc: {  	[smem:$0x3FA6] =	sst s4  }
0xd: {  	[smem:$0x3FA7] =	sst s5  }
0xe: {  	[smem:$0x3FA8] =	sst s6  }
0xf: {  	[smem:$0x3FA9] =	sst s7  }
0x10: {  	[smem:$0x3FAA] =	sst s8  }
0x11: {  	[smem:$0x3FAB] =	sst s9;
	s0 =	simm.s32 @!p0 $0x0  }
0x12: {  	s1 =	sld [smem:$0x3F91];
	s0 =	simm.s32 @p0 $0x1  }
0x13: {  	[smem:$0x3FAC] =	sst s0;
	s0 =	simm.s32 @!p1 $0x0  }
0x14: {  	s2 =	sld [smem:$0x3F90];
	s0 =	simm.s32 @p1 $0x1  }
0x15: {  	[smem:$0x3FAD] =	sst s0;
	s0 =	simm.s32 @!p2 $0x0  }
0x16: {  	s3 =	sld [smem:$0x3FDB];
	s0 =	simm.s32 @p2 $0x1  }
0x17: {  	s4 =	simm.s32 $0x1BF5;
	[smem:$0x3FAF] =	sst s0  }
0x18: {  	s0 =	sld [smem:$0x3F92];
	_ =	swait.ge [sflag:s4], $0x0  }
0x19: {  	s7 =	sld [smem:$0x3F93]  }
0x1a: {  	s8 =	sadd.s32 $0xFFFFE003, lr  }
0x1b: {  	s9 =	sadd.s32 $0xFFFFFEF7, lr;
	s5 =	simm.s32 $0xFFFFFFFF;
	p2 =	slt.u32 s8, $0xFFFFF086  }
0x1c: {  	p1 =	slt.u32 s9, $0xF7A;
	s5 =	simm.s32 @!p2 $0x0  }
0x1d: {  	s5 =	simm.s32 @p1 $0x1;
	p0 =	seq.s32 s7, s2  }
0x1e: {  	s7 =	smul.u32 @!p0 $0xF7A, s2;
	p2 =	seq.s32 @!p0 s5, $0x0  }
0x1f: {  	s9 =	smul.u32 $0xF7A, s1;
	s8 =	simm.s32 @!p0 $0x1BF5;
	p2 =	por !p2, p0  }
0x20: {  	[sflag:s8] =	ssyncset.s32 @!p0 $0xFFFFF086;
	s6 =	sadd.s32 @!p0 s3, s7;
	s7 =	simm.s32 @!p0 $0x108  }
0x21: {  	s3 =	sadd.s32 s3, s9;
	s6 =	sadd.s32 @!p0 $0x88, s6;
	s7 =	simm.s32 @p2 $0x1082  }
0x22: {  	[simem:s7], [sflag:s8] =	dma.local @!p0 [hbm:s6], $0xF7A  }
0x23: {  	s9 =	sor.u32 $0xD0000000, s2;
	s6 =	simm.s32 $0x108;
	_ =	swait.ge @!p0 [sflag:s8], $0x0  }
0x24: {  	s3 =	sadd.s32 $0x88, s3;
	s6 =	simm.s32 @!p1 $0x1082;
	[sflag:s4] =	ssyncset.s32 $0xFFFFF086  }
0x25: {  	[simem:s6], [sflag:s4] =	dma.local [hbm:s3], $0xF7A  }
0x26: {  	[smem:$0x3F93] =	sst s1;
	(tag) =	ssettag s2;
	_ =	strace s9  }
0x27: {  	s1 =	sld [smem:$0x3FA3]  }
0x28: {  	s2 =	sld [smem:$0x3FA4]  }
0x29: {  	s4 =	sld [smem:$0x3FA6]  }
0x2a: {  	p0 =	seq.s32 s5, $0x0;
	s5 =	sld [smem:$0x3FA7]  }
0x2b: {  	s6 =	sld [smem:$0x3FA8]  }
0x2c: {  	s7 =	sld [smem:$0x3FA9]  }
0x2d: {  	s3 =	simm.s32 $0x108;
	s8 =	sld [smem:$0x3FAA]  }
0x2e: {  	s3 =	simm.s32 @!p0 $0x1082;
	s9 =	sld [smem:$0x3FAB]  }
0x2f: {  	lr =	sadd.s32 s0, s3;
	s0 =	sld [smem:$0x3FA2]  }
0x30: {  	s3 =	sld [smem:$0x3FA5]  }
0x31: {  	[smem:$0x3FAE] =	sst s10  }
0x32: {  	s10 =	sld [smem:$0x3FAC];
	_ =	sdelay $0x3  }
0x33: {  	p0 =	seq.s32 s10, $0x1;
	s10 =	sld [smem:$0x3FAE];
	_ =	sdelay $0x3  }
0x34: {  	[smem:$0x3FAE] =	sst s10  }
0x35: {  	s10 =	sld [smem:$0x3FAD];
	_ =	sdelay $0x3  }
0x36: {  	p1 =	seq.s32 s10, $0x1;
	s10 =	sld [smem:$0x3FAE];
	_ =	sdelay $0x3  }
0x37: {  	[smem:$0x3FAE] =	sst s10  }
0x38: {  	s10 =	sld [smem:$0x3FAF]  }
0x39: {  	_ = 	snop;
	(pc) =	sbr.ind lr, $3  }
0x3a: {  	_ = 	snop  }
0x3b: {  	_ = 	snop  }
0x3c: {  	p2 =	seq.s32 s10, $0x1;
	s10 =	sld [smem:$0x3FAE]  }
0x3d: {  	_ =	shalt  }
0x3e: {  	_ =	shalt  }
0x3f: {  	_ =	shalt  }
0x40: {  	_ =	shalt  }
0x41: {  	_ =	shalt  }
0x42: {  	_ =	shalt  }
0x43: {  	_ =	shalt  }
0x44: {  	_ =	shalt  }
0x45: {  	_ =	shalt  }
0x46: {  	_ =	shalt  }
0x47: {  	_ =	shalt  }
0x48: {  	_ =	shalt  }
0x49: {  	_ =	shalt  }
0x4a: {  	_ =	shalt  }
0x4b: {  	_ =	shalt  }
0x4c: {  	_ =	shalt  }
0x4d: {  	_ =	shalt  }
0x4e: {  	_ =	shalt  }
0x4f: {  	_ =	shalt  }
0x50: {  	_ =	shalt  }
0x51: {  	_ =	shalt  }
0x52: {  	_ =	shalt  }
0x53: {  	_ =	shalt  }
0x54: {  	_ =	shalt  }
0x55: {  	_ =	shalt  }
0x56: {  	_ =	shalt  }
0x57: {  	_ =	shalt  }
0x58: {  	_ =	shalt  }
0x59: {  	_ =	shalt  }
0x5a: {  	_ =	shalt  }
0x5b: {  	_ =	shalt  }
0x5c: {  	_ =	shalt  }
0x5d: {  	_ =	shalt  }
0x5e: {  	_ =	shalt  }
0x5f: {  	_ =	shalt  }
0x60: {  	_ =	shalt  }
0x61: {  	_ =	shalt  }
0x62: {  	_ =	shalt  }
0x63: {  	_ =	shalt  }
0x64: {  	_ =	shalt  }
0x65: {  	_ =	shalt  }
0x66: {  	_ =	shalt  }
0x67: {  	_ =	shalt  }
0x68: {  	_ =	shalt  }
0x69: {  	_ =	shalt  }
0x6a: {  	_ =	shalt  }
0x6b: {  	_ =	shalt  }
0x6c: {  	_ =	shalt  }
0x6d: {  	_ =	shalt  }
0x6e: {  	_ =	shalt  }
0x6f: {  	_ =	shalt  }
0x70: {  	_ =	shalt  }
0x71: {  	_ =	shalt  }
0x72: {  	_ =	shalt  }
0x73: {  	_ =	shalt  }
0x74: {  	_ =	shalt  }
0x75: {  	_ =	shalt  }
0x76: {  	_ =	shalt  }
0x77: {  	_ =	shalt  }
0x78: {  	_ =	shalt  }
0x79: {  	_ =	shalt  }
0x7a: {  	_ =	shalt  }
0x7b: {  	_ =	shalt  }
0x7c: {  	_ =	shalt  }
0x7d: {  	_ =	shalt  }
0x7e: {  	_ =	shalt  }
0x7f: {  	_ =	shalt  }
0x80: {  	_ =	shalt  }
0x81: {  	_ =	shalt  }
0x82: {  	_ =	shalt  }
0x83: {  	_ =	shalt  }
0x84: {  	_ =	shalt  }
0x85: {  	_ =	shalt  }
0x86: {  	_ =	shalt  }
0x87: {  	_ =	shalt  }
.Lfunc_end0:
.L_simem_size_0:
called_computation.1_lowered:
.L_overlay_start_0:
0x88: {  	s2 =	sld [smem:$0x3FD9]  }
0x89: {  	s3 =	sld [smem:$0x3FFE];
	_ =	sdelay $0x1  }
0x8a: {  	s1 =	srdreg.scid  }
0x8b: {  	s0 =	sand.u32 $0x1, s1  }
0x8c: {  	s16 =	sshll.u32 s0, $0xA;
	s2 =	sadd.s32 s3, s2  }
0x8d: {  	s2 =	sadd.s32 s2, s16  }
0x8e: {  	[smem:$0x3FBA] =	sst s2  }
0x8f: {  	_ = 	snop  }
0x90: {  	(tm) =	ssettm $0x1  }
0x91: {  	s17 =	sld [smem:$0x3FFB];
	_ =	sdelay $0x3  }
0x92: {  	_ =	strace s17  }
0x93: {  	s2 =	sld [smem:$0x3FFC];
	_ =	sdelay $0x3  }
0x94: {  	_ =	strace s2  }
0x95: {  	s2 =	sld [smem:$0x3FFD];
	_ =	sdelay $0x3  }
0x96: {  	_ =	strace s2  }
0x97: {  	_ =	strace $0x8FFFFFFF  }
0x98: {  	s18 =	sld [smem:$0x3FDB];
	_ =	sdelay $0x1  }
0x99: {  	s19 =	simm.s32 $_scs_section_size  }
0x9a: {  	s4 =	simm.s32 $_size__tile_overlayer_lowered;
	s5 =	simm.s32 $_tile_overlayer_lowered  }
0x9b: {  	s22 =	simm.s32 $0x1BFF;
	s21 =	sshll.u32 s5, $0x1;
	s2 =	sadd.s32 s19, s18  }
0x9c: {  	s6 =	simm.s32 $0x0;
	s20 =	sshll.u32 s4, $0x1;
	s4 =	sadd.s32 s21, s2  }
0x9d: {  	[timem:s6], [sflag:s22] =	dma.local [hbm:s4], s20  }
0x9e: {  	_ =	swait.ge [sflag:s22], s20  }
0x9f: {  	s3 =	ssub.s32 $0x0, s20;
	[sflag:s22] =	ssyncset.done $0x0  }
0xa0: {  	[sflag:s22] =	ssyncadd.s32 s3;
	_ =	sdelay $0x1  }
0xa1: {  	s23 =	simm.s32 $0x1B8B  }
0xa2: {  	_ =	swait.ge [sflag:s23], $0x1  }
0xa3: {  	[sflag:s23] =	ssyncset.done $0x0  }
0xa4: {  	s25 =	simm.s32 $0x1B8E;
	s24 =	sld [smem:$0x3FFE];
	[sflag:s23] =	ssyncadd.s32 $0xFFFFFFFF  }
0xa5: {  	s26 =	simm.s32 $execute0_lowered;
	[smem:$0x3FD2] =	sst s25  }
0xa6: {  	s4 =	sshll.u32 s26, $0x1;
	_ =	strace $0x80000049;
	[dreg:$0x1] =	wrdreg $0xFFFFFFFF  }
0xa7: {  	s28 =	simm.s32 $_size_execute0_lowered;
	s2 =	sadd.s32 s2, s4;
	[dreg:$0x0] =	wrdreg $0x0  }
0xa8: {  	s4 =	sshll.u32 s28, $0x1;
	[dreg:$0x2] =	wrdreg s2  }
0xa9: {  	[dreg:$0x3] =	wrdreg s4  }
0xaa: {  	[dreg:$0x4] =	wrdreg $0xC0  }
0xab: {  	_ =	task [dreg:s6], $0x5FFFF  }
0xac: {  	[dreg:$0x1] =	wrdreg $0xFFFFFFFF  }
0xad: {  	[dreg:$0x0] =	wrdreg $0x60  }
0xae: {  	[dreg:$0x2] =	wrdreg s24  }
0xaf: {  	[dreg:$0x3] =	wrdreg $0x84000  }
0xb0: {  	[dreg:$0x4] =	wrdreg $0x9  }
0xb1: {  	_ =	task.clear_ibuf [dreg:s6], $0x5FFFF;
	_ =	strace $0x90000049  }
0xb2: {  	s29 =	simm.s32 $0x9;
	_ =	strace $0x8000004B  }
0xb3: {  	_ =	swait.ge [sflag:s29], $0x1  }
0xb4: {  	[sflag:s29] =	ssyncadd.s32 $0xFFFFFFFF  }
0xb5: {  	_ =	strace $0x9000004B  }
0xb6: {  	_ =	sfence  }
0xb7: {  	s30 =	sld [smem:$0x0];
	_ =	sdelay $0x2  }
0xb8: {  	s31 =	sshll.u32 s1, $0xD;
	s1 =	sshrl.u32 s1, $0x2  }
0xb9: {  	s3 =	sand.u32 $0x4000, s31;
	s1 =	sadd.s32 s1, s30  }
0xba: {  	s0 =	sor.u32 s3, s0;
	s1 =	sshll.u32 s1, $0x11  }
0xbb: {  	s0 =	sor.u32 s1, s0  }
0xbc: {  	s0 =	sadd.s32 $0x8F2B, s0  }
0xbd: {  	[sflag:s0] =	ssyncadd.remote.s32 $0x1  }
0xbe: {  	_ =	sfence.sel $0xFFFF  }
0xbf: {  	[dreg:$0x0] =	wrdreg $0xFFFFFFFF;
	(pc) =	sbr.abs _section_cstart, $3  }
0xc0: {  	[dreg:$0x1] =	wrdreg $0xFFFFFFFF  }
0xc1: {  	_ =	task.clear_ibuf [dreg:s6], $0x2FFFF;
	_ =	strace $0x9FFFFFFF  }
0xc2: {  	(tm) =	ssettm $0x7FFFFFFF  }
0xc3: {  	_ =	shalt  }
tec
execute0_lowered:
.L_overlay_start_1:
0x0: {  	(tag) =	ssettag $0x1  }
0x1: {  	s0 =	rddreg [dreg:$0x0]  }
0x2: {  	s1 =	rddreg [dreg:$0x1];
	s2 =	simm.s32 $0x0;
	s4 =	srdreg.scid  }
0x3: {  	s12 =	stileid.u32;
	s28 =	simm.s32 $0x100;
	s29 =	simm.s32 $0x180  }
0x4: {  	s30 =	simm.s32 $0x1;
	s31 =	simm.s32 $0x3;
	[smem:$0x7FF] =	sst s2  }
0x5: {  	s3 =	sadd.s32 $0x7CA00, s0;
	s5 =	sadd.s32 $0x18A00, s0;
	s11 =	smul.u32 $0x50000, s12  }
0x6: {  	s4 =	sand.u32 $0x1, s4;
	s6 =	sadd.s32 $0x22A00, s0;
	s24 =	smul.u32 $0x2800, s12  }
0x7: {  	s7 =	sadd.s32 $0x2200, s0;
	s18 =	sshll.u32 s12, $0x6;
	s26 =	smul.u32 $0x500, s12  }
0x8: {  	_ =	strace $0x8000004A;
	[dreg:$0x3] =	wrdreg s7;
	s15 =	smul.u32 $0x28000, s4  }
0x9: {  	s8 =	ssub.s32 $0x2, s4;
	s9 =	sshll.u32 s4, $0x4;
	s4 =	smul.u32 $0x5000, s4  }
0xa: {  	s10 =	sshrl.u32 s8, $0x1;
	s9 =	sor.u32 s12, s9;
	s17 =	sshrl.u32 s11, $0x2  }
0xb: {  	s0 =	sadd.s32 s15, s0;
	s16 =	smul.u32 $0x500, s9;
	s7 =	sadd.s32 s17, s1  }
0xc: {  	s8 =	ssub.s32 s8, s10;
	s9 =	smul.u32 $0x2800, s9;
	[dreg:$0x4] =	wrdreg s7  }
0xd: {  	s7 =	sor.u32 $0x1C04, s18;
	s0 =	sadd.s32 $0xA3C00, s0;
	s19 =	sadd.s32 s5, s16  }
0xe: {  	s20 =	sadd.s32 s6, s16;
	s10 =	sor.u32 $0x10, s16;
	s9 =	sshrl.u32 s9, $0x3  }
0xf: {  	s16 =	smax.u32 s8, $0x1;
	s24 =	sadd.s32 s24, s0;
	[dreg:$0x5] =	wrdreg s19  }
0x10: {  	s0 =	simm.s32 $0x300;
	[dreg:$0x6] =	wrdreg s20;
	s21 =	sadd.s32 s5, s10  }
0x11: {  	s10 =	sadd.s32 s6, s10;
	s22 =	sadd.s32 $0x4E0, s9;
	s9 =	sadd.s32 $0x4F0, s9  }
0x12: {  	s19 =	simm.s32 $0x4;
	s20 =	simm.s32 $0x80;
	[dreg:$0x7] =	wrdreg s21  }
0x13: {  	[dreg:$0x8] =	wrdreg s10;
	s23 =	sadd.s32 s5, s22;
	s10 =	sadd.s32 s6, s22  }
0x14: {  	s25 =	sadd.s32 s5, s9;
	s9 =	sadd.s32 s6, s9;
	[dreg:$0x9] =	wrdreg s23  }
0x15: {  	s5 =	sadd.s32 s4, s5;
	s4 =	sadd.s32 s4, s6;
	[dreg:$0xa] =	wrdreg s10  }
0x16: {  	s21 =	simm.s32 $0x7D;
	s22 =	simm.s32 $0x400;
	[dreg:$0xb] =	wrdreg s25  }
0x17: {  	s6 =	simm.s32 $0x0;
	[dreg:$0xc] =	wrdreg s9;
	s17 =	sadd.s32 s26, s5  }
0x18: {  	s18 =	sadd.s32 s26, s4;
	s23 =	simm.s32 $0x200;
	s25 =	simm.s32 $0x280  }
0x19: {  	s26 =	simm.s32 $0x4400;
	s4 =	simm.s32 $0x380;
	s5 =	simm.s32 $0x2  }
.LBB2_1:
0x1a: {  	s8 =	rddreg [dreg:$0x4]  }
0x1b: {  	s9 =	rddreg [dreg:$0x3];
	s8 =	sshrl.u32 s8, $0x3  }
0x1c: {  	[spmem:s8], [sflag:s7] =	dma.local [hbm:s9], $0x2800  }
0x1d: {  	_ =	swait.ge [sflag:s19], $0x2800  }
0x1e: {  	[sflag:s19] =	ssyncset.done $0x0  }
0x1f: {  	[sflag:s19] =	ssyncadd.s32 $0xFFFFD800  }
0x20: {  	[bflag:$0x0] =	sbarrier.arrive $0xFFFF  }
0x21: {  	s10 =	rddreg [dreg:$0x5]  }
0x22: {  	[tilespmem:s2], [sflag:$0x4] =	stream.linear.gather [hbm4b:s10+s2], $0x80, $0x38;
	[tilespmem:$0x1C400] =	vst v63  }
0x23: {  	_ =	swait.ge [sflag:s19], $0x80  }
0x24: {  	[sflag:s19] =	ssyncset.done $0x0  }
0x25: {  	s11 =	rddreg [dreg:$0x6];
	[sflag:s19] =	ssyncadd.s32 $0xFFFFFF80  }
0x26: {  	[tilespmem:s20], [sflag:$0x4] =	stream.linear.gather [hbm4b:s11+s2], $0x80, $0x38;
	[tilespmem:$0x1C400] =	vst v63  }
0x27: {  	_ =	swait.ge [sflag:s19], $0x80  }
0x28: {  	[sflag:s19] =	ssyncset.done $0x0  }
0x29: {  	[sflag:s19] =	ssyncadd.s32 $0xFFFFFF80  }
0x2a: {  	[tilespmem:s22], [sflag:$0x1] =	stream.indirect.gather [hbm4b:s3+s21], $0x80, s2, s21, $0xb8;
	[tilespmem:$0x1C400] =	vst v63  }
0x2b: {  	s12 =	rddreg [dreg:$0x7]  }
0x2c: {  	[tilespmem:s23], [sflag:$0x4] =	stream.linear.gather [hbm4b:s12+s2], $0x80, $0x38;
	[tilespmem:$0x1C400] =	vst v63  }
0x2d: {  	_ =	swait.ge [sflag:s19], $0x80  }
0x2e: {  	[sflag:s19] =	ssyncset.done $0x0  }
0x2f: {  	s13 =	rddreg [dreg:$0x8];
	[sflag:s19] =	ssyncadd.s32 $0xFFFFFF80  }
0x30: {  	[tilespmem:s25], [sflag:$0x4] =	stream.linear.gather [hbm4b:s13+s2], $0x80, $0x38;
	[tilespmem:$0x1C400] =	vst v63  }
0x31: {  	_ =	swait.ge [sflag:s19], $0x80  }
0x32: {  	[sflag:s19] =	ssyncset.done $0x0  }
0x33: {  	s9 =	sadd.s32 $0x0, s17;
	[sflag:s19] =	ssyncadd.s32 $0xFFFFFF80  }
0x34: {  	[tilespmem:s26], [sflag:$0x2] =	stream.indirect.gather [hbm4b:s3+s21], $0x80, s23, s21, $0xb8;
	[tilespmem:$0x1C400] =	vst v63  }
0x35: {  	s10 =	sadd.s32 $0x0, s18;
	s11 =	sadd.s32 $0x20, s9  }
0x36: {  	[tilespmem:s28], [sflag:$0x3] =	stream.linear.gather [hbm4b:s11+s2], $0x80, $0x38;
	[tilespmem:$0x1C400] =	vst v63  }
0x37: {  	s14 =	sadd.s32 $0x20, s10  }
0x38: {  	[tilespmem:s29], [sflag:$0x3] =	stream.linear.gather [hbm4b:s14+s2], $0x80, $0x38;
	[tilespmem:$0x1C400] =	vst v63  }
0x39: {  	_ =	swait.ge [sflag:s30], $0x3E80  }
0x3a: {  	[sflag:s30] =	ssyncset.done $0x0  }
0x3b: {  	[sflag:s30] =	ssyncadd.s32 $0xFFFFC180  }
0x3c: {  	[spmem:s1] =	stream.indirect.scatter.add.f32 [tilespmem:s22], [sflag:$0x4], $0x80, s20, s21, $0xb8;
	[tilespmem:$0x1C400] =	vst v63  }
0x3d: {  	_ =	swait.ge [sflag:s19], $0x3E80  }
0x3e: {  	[sflag:s19] =	ssyncset.done $0x0  }
0x3f: {  	[sflag:s19] =	ssyncadd.s32 $0xFFFFC180  }
0x40: {  	_ =	swait.ge [sflag:s31], $0x80  }
0x41: {  	[sflag:s31] =	ssyncset.done $0x0  }
0x42: {  	[sflag:s31] =	ssyncadd.s32 $0xFFFFFF80  }
0x43: {  	_ =	swait.ge [sflag:s31], $0x80  }
0x44: {  	[sflag:s31] =	ssyncset.done $0x0  }
0x45: {  	[sflag:s31] =	ssyncadd.s32 $0xFFFFFF80  }
0x46: {  	[tilespmem:s22], [sflag:$0x1] =	stream.indirect.gather [hbm4b:s3+s21], $0x80, s28, s21, $0xb8;
	[tilespmem:$0x1C400] =	vst v63  }
0x47: {  	s15 =	sadd.s32 $0x30, s9  }
0x48: {  	[tilespmem:s0], [sflag:$0x3] =	stream.linear.gather [hbm4b:s15+s2], $0x80, $0x38;
	[tilespmem:$0x1C400] =	vst v63  }
0x49: {  	s12 =	sadd.s32 $0x30, s10  }
0x4a: {  	[tilespmem:s4], [sflag:$0x3] =	stream.linear.gather [hbm4b:s12+s2], $0x80, $0x38;
	[tilespmem:$0x1C400] =	vst v63  }
0x4b: {  	_ =	swait.ge [sflag:s5], $0x3E80  }
0x4c: {  	[sflag:s5] =	ssyncset.done $0x0  }
0x4d: {  	[sflag:s5] =	ssyncadd.s32 $0xFFFFC180  }
0x4e: {  	[spmem:s1] =	stream.indirect.scatter.add.f32 [tilespmem:s26], [sflag:$0x4], $0x80, s25, s21, $0xb8;
	[tilespmem:$0x1C400] =	vst v63  }
0x4f: {  	_ =	swait.ge [sflag:s19], $0x3E80  }
0x50: {  	[sflag:s19] =	ssyncset.done $0x0  }
0x51: {  	[sflag:s19] =	ssyncadd.s32 $0xFFFFC180  }
0x52: {  	_ =	swait.ge [sflag:s31], $0x80  }
0x53: {  	[sflag:s31] =	ssyncset.done $0x0  }
0x54: {  	[sflag:s31] =	ssyncadd.s32 $0xFFFFFF80  }
0x55: {  	_ =	swait.ge [sflag:s31], $0x80  }
0x56: {  	[sflag:s31] =	ssyncset.done $0x0  }
0x57: {  	[sflag:s31] =	ssyncadd.s32 $0xFFFFFF80  }
0x58: {  	[tilespmem:s26], [sflag:$0x2] =	stream.indirect.gather [hbm4b:s3+s21], $0x80, s0, s21, $0xb8;
	[tilespmem:$0x1C400] =	vst v63  }
0x59: {  	s13 =	sadd.s32 $0x40, s9  }
0x5a: {  	[tilespmem:s2], [sflag:$0x3] =	stream.linear.gather [hbm4b:s13+s2], $0x80, $0x38;
	[tilespmem:$0x1C400] =	vst v63  }
0x5b: {  	s14 =	sadd.s32 $0x40, s10  }
0x5c: {  	[tilespmem:s20], [sflag:$0x3] =	stream.linear.gather [hbm4b:s14+s2], $0x80, $0x38;
	[tilespmem:$0x1C400] =	vst v63  }
0x5d: {  	_ =	swait.ge [sflag:s30], $0x3E80  }
0x5e: {  	[sflag:s30] =	ssyncset.done $0x0  }
0x5f: {  	[sflag:s30] =	ssyncadd.s32 $0xFFFFC180  }
0x60: {  	[spmem:s1] =	stream.indirect.scatter.add.f32 [tilespmem:s22], [sflag:$0x4], $0x80, s29, s21, $0xb8;
	[tilespmem:$0x1C400] =	vst v63  }
0x61: {  	_ =	swait.ge [sflag:s19], $0x3E80  }
0x62: {  	[sflag:s19] =	ssyncset.done $0x0  }
0x63: {  	[sflag:s19] =	ssyncadd.s32 $0xFFFFC180  }
0x64: {  	_ =	swait.ge [sflag:s31], $0x80  }
0x65: {  	[sflag:s31] =	ssyncset.done $0x0  }
0x66: {  	[sflag:s31] =	ssyncadd.s32 $0xFFFFFF80  }
0x67: {  	_ =	swait.ge [sflag:s31], $0x80  }
0x68: {  	[sflag:s31] =	ssyncset.done $0x0  }
0x69: {  	[sflag:s31] =	ssyncadd.s32 $0xFFFFFF80  }
0x6a: {  	[tilespmem:s22], [sflag:$0x1] =	stream.indirect.gather [hbm4b:s3+s21], $0x80, s2, s21, $0xb8;
	[tilespmem:$0x1C400] =	vst v63  }
0x6b: {  	s9 =	sadd.s32 $0x50, s9  }
0x6c: {  	[tilespmem:s23], [sflag:$0x3] =	stream.linear.gather [hbm4b:s9+s2], $0x80, $0x38;
	[tilespmem:$0x1C400] =	vst v63  }
0x6d: {  	s15 =	sadd.s32 $0x50, s10  }
0x6e: {  	[tilespmem:s25], [sflag:$0x3] =	stream.linear.gather [hbm4b:s15+s2], $0x80, $0x38;
	[tilespmem:$0x1C400] =	vst v63  }
0x6f: {  	_ =	swait.ge [sflag:s5], $0x3E80  }
0x70: {  	[sflag:s5] =	ssyncset.done $0x0  }
0x71: {  	[sflag:s5] =	ssyncadd.s32 $0xFFFFC180  }
0x72: {  	[spmem:s1] =	stream.indirect.scatter.add.f32 [tilespmem:s26], [sflag:$0x4], $0x80, s4, s21, $0xb8;
	[tilespmem:$0x1C400] =	vst v63  }
0x73: {  	_ =	swait.ge [sflag:s19], $0x3E80  }
0x74: {  	[sflag:s19] =	ssyncset.done $0x0  }
0x75: {  	[sflag:s19] =	ssyncadd.s32 $0xFFFFC180  }
0x76: {  	_ =	swait.ge [sflag:s31], $0x80  }
0x77: {  	[sflag:s31] =	ssyncset.done $0x0  }
0x78: {  	[sflag:s31] =	ssyncadd.s32 $0xFFFFFF80  }
0x79: {  	_ =	swait.ge [sflag:s31], $0x80  }
0x7a: {  	s10 =	sadd.s32 $0x40, s18;
	[sflag:s31] =	ssyncset.done $0x0  }
0x7b: {  	s12 =	simm.s32 $0x80;
	s9 =	sadd.s32 $0x40, s17;
	[sflag:s31] =	ssyncadd.s32 $0xFFFFFF80  }
.LBB2_2:
0x7c: {  	[tilespmem:s26], [sflag:$0x2] =	stream.indirect.gather [hbm4b:s3+s21], $0x80, s23, s21, $0xb8;
	[tilespmem:$0x1C400] =	vst v63  }
0x7d: {  	s11 =	smov.u32 s12  }
0x7e: {  	s14 =	sadd.s32 $0x40, s12;
	s15 =	sadd.s32 $0x20, s9;
	s13 =	sadd.s32 s11, s17  }
0x7f: {  	[tilespmem:s28], [sflag:$0x3] =	stream.linear.gather [hbm4b:s15+s2], $0x80, $0x38;
	[tilespmem:$0x1C400] =	vst v63  }
0x80: {  	p0 =	sne.s32 s12, $0x480;
	s12 =	sadd.s32 $0x20, s10  }
0x81: {  	[tilespmem:s29], [sflag:$0x3] =	stream.linear.gather [hbm4b:s12+s2], $0x80, $0x38;
	[tilespmem:$0x1C400] =	vst v63  }
0x82: {  	_ =	swait.ge [sflag:s30], $0x3E80  }
0x83: {  	[sflag:s30] =	ssyncset.done $0x0  }
0x84: {  	[sflag:s30] =	ssyncadd.s32 $0xFFFFC180  }
0x85: {  	[spmem:s1] =	stream.indirect.scatter.add.f32 [tilespmem:s22], [sflag:$0x4], $0x80, s20, s21, $0xb8;
	[tilespmem:$0x1C400] =	vst v63  }
0x86: {  	_ =	swait.ge [sflag:s19], $0x3E80  }
0x87: {  	[sflag:s19] =	ssyncset.done $0x0  }
0x88: {  	[sflag:s19] =	ssyncadd.s32 $0xFFFFC180  }
0x89: {  	_ =	swait.ge [sflag:s31], $0x80  }
0x8a: {  	[sflag:s31] =	ssyncset.done $0x0  }
0x8b: {  	[sflag:s31] =	ssyncadd.s32 $0xFFFFFF80  }
0x8c: {  	_ =	swait.ge [sflag:s31], $0x80  }
0x8d: {  	[sflag:s31] =	ssyncset.done $0x0  }
0x8e: {  	[sflag:s31] =	ssyncadd.s32 $0xFFFFFF80  }
0x8f: {  	[tilespmem:s22], [sflag:$0x1] =	stream.indirect.gather [hbm4b:s3+s21], $0x80, s28, s21, $0xb8;
	[tilespmem:$0x1C400] =	vst v63  }
0x90: {  	s12 =	sadd.s32 $0x30, s9  }
0x91: {  	[tilespmem:s0], [sflag:$0x3] =	stream.linear.gather [hbm4b:s12+s2], $0x80, $0x38;
	[tilespmem:$0x1C400] =	vst v63  }
0x92: {  	s12 =	sadd.s32 $0x30, s10  }
0x93: {  	[tilespmem:s4], [sflag:$0x3] =	stream.linear.gather [hbm4b:s12+s2], $0x80, $0x38;
	[tilespmem:$0x1C400] =	vst v63  }
0x94: {  	_ =	swait.ge [sflag:s5], $0x3E80  }
0x95: {  	[sflag:s5] =	ssyncset.done $0x0  }
0x96: {  	[sflag:s5] =	ssyncadd.s32 $0xFFFFC180  }
0x97: {  	[spmem:s1] =	stream.indirect.scatter.add.f32 [tilespmem:s26], [sflag:$0x4], $0x80, s25, s21, $0xb8;
	[tilespmem:$0x1C400] =	vst v63  }
0x98: {  	_ =	swait.ge [sflag:s19], $0x3E80  }
0x99: {  	[sflag:s19] =	ssyncset.done $0x0  }
0x9a: {  	[sflag:s19] =	ssyncadd.s32 $0xFFFFC180  }
0x9b: {  	_ =	swait.ge [sflag:s31], $0x80  }
0x9c: {  	[sflag:s31] =	ssyncset.done $0x0  }
0x9d: {  	[sflag:s31] =	ssyncadd.s32 $0xFFFFFF80  }
0x9e: {  	_ =	swait.ge [sflag:s31], $0x80  }
0x9f: {  	[sflag:s31] =	ssyncset.done $0x0  }
0xa0: {  	[sflag:s31] =	ssyncadd.s32 $0xFFFFFF80  }
0xa1: {  	[tilespmem:s26], [sflag:$0x2] =	stream.indirect.gather [hbm4b:s3+s21], $0x80, s0, s21, $0xb8;
	[tilespmem:$0x1C400] =	vst v63  }
0xa2: {  	s12 =	sadd.s32 $0x40, s9  }
0xa3: {  	[tilespmem:s2], [sflag:$0x3] =	stream.linear.gather [hbm4b:s12+s2], $0x80, $0x38;
	[tilespmem:$0x1C400] =	vst v63  }
0xa4: {  	s12 =	sadd.s32 $0x40, s10  }
0xa5: {  	[tilespmem:s20], [sflag:$0x3] =	stream.linear.gather [hbm4b:s12+s2], $0x80, $0x38;
	[tilespmem:$0x1C400] =	vst v63  }
0xa6: {  	_ =	swait.ge [sflag:s30], $0x3E80  }
0xa7: {  	[sflag:s30] =	ssyncset.done $0x0  }
0xa8: {  	[sflag:s30] =	ssyncadd.s32 $0xFFFFC180  }
0xa9: {  	[spmem:s1] =	stream.indirect.scatter.add.f32 [tilespmem:s22], [sflag:$0x4], $0x80, s29, s21, $0xb8;
	[tilespmem:$0x1C400] =	vst v63  }
0xaa: {  	_ =	swait.ge [sflag:s19], $0x3E80  }
0xab: {  	[sflag:s19] =	ssyncset.done $0x0  }
0xac: {  	[sflag:s19] =	ssyncadd.s32 $0xFFFFC180  }
0xad: {  	_ =	swait.ge [sflag:s31], $0x80  }
0xae: {  	[sflag:s31] =	ssyncset.done $0x0  }
0xaf: {  	[sflag:s31] =	ssyncadd.s32 $0xFFFFFF80  }
0xb0: {  	_ =	swait.ge [sflag:s31], $0x80  }
0xb1: {  	[sflag:s31] =	ssyncset.done $0x0  }
0xb2: {  	[sflag:s31] =	ssyncadd.s32 $0xFFFFFF80  }
0xb3: {  	[tilespmem:s22], [sflag:$0x1] =	stream.indirect.gather [hbm4b:s3+s21], $0x80, s2, s21, $0xb8;
	[tilespmem:$0x1C400] =	vst v63  }
0xb4: {  	s12 =	sadd.s32 $0x50, s9;
	s9 =	smov.u32 s13  }
0xb5: {  	[tilespmem:s23], [sflag:$0x3] =	stream.linear.gather [hbm4b:s12+s2], $0x80, $0x38;
	[tilespmem:$0x1C400] =	vst v63  }
0xb6: {  	s10 =	sadd.s32 $0x50, s10  }
0xb7: {  	[tilespmem:s25], [sflag:$0x3] =	stream.linear.gather [hbm4b:s10+s2], $0x80, $0x38;
	[tilespmem:$0x1C400] =	vst v63  }
0xb8: {  	_ =	swait.ge [sflag:s5], $0x3E80  }
0xb9: {  	[sflag:s5] =	ssyncset.done $0x0  }
0xba: {  	[sflag:s5] =	ssyncadd.s32 $0xFFFFC180  }
0xbb: {  	[spmem:s1] =	stream.indirect.scatter.add.f32 [tilespmem:s26], [sflag:$0x4], $0x80, s4, s21, $0xb8;
	[tilespmem:$0x1C400] =	vst v63  }
0xbc: {  	_ =	swait.ge [sflag:s19], $0x3E80  }
0xbd: {  	[sflag:s19] =	ssyncset.done $0x0  }
0xbe: {  	[sflag:s19] =	ssyncadd.s32 $0xFFFFC180  }
0xbf: {  	_ =	swait.ge [sflag:s31], $0x80  }
.Ltmp0:
0xc0: {  	[sflag:s31] =	ssyncset.done $0x0;
	(pc) =	sbr.rel @p0 .LBB2_2-.Ltmp0, $4  }
0xc1: {  	[sflag:s31] =	ssyncadd.s32 $0xFFFFFF80  }
0xc2: {  	_ =	swait.ge [sflag:s31], $0x80  }
0xc3: {  	[sflag:s31] =	ssyncset.done $0x0  }
0xc4: {  	s12 =	smov.u32 s14;
	s10 =	sadd.s32 s11, s18;
	[sflag:s31] =	ssyncadd.s32 $0xFFFFFF80  }
0xc5: {  	[tilespmem:s26], [sflag:$0x2] =	stream.indirect.gather [hbm4b:s3+s21], $0x80, s23, s21, $0xb8;
	[tilespmem:$0x1C400] =	vst v63  }
0xc6: {  	s11 =	sadd.s32 $0x20, s9  }
0xc7: {  	[tilespmem:s28], [sflag:$0x3] =	stream.linear.gather [hbm4b:s11+s2], $0x80, $0x38;
	[tilespmem:$0x1C400] =	vst v63  }
0xc8: {  	s14 =	sadd.s32 $0x20, s10  }
0xc9: {  	[tilespmem:s29], [sflag:$0x3] =	stream.linear.gather [hbm4b:s14+s2], $0x80, $0x38;
	[tilespmem:$0x1C400] =	vst v63  }
0xca: {  	_ =	swait.ge [sflag:s30], $0x3E80  }
0xcb: {  	[sflag:s30] =	ssyncset.done $0x0  }
0xcc: {  	[sflag:s30] =	ssyncadd.s32 $0xFFFFC180  }
0xcd: {  	[spmem:s1] =	stream.indirect.scatter.add.f32 [tilespmem:s22], [sflag:$0x4], $0x80, s20, s21, $0xb8;
	[tilespmem:$0x1C400] =	vst v63  }
0xce: {  	_ =	swait.ge [sflag:s19], $0x3E80  }
0xcf: {  	[sflag:s19] =	ssyncset.done $0x0  }
0xd0: {  	[sflag:s19] =	ssyncadd.s32 $0xFFFFC180  }
0xd1: {  	_ =	swait.ge [sflag:s31], $0x80  }
0xd2: {  	[sflag:s31] =	ssyncset.done $0x0  }
0xd3: {  	[sflag:s31] =	ssyncadd.s32 $0xFFFFFF80  }
0xd4: {  	_ =	swait.ge [sflag:s31], $0x80  }
0xd5: {  	[sflag:s31] =	ssyncset.done $0x0  }
0xd6: {  	[sflag:s31] =	ssyncadd.s32 $0xFFFFFF80  }
0xd7: {  	[tilespmem:s22], [sflag:$0x1] =	stream.indirect.gather [hbm4b:s3+s21], $0x80, s28, s21, $0xb8;
	[tilespmem:$0x1C400] =	vst v63  }
0xd8: {  	s15 =	sadd.s32 $0x30, s9  }
0xd9: {  	[tilespmem:s0], [sflag:$0x3] =	stream.linear.gather [hbm4b:s15+s2], $0x80, $0x38;
	[tilespmem:$0x1C400] =	vst v63  }
0xda: {  	s12 =	sadd.s32 $0x30, s10  }
0xdb: {  	[tilespmem:s4], [sflag:$0x3] =	stream.linear.gather [hbm4b:s12+s2], $0x80, $0x38;
	[tilespmem:$0x1C400] =	vst v63  }
0xdc: {  	_ =	swait.ge [sflag:s5], $0x3E80  }
0xdd: {  	[sflag:s5] =	ssyncset.done $0x0  }
0xde: {  	[sflag:s5] =	ssyncadd.s32 $0xFFFFC180  }
0xdf: {  	[spmem:s1] =	stream.indirect.scatter.add.f32 [tilespmem:s26], [sflag:$0x4], $0x80, s25, s21, $0xb8;
	[tilespmem:$0x1C400] =	vst v63  }
0xe0: {  	_ =	swait.ge [sflag:s19], $0x3E80  }
0xe1: {  	[sflag:s19] =	ssyncset.done $0x0  }
0xe2: {  	[sflag:s19] =	ssyncadd.s32 $0xFFFFC180  }
0xe3: {  	_ =	swait.ge [sflag:s31], $0x80  }
0xe4: {  	[sflag:s31] =	ssyncset.done $0x0  }
0xe5: {  	[sflag:s31] =	ssyncadd.s32 $0xFFFFFF80  }
0xe6: {  	_ =	swait.ge [sflag:s31], $0x80  }
0xe7: {  	[sflag:s31] =	ssyncset.done $0x0  }
0xe8: {  	[sflag:s31] =	ssyncadd.s32 $0xFFFFFF80  }
0xe9: {  	[tilespmem:s26], [sflag:$0x2] =	stream.indirect.gather [hbm4b:s3+s21], $0x80, s0, s21, $0xb8;
	[tilespmem:$0x1C400] =	vst v63  }
0xea: {  	s13 =	sadd.s32 $0x40, s9  }
0xeb: {  	[tilespmem:s2], [sflag:$0x3] =	stream.linear.gather [hbm4b:s13+s2], $0x80, $0x38;
	[tilespmem:$0x1C400] =	vst v63  }
0xec: {  	s14 =	sadd.s32 $0x40, s10  }
0xed: {  	[tilespmem:s20], [sflag:$0x3] =	stream.linear.gather [hbm4b:s14+s2], $0x80, $0x38;
	[tilespmem:$0x1C400] =	vst v63  }
0xee: {  	_ =	swait.ge [sflag:s30], $0x3E80  }
0xef: {  	[sflag:s30] =	ssyncset.done $0x0  }
0xf0: {  	[sflag:s30] =	ssyncadd.s32 $0xFFFFC180  }
0xf1: {  	[spmem:s1] =	stream.indirect.scatter.add.f32 [tilespmem:s22], [sflag:$0x4], $0x80, s29, s21, $0xb8;
	[tilespmem:$0x1C400] =	vst v63  }
0xf2: {  	_ =	swait.ge [sflag:s19], $0x3E80  }
0xf3: {  	[sflag:s19] =	ssyncset.done $0x0  }
0xf4: {  	[sflag:s19] =	ssyncadd.s32 $0xFFFFC180  }
0xf5: {  	_ =	swait.ge [sflag:s31], $0x80  }
0xf6: {  	[sflag:s31] =	ssyncset.done $0x0  }
0xf7: {  	[sflag:s31] =	ssyncadd.s32 $0xFFFFFF80  }
0xf8: {  	_ =	swait.ge [sflag:s31], $0x80  }
0xf9: {  	[sflag:s31] =	ssyncset.done $0x0  }
0xfa: {  	[sflag:s31] =	ssyncadd.s32 $0xFFFFFF80  }
0xfb: {  	[tilespmem:s22], [sflag:$0x1] =	stream.indirect.gather [hbm4b:s3+s21], $0x80, s2, s21, $0xb8;
	[tilespmem:$0x1C400] =	vst v63  }
0xfc: {  	s15 =	sadd.s32 $0x50, s9  }
0xfd: {  	[tilespmem:s23], [sflag:$0x3] =	stream.linear.gather [hbm4b:s15+s2], $0x80, $0x38;
	[tilespmem:$0x1C400] =	vst v63  }
0xfe: {  	s11 =	sadd.s32 $0x50, s10  }
0xff: {  	[tilespmem:s25], [sflag:$0x3] =	stream.linear.gather [hbm4b:s11+s2], $0x80, $0x38;
	[tilespmem:$0x1C400] =	vst v63  }
0x100: {  	_ =	swait.ge [sflag:s5], $0x3E80  }
0x101: {  	[sflag:s5] =	ssyncset.done $0x0  }
0x102: {  	[sflag:s5] =	ssyncadd.s32 $0xFFFFC180  }
0x103: {  	[spmem:s1] =	stream.indirect.scatter.add.f32 [tilespmem:s26], [sflag:$0x4], $0x80, s4, s21, $0xb8;
	[tilespmem:$0x1C400] =	vst v63  }
0x104: {  	_ =	swait.ge [sflag:s19], $0x3E80  }
0x105: {  	[sflag:s19] =	ssyncset.done $0x0  }
0x106: {  	[sflag:s19] =	ssyncadd.s32 $0xFFFFC180  }
0x107: {  	_ =	swait.ge [sflag:s31], $0x80  }
0x108: {  	[sflag:s31] =	ssyncset.done $0x0  }
0x109: {  	[sflag:s31] =	ssyncadd.s32 $0xFFFFFF80  }
0x10a: {  	_ =	swait.ge [sflag:s31], $0x80  }
0x10b: {  	[sflag:s31] =	ssyncset.done $0x0  }
0x10c: {  	[sflag:s31] =	ssyncadd.s32 $0xFFFFFF80  }
0x10d: {  	[tilespmem:s26], [sflag:$0x2] =	stream.indirect.gather [hbm4b:s3+s21], $0x80, s23, s21, $0xb8;
	[tilespmem:$0x1C400] =	vst v63  }
0x10e: {  	s12 =	rddreg [dreg:$0x9]  }
0x10f: {  	[tilespmem:s28], [sflag:$0x3] =	stream.linear.gather [hbm4b:s12+s2], $0x80, $0x38;
	[tilespmem:$0x1C400] =	vst v63  }
0x110: {  	s13 =	rddreg [dreg:$0xa]  }
0x111: {  	[tilespmem:s29], [sflag:$0x3] =	stream.linear.gather [hbm4b:s13+s2], $0x80, $0x38;
	[tilespmem:$0x1C400] =	vst v63  }
0x112: {  	_ =	swait.ge [sflag:s30], $0x3E80  }
0x113: {  	[sflag:s30] =	ssyncset.done $0x0  }
0x114: {  	[sflag:s30] =	ssyncadd.s32 $0xFFFFC180  }
0x115: {  	[spmem:s1] =	stream.indirect.scatter.add.f32 [tilespmem:s22], [sflag:$0x4], $0x80, s20, s21, $0xb8;
	[tilespmem:$0x1C400] =	vst v63  }
0x116: {  	_ =	swait.ge [sflag:s19], $0x3E80  }
0x117: {  	[sflag:s19] =	ssyncset.done $0x0  }
0x118: {  	[sflag:s19] =	ssyncadd.s32 $0xFFFFC180  }
0x119: {  	_ =	swait.ge [sflag:s31], $0x80  }
0x11a: {  	[sflag:s31] =	ssyncset.done $0x0  }
0x11b: {  	[sflag:s31] =	ssyncadd.s32 $0xFFFFFF80  }
0x11c: {  	_ =	swait.ge [sflag:s31], $0x80  }
0x11d: {  	[sflag:s31] =	ssyncset.done $0x0  }
0x11e: {  	[sflag:s31] =	ssyncadd.s32 $0xFFFFFF80  }
0x11f: {  	[tilespmem:s22], [sflag:$0x1] =	stream.indirect.gather [hbm4b:s3+s21], $0x80, s28, s21, $0xb8;
	[tilespmem:$0x1C400] =	vst v63  }
0x120: {  	s14 =	rddreg [dreg:$0xb]  }
0x121: {  	[tilespmem:s0], [sflag:$0x3] =	stream.linear.gather [hbm4b:s14+s2], $0x80, $0x38;
	[tilespmem:$0x1C400] =	vst v63  }
0x122: {  	s15 =	rddreg [dreg:$0xc]  }
0x123: {  	[tilespmem:s4], [sflag:$0x3] =	stream.linear.gather [hbm4b:s15+s2], $0x80, $0x38;
	[tilespmem:$0x1C400] =	vst v63  }
0x124: {  	_ =	swait.ge [sflag:s5], $0x3E80  }
0x125: {  	[sflag:s5] =	ssyncset.done $0x0  }
0x126: {  	[sflag:s5] =	ssyncadd.s32 $0xFFFFC180  }
0x127: {  	[spmem:s1] =	stream.indirect.scatter.add.f32 [tilespmem:s26], [sflag:$0x4], $0x80, s25, s21, $0xb8;
	[tilespmem:$0x1C400] =	vst v63  }
0x128: {  	_ =	swait.ge [sflag:s19], $0x3E80  }
0x129: {  	[sflag:s19] =	ssyncset.done $0x0  }
0x12a: {  	[sflag:s19] =	ssyncadd.s32 $0xFFFFC180  }
0x12b: {  	_ =	swait.ge [sflag:s31], $0x80  }
0x12c: {  	[sflag:s31] =	ssyncset.done $0x0  }
0x12d: {  	[sflag:s31] =	ssyncadd.s32 $0xFFFFFF80  }
0x12e: {  	_ =	swait.ge [sflag:s31], $0x80  }
0x12f: {  	[sflag:s31] =	ssyncset.done $0x0  }
0x130: {  	[sflag:s31] =	ssyncadd.s32 $0xFFFFFF80  }
0x131: {  	[tilespmem:s26], [sflag:$0x2] =	stream.indirect.gather [hbm4b:s3+s21], $0x80, s0, s21, $0xb8;
	[tilespmem:$0x1C400] =	vst v63  }
0x132: {  	_ =	swait.ge [sflag:s30], $0x3E80  }
0x133: {  	[sflag:s30] =	ssyncset.done $0x0  }
0x134: {  	[sflag:s30] =	ssyncadd.s32 $0xFFFFC180  }
0x135: {  	[spmem:s1] =	stream.indirect.scatter.add.f32 [tilespmem:s22], [sflag:$0x4], $0x80, s29, s21, $0xb8;
	[tilespmem:$0x1C400] =	vst v63  }
0x136: {  	_ =	swait.ge [sflag:s19], $0x3E80  }
0x137: {  	[sflag:s19] =	ssyncset.done $0x0  }
0x138: {  	[sflag:s19] =	ssyncadd.s32 $0xFFFFC180  }
0x139: {  	_ =	swait.ge [sflag:s5], $0x3E80  }
0x13a: {  	[sflag:s5] =	ssyncset.done $0x0  }
0x13b: {  	[sflag:s5] =	ssyncadd.s32 $0xFFFFC180  }
0x13c: {  	[spmem:s1] =	stream.indirect.scatter.add.f32 [tilespmem:s26], [sflag:$0x4], $0x80, s4, s21, $0xb8;
	[tilespmem:$0x1C400] =	vst v63  }
0x13d: {  	_ =	swait.ge [sflag:s19], $0x3E80  }
0x13e: {  	s6 =	sadd.s32 $0x1, s6;
	[sflag:s19] =	ssyncset.done $0x0  }
0x13f: {  	p0 =	sne.s32 s6, s16;
	[sflag:s19] =	ssyncadd.s32 $0xFFFFC180  }
.Ltmp1:
0x140: {  	[bflag:$0x0] =	sbarrier.arrive $0xFFFF;
	(pc) =	sbr.rel @p0 .LBB2_1-.Ltmp1, $4  }
0x141: {  	[hbm:s24], [sflag:s7] =	dma.local [spmem:s8], $0x2800  }
0x142: {  	_ =	swait.ge [sflag:s19], $0x2800  }
0x143: {  	[sflag:s19] =	ssyncset.done $0x0  }
0x144: {  	[sflag:s19] =	ssyncadd.s32 $0xFFFFD800  }
0x145: {  	_ =	sfence.sel $0x180000  }
0x146: {  	[bflag:$0x0] =	sbarrier.arrive $0xFFFF  }
0x147: {  	_ =	strace $0x9000004A  }
0x148: {  	s0 =	stileid.u32;
	[bflag:$0x2] =	sbarrier.arrive $0xFFFF  }
0x149: {  	p0 =	sne.s32 s0, $0x0;
	s0 =	rddreg [dreg:$0x2]  }
0x14a: {  	s0 =	sadd.s32 @!p0 $0x100000, s0  }
0x14b: {  	[sflag:s0] =	ssyncadd.tile.s32 @!p0 $0x1;
	_ =	shalt  }
.Lfunc_end2:
_tile_overlayer_lowered:
.L_overlay_start_2:
0x14c: {  	(tag) =	ssettag $0x2  }
0x14d: {  	s0 =	rddreg [dreg:$0x0];
	s2 =	stileid.u32  }
0x14e: {  	s1 =	rddreg [dreg:$0x1];
	p0 =	sne.s32 s2, $0x0  }
0x14f: {  	s3 =	rddreg [dreg:$0x2];
	[bflag:$0x3] =	sbarrier.arrive $0xFFFF;
	s2 =	simm.s32 @!p0 $0x1C04  }
0x150: {  	[timem:s3], [sflag:s2] =	dma.local @!p0 [hbm:s0], s1  }
0x151: {  	s0 =	simm.s32 @!p0 $0x4  }
0x152: {  	_ =	swait.ge @!p0 [sflag:s0], s1  }
0x153: {  	s1 =	ssub.s32 @!p0 $0x0, s1;
	[sflag:s0] =	ssyncset.done @!p0 $0x0  }
0x154: {  	[sflag:s0] =	ssyncadd.s32 @!p0 s1  }
0x155: {  	[bflag:$0x3] =	sbarrier.arrive $0xFFFF  }
0x156: {  	_ =	shalt  }

</sc_bundles>
